<compile_context>
chip_gen: v7x
topology: tpu7x:2x2x1
jax: 0.10.2.dev20260603
libtpu: 0.0.44.dev20260713+nightly
codegen_flags: <defaults>
</compile_context>

<pallas_src>
import functools

import jax
import jax.numpy as jnp
from jax import lax
from jax.experimental import pallas as pl
from jax.experimental.pallas import tpu as pltpu
from jax.experimental.pallas import tpu_sc as plsc

B = 1024
L = 50
BL = B * L
G = 10
D = 32

NC = 2
NS = 16
NW = NC * NS
LANES = 16

POS_PER_W = BL // NW
CHUNK = 160
NCHUNK = POS_PER_W // CHUNK
STREAM = 100
NGRP = CHUNK * G // STREAM
ROWS = CHUNK * G

_mesh = plsc.VectorSubcoreMesh(
    core_axis_name="c", subcore_axis_name="s", num_cores=NC, num_subcores=NS
)


@functools.partial(
    pl.kernel,
    out_type=jax.ShapeDtypeStruct((BL * G, D), jnp.float32),
    mesh=_mesh,
    compiler_params=pltpu.CompilerParams(
        use_tc_tiling_on_sc=False, needs_layout_passes=False),
    scratch_types=[
        pltpu.VMEM((NGRP, STREAM), jnp.int32),
        pltpu.VMEM((NGRP, STREAM), jnp.int32),
        pltpu.VMEM((CHUNK,), jnp.float32),
        pltpu.VMEM((CHUNK,), jnp.float32),
        pltpu.VMEM((ROWS, D), jnp.float32),
        pltpu.VMEM((ROWS, D), jnp.float32),
        pltpu.SemaphoreType.DMA,
        pltpu.SemaphoreType.DMA,
        pltpu.SemaphoreType.DMA,
        pltpu.SemaphoreType.DMA,
    ],
)
def _feat_embed(sel_hbm, mask_hbm, table_hbm, out_hbm,
                idx0, idx1, mask0, mask1, rows0, rows1,
                semg0, semg1, semo0, semo1):
    idx = (idx0, idx1)
    maskv = (mask0, mask1)
    rows = (rows0, rows1)
    semg = (semg0, semg1)
    semo = (semo0, semo1)

    wid = lax.axis_index("s") * NC + lax.axis_index("c")
    wpos0 = wid * POS_PER_W

    def stage_and_fire(c, b):
        pos0 = pl.multiple_of(wpos0 + c * CHUNK, 8)
        pltpu.sync_copy(sel_hbm.at[pl.ds(pos0 * G // STREAM, NGRP)], idx[b])
        pltpu.sync_copy(mask_hbm.at[pl.ds(pos0, CHUNK)], maskv[b])
        for g in range(NGRP):
            pltpu.async_copy(
                table_hbm.at[idx[b].at[g]],
                rows[b].at[pl.ds(g * STREAM, STREAM)],
                semg[b])

    def wait_gathers(b):
        for g in range(NGRP):
            pltpu.make_async_copy(
                table_hbm.at[idx[b].at[g]],
                rows[b].at[pl.ds(g * STREAM, STREAM)],
                semg[b]).wait()

    def out_slice(c):
        row0 = pl.multiple_of((wpos0 + c * CHUNK) * G, 8)
        return out_hbm.at[pl.ds(row0, ROWS)]

    def drain_out(c, b):
        pltpu.make_async_copy(rows[b], out_slice(c), semo[b]).wait()

    stage_and_fire(0, 0)

    def pair_body(cc, carry):
        for b in (0, 1):
            c = cc * 2 + b

            @pl.when(c + 1 < NCHUNK)
            def _fire_next():
                @pl.when(c >= 1)
                def _drain_prev():
                    drain_out(c - 1, 1 - b)
                stage_and_fire(c + 1, 1 - b)

            wait_gathers(b)

            def pos_body(p, carry2):
                m = plsc.load_gather(maskv[b], [lax.broadcast(p, (LANES,))])
                for r in range(G):
                    row = p * G + r
                    for h in (0, LANES):
                        rows[b][row, pl.ds(h, LANES)] = (
                            rows[b][row, pl.ds(h, LANES)] * m)
                return carry2
            lax.fori_loop(0, CHUNK, pos_body, 0, unroll=False)

            pltpu.async_copy(rows[b], out_slice(c), semo[b])
        return carry

    lax.fori_loop(0, NCHUNK // 2, pair_body, 0, unroll=False)
    drain_out(NCHUNK - 2, 0)
    drain_out(NCHUNK - 1, 1)


def kernel(feat_matrix, padding, embed_table):
    sel = feat_matrix[:, :, :G].reshape(BL * G // STREAM, STREAM)
    sel = sel.astype(jnp.int32)
    maskf = 1.0 - padding.reshape(-1).astype(jnp.float32)
    out = _feat_embed(sel, maskf, embed_table)
    return out.reshape(B, L, G * D)

# --- scband reference (transcript-rebuilt; emitter-appended) ---
"""Pipeline reference for scband-feat-embedding-14585708937222 (READ-ONLY COPY).

The authoritative reference and input builder live on the scoring server;
editing this copy changes nothing except your own understanding.
"""

import jax, jax.numpy as jnp
import numpy as np

# c_idx: indices of the 10 effective feature groups selected from the 26 total groups
# (mirrors get_effective_c_idx(emb_groups) which resolves group chars to Category indices).
C_IDX = jnp.arange(10)

BATCH = 1024
LENGTH = 50
N_GROUPS_TOTAL = 26
NUM_FEATURES = 100000
DIM = 32


def setup_inputs(seed: int = 0) -> dict:
    key = jax.random.key(seed)
    k1, k2, k3 = jax.random.split(key, 3)
    feat_matrix = jax.random.randint(k1, (BATCH, LENGTH, N_GROUPS_TOTAL), 0, NUM_FEATURES)
    padding = jax.random.randint(k2, (BATCH, LENGTH), 0, 2).astype(bool)
    embed_table = jax.random.normal(k3, (NUM_FEATURES, DIM), dtype=jnp.float32)
    return {"feat_matrix": feat_matrix, "padding": padding, "embed_table": embed_table}


def reference(feat_matrix, padding, embed_table):
    # adv_index: select effective feature groups along the feat_group axis
    sel = jnp.take(feat_matrix, C_IDX, axis=2)            # [B, L, G]
    # embed: lookup each selected feature id in the embedding table
    feat_emb = jnp.take(embed_table, sel, axis=0)          # [B, L, G, D]
    B, L, G, D = feat_emb.shape
    # flatten (feat_group, feat_emb) -> char_emb
    feat_emb = feat_emb.reshape(B, L, G * D)               # [B, L, G*D]
    # zero out padded positions (feat_emb[padding] = 0.0)
    feat_emb = jnp.where(padding[:, :, None], 0.0, feat_emb)
    return feat_emb

if __name__ == "__main__":
    import jax
    _d = setup_inputs()
    print(jax.jit(kernel)(*tuple(_d.values())))

</pallas_src>

<mosaic_0001>
#map = affine_map<(d0, d1) -> (0, 0)>
#map1 = affine_map<(d0, d1) -> (0)>
module attributes {stable_mosaic.version = 14 : i64} {
  func.func @_feat_embed(%arg0: i32, %arg1: i32, %arg2: memref<5120x100xi32, #tpu.memory_space<hbm>>, %arg3: memref<51200xf32, #tpu.memory_space<hbm>>, %arg4: memref<100000x32xf32, #tpu.memory_space<hbm>>, %arg5: memref<512000x32xf32, #tpu.memory_space<hbm>>, %arg6: memref<16x100xi32, #tpu.memory_space<vmem>>, %arg7: memref<16x100xi32, #tpu.memory_space<vmem>>, %arg8: memref<160xf32, #tpu.memory_space<vmem>>, %arg9: memref<160xf32, #tpu.memory_space<vmem>>, %arg10: memref<1600x32xf32, #tpu.memory_space<vmem>>, %arg11: memref<1600x32xf32, #tpu.memory_space<vmem>>, %arg12: memref<!tpu.dma_semaphore, #tpu.memory_space<semaphore_mem>>, %arg13: memref<!tpu.dma_semaphore, #tpu.memory_space<semaphore_mem>>, %arg14: memref<!tpu.dma_semaphore, #tpu.memory_space<semaphore_mem>>, %arg15: memref<!tpu.dma_semaphore, #tpu.memory_space<semaphore_mem>>) attributes {dimension_semantics = [#tpu.dimension_semantics<core_parallel>, #tpu.dimension_semantics<subcore_parallel>], iteration_bounds = array<i64: 2, 16>, scalar_prefetch = 0 : i64, scratch_operands = 10 : i64, tpu.core_type = #tpu.core_type<sc_vector_subcore>, window_params = [{transform_indices = #map}, {transform_indices = #map1}, {transform_indices = #map}, {transform_indices = #map}]} {
    %mul3A = arith.constant 2 : i32
    %mul3A_0 = arith.muli %arg1, %mul3A : i32
    %add3A = arith.addi %mul3A_0, %arg0 : i32
    %mul3A_1 = arith.constant 1600 : i32
    %mul3A_2 = arith.muli %add3A, %mul3A_1 : i32
    %add3A_3 = arith.constant 0 : i32
    %add3A_4 = arith.addi %mul3A_2, %add3A_3 : i32
    %multiple_of3A = tpu.assume_multiple %add3A_4, 8 : i32
    %mul3A_5 = arith.constant 10 : i32
    %mul3A_6 = arith.muli %multiple_of3A, %mul3A_5 : i32
    %jit3A = arith.constant 100 : i32
    %div3A = arith.divsi %mul3A_6, %jit3A : i32
    %sign3A = arith.constant 0 : i32
    %sign3A_7 = arith.cmpi sgt, %mul3A_6, %sign3A : i32
    %sign3A_8 = arith.extui %sign3A_7 : i1 to i32
    %sign3A_9 = arith.constant 0 : i32
    %sign3A_10 = arith.cmpi slt, %mul3A_6, %sign3A_9 : i32
    %sign3A_11 = arith.extui %sign3A_10 : i1 to i32
    %sign3A_12 = arith.subi %sign3A_8, %sign3A_11 : i32
    %sign3A_13 = arith.constant 0 : i32
    %sign3A_14 = arith.cmpi sgt, %jit3A, %sign3A_13 : i32
    %sign3A_15 = arith.extui %sign3A_14 : i1 to i32
    %sign3A_16 = arith.constant 0 : i32
    %sign3A_17 = arith.cmpi slt, %jit3A, %sign3A_16 : i32
    %sign3A_18 = arith.extui %sign3A_17 : i1 to i32
    %sign3A_19 = arith.subi %sign3A_15, %sign3A_18 : i32
    %ne3A = arith.cmpi ne, %sign3A_12, %sign3A_19 : i32
    %rem3A = arith.remsi %mul3A_6, %jit3A : i32
    %ne3A_20 = arith.constant 0 : i32
    %ne3A_21 = arith.cmpi ne, %rem3A, %ne3A_20 : i32
    %and3A = arith.andi %ne3A, %ne3A_21 : i1
    %sub3A = arith.constant 1 : i32
    %sub3A_22 = arith.subi %div3A, %sub3A : i32
    %select_n3A = arith.select %and3A, %sub3A_22, %div3A : i32
    "tpu.region"() ({
      %run_scoped3A = tpu.sem_alloc : memref<!tpu.dma_semaphore, #tpu.memory_space<semaphore_mem>>
      %dma_start3A_204 = arith.constant 0 : i32
      %dma_start3A_205 = tpu.memref_slice %arg2[%select_n3A, %dma_start3A_204] : memref<5120x100xi32, #tpu.memory_space<hbm>> -> memref<16x100xi32, #tpu.memory_space<hbm>>
      %dma_start3A_206 = arith.constant 0 : i32
      %dma_start3A_207 = tpu.memref_slice %arg2[%select_n3A, %dma_start3A_206] : memref<5120x100xi32, #tpu.memory_space<hbm>> -> memref<16x100xi32, #tpu.memory_space<hbm>>
      tpu.enqueue_dma source(%dma_start3A_207 : memref<16x100xi32, #tpu.memory_space<hbm>>) target(%arg6 : memref<16x100xi32, #tpu.memory_space<vmem>>) target_semaphore(%run_scoped3A : memref<!tpu.dma_semaphore, #tpu.memory_space<semaphore_mem>>)
      %dma_wait3A_208 = arith.constant 0 : i32
      %dma_wait3A_209 = tpu.memref_slice %arg2[%select_n3A, %dma_wait3A_208] : memref<5120x100xi32, #tpu.memory_space<hbm>> -> memref<16x100xi32, #tpu.memory_space<hbm>>
      %dma_wait3A_210 = arith.constant 0 : i32
      %dma_wait3A_211 = tpu.memref_slice %arg2[%select_n3A, %dma_wait3A_210] : memref<5120x100xi32, #tpu.memory_space<hbm>> -> memref<16x100xi32, #tpu.memory_space<hbm>>
      tpu.wait_dma2 semaphore(%run_scoped3A : memref<!tpu.dma_semaphore, #tpu.memory_space<semaphore_mem>>) src(%dma_wait3A_211 : memref<16x100xi32, #tpu.memory_space<hbm>>) dst(%arg6 : memref<16x100xi32, #tpu.memory_space<vmem>>)
      tpu.yield
    }) : () -> ()
    "tpu.region"() ({
      %run_scoped3A = tpu.sem_alloc : memref<!tpu.dma_semaphore, #tpu.memory_space<semaphore_mem>>
      %dma_start3A_204 = tpu.memref_slice %arg3[%multiple_of3A] : memref<51200xf32, #tpu.memory_space<hbm>> -> memref<160xf32, #tpu.memory_space<hbm>>
      %dma_start3A_205 = tpu.memref_slice %arg3[%multiple_of3A] : memref<51200xf32, #tpu.memory_space<hbm>> -> memref<160xf32, #tpu.memory_space<hbm>>
      tpu.enqueue_dma source(%dma_start3A_205 : memref<160xf32, #tpu.memory_space<hbm>>) target(%arg8 : memref<160xf32, #tpu.memory_space<vmem>>) target_semaphore(%run_scoped3A : memref<!tpu.dma_semaphore, #tpu.memory_space<semaphore_mem>>)
      %dma_wait3A_206 = tpu.memref_slice %arg3[%multiple_of3A] : memref<51200xf32, #tpu.memory_space<hbm>> -> memref<160xf32, #tpu.memory_space<hbm>>
      %dma_wait3A_207 = tpu.memref_slice %arg3[%multiple_of3A] : memref<51200xf32, #tpu.memory_space<hbm>> -> memref<160xf32, #tpu.memory_space<hbm>>
      tpu.wait_dma2 semaphore(%run_scoped3A : memref<!tpu.dma_semaphore, #tpu.memory_space<semaphore_mem>>) src(%dma_wait3A_207 : memref<160xf32, #tpu.memory_space<hbm>>) dst(%arg8 : memref<160xf32, #tpu.memory_space<vmem>>)
      tpu.yield
    }) : () -> ()
    %dma_start3A = arith.constant 0 : i32
    %dma_start3A_23 = arith.constant 0 : i32
    %dma_start3A_24 = arith.constant 0 : i32
    %dma_start3A_25 = tpu.memref_slice %arg10[%dma_start3A_23, %dma_start3A_24] : memref<1600x32xf32, #tpu.memory_space<vmem>> -> memref<100x32xf32, #tpu.memory_space<vmem>>
    %dma_start3A_26 = arith.constant 0 : i32
    %dma_start3A_27 = tpu.memref_slice %arg6[%dma_start3A, %dma_start3A_26] : memref<16x100xi32, #tpu.memory_space<vmem>> -> memref<1x100xi32, #tpu.memory_space<vmem>>
    %dma_start3A_28 = tpu.memref_squeeze %dma_start3A_27 : memref<1x100xi32, #tpu.memory_space<vmem>> -> memref<100xi32, #tpu.memory_space<vmem>>
    %dma_start3A_29 = arith.constant 0 : i32
    %dma_start3A_30 = arith.constant 0 : i32
    %dma_start3A_31 = tpu.memref_slice %arg4[%dma_start3A_29, %dma_start3A_30] : memref<100000x32xf32, #tpu.memory_space<hbm>> -> memref<100000x32xf32, #tpu.memory_space<hbm>>
    tpu.enqueue_indirect_dma source(%dma_start3A_31 : memref<100000x32xf32, #tpu.memory_space<hbm>>) target(%dma_start3A_25 : memref<100x32xf32, #tpu.memory_space<vmem>>) offsets(%dma_start3A_28 : memref<100xi32, #tpu.memory_space<vmem>>) semaphore(%arg12 : memref<!tpu.dma_semaphore, #tpu.memory_space<semaphore_mem>>)
    %dma_start3A_32 = arith.constant 1 : i32
    %dma_start3A_33 = arith.constant 100 : i32
    %dma_start3A_34 = arith.constant 0 : i32
    %dma_start3A_35 = tpu.memref_slice %arg10[%dma_start3A_33, %dma_start3A_34] : memref<1600x32xf32, #tpu.memory_space<vmem>> -> memref<100x32xf32, #tpu.memory_space<vmem>>
    %dma_start3A_36 = arith.constant 0 : i32
    %dma_start3A_37 = tpu.memref_slice %arg6[%dma_start3A_32, %dma_start3A_36] : memref<16x100xi32, #tpu.memory_space<vmem>> -> memref<1x100xi32, #tpu.memory_space<vmem>>
    %dma_start3A_38 = tpu.memref_squeeze %dma_start3A_37 : memref<1x100xi32, #tpu.memory_space<vmem>> -> memref<100xi32, #tpu.memory_space<vmem>>
    %dma_start3A_39 = arith.constant 0 : i32
    %dma_start3A_40 = arith.constant 0 : i32
    %dma_start3A_41 = tpu.memref_slice %arg4[%dma_start3A_39, %dma_start3A_40] : memref<100000x32xf32, #tpu.memory_space<hbm>> -> memref<100000x32xf32, #tpu.memory_space<hbm>>
    tpu.enqueue_indirect_dma source(%dma_start3A_41 : memref<100000x32xf32, #tpu.memory_space<hbm>>) target(%dma_start3A_35 : memref<100x32xf32, #tpu.memory_space<vmem>>) offsets(%dma_start3A_38 : memref<100xi32, #tpu.memory_space<vmem>>) semaphore(%arg12 : memref<!tpu.dma_semaphore, #tpu.memory_space<semaphore_mem>>)
    %dma_start3A_42 = arith.constant 2 : i32
    %dma_start3A_43 = arith.constant 200 : i32
    %dma_start3A_44 = arith.constant 0 : i32
    %dma_start3A_45 = tpu.memref_slice %arg10[%dma_start3A_43, %dma_start3A_44] : memref<1600x32xf32, #tpu.memory_space<vmem>> -> memref<100x32xf32, #tpu.memory_space<vmem>>
    %dma_start3A_46 = arith.constant 0 : i32
    %dma_start3A_47 = tpu.memref_slice %arg6[%dma_start3A_42, %dma_start3A_46] : memref<16x100xi32, #tpu.memory_space<vmem>> -> memref<1x100xi32, #tpu.memory_space<vmem>>
    %dma_start3A_48 = tpu.memref_squeeze %dma_start3A_47 : memref<1x100xi32, #tpu.memory_space<vmem>> -> memref<100xi32, #tpu.memory_space<vmem>>
    %dma_start3A_49 = arith.constant 0 : i32
    %dma_start3A_50 = arith.constant 0 : i32
    %dma_start3A_51 = tpu.memref_slice %arg4[%dma_start3A_49, %dma_start3A_50] : memref<100000x32xf32, #tpu.memory_space<hbm>> -> memref<100000x32xf32, #tpu.memory_space<hbm>>
    tpu.enqueue_indirect_dma source(%dma_start3A_51 : memref<100000x32xf32, #tpu.memory_space<hbm>>) target(%dma_start3A_45 : memref<100x32xf32, #tpu.memory_space<vmem>>) offsets(%dma_start3A_48 : memref<100xi32, #tpu.memory_space<vmem>>) semaphore(%arg12 : memref<!tpu.dma_semaphore, #tpu.memory_space<semaphore_mem>>)
    %dma_start3A_52 = arith.constant 3 : i32
    %dma_start3A_53 = arith.constant 300 : i32
    %dma_start3A_54 = arith.constant 0 : i32
    %dma_start3A_55 = tpu.memref_slice %arg10[%dma_start3A_53, %dma_start3A_54] : memref<1600x32xf32, #tpu.memory_space<vmem>> -> memref<100x32xf32, #tpu.memory_space<vmem>>
    %dma_start3A_56 = arith.constant 0 : i32
    %dma_start3A_57 = tpu.memref_slice %arg6[%dma_start3A_52, %dma_start3A_56] : memref<16x100xi32, #tpu.memory_space<vmem>> -> memref<1x100xi32, #tpu.memory_space<vmem>>
    %dma_start3A_58 = tpu.memref_squeeze %dma_start3A_57 : memref<1x100xi32, #tpu.memory_space<vmem>> -> memref<100xi32, #tpu.memory_space<vmem>>
    %dma_start3A_59 = arith.constant 0 : i32
    %dma_start3A_60 = arith.constant 0 : i32
    %dma_start3A_61 = tpu.memref_slice %arg4[%dma_start3A_59, %dma_start3A_60] : memref<100000x32xf32, #tpu.memory_space<hbm>> -> memref<100000x32xf32, #tpu.memory_space<hbm>>
    tpu.enqueue_indirect_dma source(%dma_start3A_61 : memref<100000x32xf32, #tpu.memory_space<hbm>>) target(%dma_start3A_55 : memref<100x32xf32, #tpu.memory_space<vmem>>) offsets(%dma_start3A_58 : memref<100xi32, #tpu.memory_space<vmem>>) semaphore(%arg12 : memref<!tpu.dma_semaphore, #tpu.memory_space<semaphore_mem>>)
    %dma_start3A_62 = arith.constant 4 : i32
    %dma_start3A_63 = arith.constant 400 : i32
    %dma_start3A_64 = arith.constant 0 : i32
    %dma_start3A_65 = tpu.memref_slice %arg10[%dma_start3A_63, %dma_start3A_64] : memref<1600x32xf32, #tpu.memory_space<vmem>> -> memref<100x32xf32, #tpu.memory_space<vmem>>
    %dma_start3A_66 = arith.constant 0 : i32
    %dma_start3A_67 = tpu.memref_slice %arg6[%dma_start3A_62, %dma_start3A_66] : memref<16x100xi32, #tpu.memory_space<vmem>> -> memref<1x100xi32, #tpu.memory_space<vmem>>
    %dma_start3A_68 = tpu.memref_squeeze %dma_start3A_67 : memref<1x100xi32, #tpu.memory_space<vmem>> -> memref<100xi32, #tpu.memory_space<vmem>>
    %dma_start3A_69 = arith.constant 0 : i32
    %dma_start3A_70 = arith.constant 0 : i32
    %dma_start3A_71 = tpu.memref_slice %arg4[%dma_start3A_69, %dma_start3A_70] : memref<100000x32xf32, #tpu.memory_space<hbm>> -> memref<100000x32xf32, #tpu.memory_space<hbm>>
    tpu.enqueue_indirect_dma source(%dma_start3A_71 : memref<100000x32xf32, #tpu.memory_space<hbm>>) target(%dma_start3A_65 : memref<100x32xf32, #tpu.memory_space<vmem>>) offsets(%dma_start3A_68 : memref<100xi32, #tpu.memory_space<vmem>>) semaphore(%arg12 : memref<!tpu.dma_semaphore, #tpu.memory_space<semaphore_mem>>)
    %dma_start3A_72 = arith.constant 5 : i32
    %dma_start3A_73 = arith.constant 500 : i32
    %dma_start3A_74 = arith.constant 0 : i32
    %dma_start3A_75 = tpu.memref_slice %arg10[%dma_start3A_73, %dma_start3A_74] : memref<1600x32xf32, #tpu.memory_space<vmem>> -> memref<100x32xf32, #tpu.memory_space<vmem>>
    %dma_start3A_76 = arith.constant 0 : i32
    %dma_start3A_77 = tpu.memref_slice %arg6[%dma_start3A_72, %dma_start3A_76] : memref<16x100xi32, #tpu.memory_space<vmem>> -> memref<1x100xi32, #tpu.memory_space<vmem>>
    %dma_start3A_78 = tpu.memref_squeeze %dma_start3A_77 : memref<1x100xi32, #tpu.memory_space<vmem>> -> memref<100xi32, #tpu.memory_space<vmem>>
    %dma_start3A_79 = arith.constant 0 : i32
    %dma_start3A_80 = arith.constant 0 : i32
    %dma_start3A_81 = tpu.memref_slice %arg4[%dma_start3A_79, %dma_start3A_80] : memref<100000x32xf32, #tpu.memory_space<hbm>> -> memref<100000x32xf32, #tpu.memory_space<hbm>>
    tpu.enqueue_indirect_dma source(%dma_start3A_81 : memref<100000x32xf32, #tpu.memory_space<hbm>>) target(%dma_start3A_75 : memref<100x32xf32, #tpu.memory_space<vmem>>) offsets(%dma_start3A_78 : memref<100xi32, #tpu.memory_space<vmem>>) semaphore(%arg12 : memref<!tpu.dma_semaphore, #tpu.memory_space<semaphore_mem>>)
    %dma_start3A_82 = arith.constant 6 : i32
    %dma_start3A_83 = arith.constant 600 : i32
    %dma_start3A_84 = arith.constant 0 : i32
    %dma_start3A_85 = tpu.memref_slice %arg10[%dma_start3A_83, %dma_start3A_84] : memref<1600x32xf32, #tpu.memory_space<vmem>> -> memref<100x32xf32, #tpu.memory_space<vmem>>
    %dma_start3A_86 = arith.constant 0 : i32
    %dma_start3A_87 = tpu.memref_slice %arg6[%dma_start3A_82, %dma_start3A_86] : memref<16x100xi32, #tpu.memory_space<vmem>> -> memref<1x100xi32, #tpu.memory_space<vmem>>
    %dma_start3A_88 = tpu.memref_squeeze %dma_start3A_87 : memref<1x100xi32, #tpu.memory_space<vmem>> -> memref<100xi32, #tpu.memory_space<vmem>>
    %dma_start3A_89 = arith.constant 0 : i32
    %dma_start3A_90 = arith.constant 0 : i32
    %dma_start3A_91 = tpu.memref_slice %arg4[%dma_start3A_89, %dma_start3A_90] : memref<100000x32xf32, #tpu.memory_space<hbm>> -> memref<100000x32xf32, #tpu.memory_space<hbm>>
    tpu.enqueue_indirect_dma source(%dma_start3A_91 : memref<100000x32xf32, #tpu.memory_space<hbm>>) target(%dma_start3A_85 : memref<100x32xf32, #tpu.memory_space<vmem>>) offsets(%dma_start3A_88 : memref<100xi32, #tpu.memory_space<vmem>>) semaphore(%arg12 : memref<!tpu.dma_semaphore, #tpu.memory_space<semaphore_mem>>)
    %dma_start3A_92 = arith.constant 7 : i32
    %dma_start3A_93 = arith.constant 700 : i32
    %dma_start3A_94 = arith.constant 0 : i32
    %dma_start3A_95 = tpu.memref_slice %arg10[%dma_start3A_93, %dma_start3A_94] : memref<1600x32xf32, #tpu.memory_space<vmem>> -> memref<100x32xf32, #tpu.memory_space<vmem>>
    %dma_start3A_96 = arith.constant 0 : i32
    %dma_start3A_97 = tpu.memref_slice %arg6[%dma_start3A_92, %dma_start3A_96] : memref<16x100xi32, #tpu.memory_space<vmem>> -> memref<1x100xi32, #tpu.memory_space<vmem>>
    %dma_start3A_98 = tpu.memref_squeeze %dma_start3A_97 : memref<1x100xi32, #tpu.memory_space<vmem>> -> memref<100xi32, #tpu.memory_space<vmem>>
    %dma_start3A_99 = arith.constant 0 : i32
    %dma_start3A_100 = arith.constant 0 : i32
    %dma_start3A_101 = tpu.memref_slice %arg4[%dma_start3A_99, %dma_start3A_100] : memref<100000x32xf32, #tpu.memory_space<hbm>> -> memref<100000x32xf32, #tpu.memory_space<hbm>>
    tpu.enqueue_indirect_dma source(%dma_start3A_101 : memref<100000x32xf32, #tpu.memory_space<hbm>>) target(%dma_start3A_95 : memref<100x32xf32, #tpu.memory_space<vmem>>) offsets(%dma_start3A_98 : memref<100xi32, #tpu.memory_space<vmem>>) semaphore(%arg12 : memref<!tpu.dma_semaphore, #tpu.memory_space<semaphore_mem>>)
    %dma_start3A_102 = arith.constant 8 : i32
    %dma_start3A_103 = arith.constant 800 : i32
    %dma_start3A_104 = arith.constant 0 : i32
    %dma_start3A_105 = tpu.memref_slice %arg10[%dma_start3A_103, %dma_start3A_104] : memref<1600x32xf32, #tpu.memory_space<vmem>> -> memref<100x32xf32, #tpu.memory_space<vmem>>
    %dma_start3A_106 = arith.constant 0 : i32
    %dma_start3A_107 = tpu.memref_slice %arg6[%dma_start3A_102, %dma_start3A_106] : memref<16x100xi32, #tpu.memory_space<vmem>> -> memref<1x100xi32, #tpu.memory_space<vmem>>
    %dma_start3A_108 = tpu.memref_squeeze %dma_start3A_107 : memref<1x100xi32, #tpu.memory_space<vmem>> -> memref<100xi32, #tpu.memory_space<vmem>>
    %dma_start3A_109 = arith.constant 0 : i32
    %dma_start3A_110 = arith.constant 0 : i32
    %dma_start3A_111 = tpu.memref_slice %arg4[%dma_start3A_109, %dma_start3A_110] : memref<100000x32xf32, #tpu.memory_space<hbm>> -> memref<100000x32xf32, #tpu.memory_space<hbm>>
    tpu.enqueue_indirect_dma source(%dma_start3A_111 : memref<100000x32xf32, #tpu.memory_space<hbm>>) target(%dma_start3A_105 : memref<100x32xf32, #tpu.memory_space<vmem>>) offsets(%dma_start3A_108 : memref<100xi32, #tpu.memory_space<vmem>>) semaphore(%arg12 : memref<!tpu.dma_semaphore, #tpu.memory_space<semaphore_mem>>)
    %dma_start3A_112 = arith.constant 9 : i32
    %dma_start3A_113 = arith.constant 900 : i32
    %dma_start3A_114 = arith.constant 0 : i32
    %dma_start3A_115 = tpu.memref_slice %arg10[%dma_start3A_113, %dma_start3A_114] : memref<1600x32xf32, #tpu.memory_space<vmem>> -> memref<100x32xf32, #tpu.memory_space<vmem>>
    %dma_start3A_116 = arith.constant 0 : i32
    %dma_start3A_117 = tpu.memref_slice %arg6[%dma_start3A_112, %dma_start3A_116] : memref<16x100xi32, #tpu.memory_space<vmem>> -> memref<1x100xi32, #tpu.memory_space<vmem>>
    %dma_start3A_118 = tpu.memref_squeeze %dma_start3A_117 : memref<1x100xi32, #tpu.memory_space<vmem>> -> memref<100xi32, #tpu.memory_space<vmem>>
    %dma_start3A_119 = arith.constant 0 : i32
    %dma_start3A_120 = arith.constant 0 : i32
    %dma_start3A_121 = tpu.memref_slice %arg4[%dma_start3A_119, %dma_start3A_120] : memref<100000x32xf32, #tpu.memory_space<hbm>> -> memref<100000x32xf32, #tpu.memory_space<hbm>>
    tpu.enqueue_indirect_dma source(%dma_start3A_121 : memref<100000x32xf32, #tpu.memory_space<hbm>>) target(%dma_start3A_115 : memref<100x32xf32, #tpu.memory_space<vmem>>) offsets(%dma_start3A_118 : memref<100xi32, #tpu.memory_space<vmem>>) semaphore(%arg12 : memref<!tpu.dma_semaphore, #tpu.memory_space<semaphore_mem>>)
    %dma_start3A_122 = arith.constant 10 : i32
    %dma_start3A_123 = arith.constant 1000 : i32
    %dma_start3A_124 = arith.constant 0 : i32
    %dma_start3A_125 = tpu.memref_slice %arg10[%dma_start3A_123, %dma_start3A_124] : memref<1600x32xf32, #tpu.memory_space<vmem>> -> memref<100x32xf32, #tpu.memory_space<vmem>>
    %dma_start3A_126 = arith.constant 0 : i32
    %dma_start3A_127 = tpu.memref_slice %arg6[%dma_start3A_122, %dma_start3A_126] : memref<16x100xi32, #tpu.memory_space<vmem>> -> memref<1x100xi32, #tpu.memory_space<vmem>>
    %dma_start3A_128 = tpu.memref_squeeze %dma_start3A_127 : memref<1x100xi32, #tpu.memory_space<vmem>> -> memref<100xi32, #tpu.memory_space<vmem>>
    %dma_start3A_129 = arith.constant 0 : i32
    %dma_start3A_130 = arith.constant 0 : i32
    %dma_start3A_131 = tpu.memref_slice %arg4[%dma_start3A_129, %dma_start3A_130] : memref<100000x32xf32, #tpu.memory_space<hbm>> -> memref<100000x32xf32, #tpu.memory_space<hbm>>
    tpu.enqueue_indirect_dma source(%dma_start3A_131 : memref<100000x32xf32, #tpu.memory_space<hbm>>) target(%dma_start3A_125 : memref<100x32xf32, #tpu.memory_space<vmem>>) offsets(%dma_start3A_128 : memref<100xi32, #tpu.memory_space<vmem>>) semaphore(%arg12 : memref<!tpu.dma_semaphore, #tpu.memory_space<semaphore_mem>>)
    %dma_start3A_132 = arith.constant 11 : i32
    %dma_start3A_133 = arith.constant 1100 : i32
    %dma_start3A_134 = arith.constant 0 : i32
    %dma_start3A_135 = tpu.memref_slice %arg10[%dma_start3A_133, %dma_start3A_134] : memref<1600x32xf32, #tpu.memory_space<vmem>> -> memref<100x32xf32, #tpu.memory_space<vmem>>
    %dma_start3A_136 = arith.constant 0 : i32
    %dma_start3A_137 = tpu.memref_slice %arg6[%dma_start3A_132, %dma_start3A_136] : memref<16x100xi32, #tpu.memory_space<vmem>> -> memref<1x100xi32, #tpu.memory_space<vmem>>
    %dma_start3A_138 = tpu.memref_squeeze %dma_start3A_137 : memref<1x100xi32, #tpu.memory_space<vmem>> -> memref<100xi32, #tpu.memory_space<vmem>>
    %dma_start3A_139 = arith.constant 0 : i32
    %dma_start3A_140 = arith.constant 0 : i32
    %dma_start3A_141 = tpu.memref_slice %arg4[%dma_start3A_139, %dma_start3A_140] : memref<100000x32xf32, #tpu.memory_space<hbm>> -> memref<100000x32xf32, #tpu.memory_space<hbm>>
    tpu.enqueue_indirect_dma source(%dma_start3A_141 : memref<100000x32xf32, #tpu.memory_space<hbm>>) target(%dma_start3A_135 : memref<100x32xf32, #tpu.memory_space<vmem>>) offsets(%dma_start3A_138 : memref<100xi32, #tpu.memory_space<vmem>>) semaphore(%arg12 : memref<!tpu.dma_semaphore, #tpu.memory_space<semaphore_mem>>)
    %dma_start3A_142 = arith.constant 12 : i32
    %dma_start3A_143 = arith.constant 1200 : i32
    %dma_start3A_144 = arith.constant 0 : i32
    %dma_start3A_145 = tpu.memref_slice %arg10[%dma_start3A_143, %dma_start3A_144] : memref<1600x32xf32, #tpu.memory_space<vmem>> -> memref<100x32xf32, #tpu.memory_space<vmem>>
    %dma_start3A_146 = arith.constant 0 : i32
    %dma_start3A_147 = tpu.memref_slice %arg6[%dma_start3A_142, %dma_start3A_146] : memref<16x100xi32, #tpu.memory_space<vmem>> -> memref<1x100xi32, #tpu.memory_space<vmem>>
    %dma_start3A_148 = tpu.memref_squeeze %dma_start3A_147 : memref<1x100xi32, #tpu.memory_space<vmem>> -> memref<100xi32, #tpu.memory_space<vmem>>
    %dma_start3A_149 = arith.constant 0 : i32
    %dma_start3A_150 = arith.constant 0 : i32
    %dma_start3A_151 = tpu.memref_slice %arg4[%dma_start3A_149, %dma_start3A_150] : memref<100000x32xf32, #tpu.memory_space<hbm>> -> memref<100000x32xf32, #tpu.memory_space<hbm>>
    tpu.enqueue_indirect_dma source(%dma_start3A_151 : memref<100000x32xf32, #tpu.memory_space<hbm>>) target(%dma_start3A_145 : memref<100x32xf32, #tpu.memory_space<vmem>>) offsets(%dma_start3A_148 : memref<100xi32, #tpu.memory_space<vmem>>) semaphore(%arg12 : memref<!tpu.dma_semaphore, #tpu.memory_space<semaphore_mem>>)
    %dma_start3A_152 = arith.constant 13 : i32
    %dma_start3A_153 = arith.constant 1300 : i32
    %dma_start3A_154 = arith.constant 0 : i32
    %dma_start3A_155 = tpu.memref_slice %arg10[%dma_start3A_153, %dma_start3A_154] : memref<1600x32xf32, #tpu.memory_space<vmem>> -> memref<100x32xf32, #tpu.memory_space<vmem>>
    %dma_start3A_156 = arith.constant 0 : i32
    %dma_start3A_157 = tpu.memref_slice %arg6[%dma_start3A_152, %dma_start3A_156] : memref<16x100xi32, #tpu.memory_space<vmem>> -> memref<1x100xi32, #tpu.memory_space<vmem>>
    %dma_start3A_158 = tpu.memref_squeeze %dma_start3A_157 : memref<1x100xi32, #tpu.memory_space<vmem>> -> memref<100xi32, #tpu.memory_space<vmem>>
    %dma_start3A_159 = arith.constant 0 : i32
    %dma_start3A_160 = arith.constant 0 : i32
    %dma_start3A_161 = tpu.memref_slice %arg4[%dma_start3A_159, %dma_start3A_160] : memref<100000x32xf32, #tpu.memory_space<hbm>> -> memref<100000x32xf32, #tpu.memory_space<hbm>>
    tpu.enqueue_indirect_dma source(%dma_start3A_161 : memref<100000x32xf32, #tpu.memory_space<hbm>>) target(%dma_start3A_155 : memref<100x32xf32, #tpu.memory_space<vmem>>) offsets(%dma_start3A_158 : memref<100xi32, #tpu.memory_space<vmem>>) semaphore(%arg12 : memref<!tpu.dma_semaphore, #tpu.memory_space<semaphore_mem>>)
    %dma_start3A_162 = arith.constant 14 : i32
    %dma_start3A_163 = arith.constant 1400 : i32
    %dma_start3A_164 = arith.constant 0 : i32
    %dma_start3A_165 = tpu.memref_slice %arg10[%dma_start3A_163, %dma_start3A_164] : memref<1600x32xf32, #tpu.memory_space<vmem>> -> memref<100x32xf32, #tpu.memory_space<vmem>>
    %dma_start3A_166 = arith.constant 0 : i32
    %dma_start3A_167 = tpu.memref_slice %arg6[%dma_start3A_162, %dma_start3A_166] : memref<16x100xi32, #tpu.memory_space<vmem>> -> memref<1x100xi32, #tpu.memory_space<vmem>>
    %dma_start3A_168 = tpu.memref_squeeze %dma_start3A_167 : memref<1x100xi32, #tpu.memory_space<vmem>> -> memref<100xi32, #tpu.memory_space<vmem>>
    %dma_start3A_169 = arith.constant 0 : i32
    %dma_start3A_170 = arith.constant 0 : i32
    %dma_start3A_171 = tpu.memref_slice %arg4[%dma_start3A_169, %dma_start3A_170] : memref<100000x32xf32, #tpu.memory_space<hbm>> -> memref<100000x32xf32, #tpu.memory_space<hbm>>
    tpu.enqueue_indirect_dma source(%dma_start3A_171 : memref<100000x32xf32, #tpu.memory_space<hbm>>) target(%dma_start3A_165 : memref<100x32xf32, #tpu.memory_space<vmem>>) offsets(%dma_start3A_168 : memref<100xi32, #tpu.memory_space<vmem>>) semaphore(%arg12 : memref<!tpu.dma_semaphore, #tpu.memory_space<semaphore_mem>>)
    %dma_start3A_172 = arith.constant 15 : i32
    %dma_start3A_173 = arith.constant 1500 : i32
    %dma_start3A_174 = arith.constant 0 : i32
    %dma_start3A_175 = tpu.memref_slice %arg10[%dma_start3A_173, %dma_start3A_174] : memref<1600x32xf32, #tpu.memory_space<vmem>> -> memref<100x32xf32, #tpu.memory_space<vmem>>
    %dma_start3A_176 = arith.constant 0 : i32
    %dma_start3A_177 = tpu.memref_slice %arg6[%dma_start3A_172, %dma_start3A_176] : memref<16x100xi32, #tpu.memory_space<vmem>> -> memref<1x100xi32, #tpu.memory_space<vmem>>
    %dma_start3A_178 = tpu.memref_squeeze %dma_start3A_177 : memref<1x100xi32, #tpu.memory_space<vmem>> -> memref<100xi32, #tpu.memory_space<vmem>>
    %dma_start3A_179 = arith.constant 0 : i32
    %dma_start3A_180 = arith.constant 0 : i32
    %dma_start3A_181 = tpu.memref_slice %arg4[%dma_start3A_179, %dma_start3A_180] : memref<100000x32xf32, #tpu.memory_space<hbm>> -> memref<100000x32xf32, #tpu.memory_space<hbm>>
    tpu.enqueue_indirect_dma source(%dma_start3A_181 : memref<100000x32xf32, #tpu.memory_space<hbm>>) target(%dma_start3A_175 : memref<100x32xf32, #tpu.memory_space<vmem>>) offsets(%dma_start3A_178 : memref<100xi32, #tpu.memory_space<vmem>>) semaphore(%arg12 : memref<!tpu.dma_semaphore, #tpu.memory_space<semaphore_mem>>)
    %scan3A = arith.constant 0 : i32
    %scan3A_182 = arith.constant 0 : i32
    %scan3A_183 = arith.constant 5 : i32
    %scan3A_184 = arith.addi %scan3A_182, %scan3A_183 : i32
    %scan3A_185 = arith.constant 1 : i32
    scf.for %scan3A_204 = %scan3A_182 to %scan3A_184 step %scan3A_185  : i32 {
      %mul3A_205 = arith.constant 2 : i32
      %mul3A_206 = arith.muli %scan3A_204, %mul3A_205 : i32
      %add3A_207 = arith.constant 0 : i32
      %add3A_208 = arith.addi %mul3A_206, %add3A_207 : i32
      %add3A_209 = arith.constant 1 : i32
      %add3A_210 = arith.addi %add3A_208, %add3A_209 : i32
      %lt3A = arith.constant 10 : i32
      %lt3A_211 = arith.cmpi slt, %add3A_210, %lt3A : i32
      %convert_element_type3A = arith.extui %lt3A_211 : i1 to i32
      %cond3A = arith.constant 0 : i32
      %cond3A_212 = arith.cmpi ne, %convert_element_type3A, %cond3A : i32
      scf.if %cond3A_212 {
        %ge3A = arith.constant 1 : i32
        %ge3A_576 = arith.cmpi sge, %add3A_208, %ge3A : i32
        %convert_element_type3A_577 = arith.extui %ge3A_576 : i1 to i32
        %cond3A_578 = arith.constant 0 : i32
        %cond3A_579 = arith.cmpi ne, %convert_element_type3A_577, %cond3A_578 : i32
        scf.if %cond3A_579 {
          %sub3A_772 = arith.constant 1 : i32
          %sub3A_773 = arith.subi %add3A_208, %sub3A_772 : i32
          %mul3A_774 = arith.constant 160 : i32
          %mul3A_775 = arith.muli %sub3A_773, %mul3A_774 : i32
          %add3A_776 = arith.addi %mul3A_2, %mul3A_775 : i32
          %mul3A_777 = arith.constant 10 : i32
          %mul3A_778 = arith.muli %add3A_776, %mul3A_777 : i32
          %multiple_of3A_779 = tpu.assume_multiple %mul3A_778, 8 : i32
          %dma_wait3A_780 = arith.constant 0 : i32
          %dma_wait3A_781 = tpu.memref_slice %arg5[%multiple_of3A_779, %dma_wait3A_780] : memref<512000x32xf32, #tpu.memory_space<hbm>> -> memref<1600x32xf32, #tpu.memory_space<hbm>>
          %dma_wait3A_782 = arith.constant 0 : i32
          %dma_wait3A_783 = tpu.memref_slice %arg5[%multiple_of3A_779, %dma_wait3A_782] : memref<512000x32xf32, #tpu.memory_space<hbm>> -> memref<1600x32xf32, #tpu.memory_space<hbm>>
          tpu.wait_dma2 semaphore(%arg15 : memref<!tpu.dma_semaphore, #tpu.memory_space<semaphore_mem>>) src(%arg11 : memref<1600x32xf32, #tpu.memory_space<vmem>>) dst(%dma_wait3A_783 : memref<1600x32xf32, #tpu.memory_space<hbm>>)
        } else {
        }
        %add3A_580 = arith.constant 1 : i32
        %add3A_581 = arith.addi %add3A_208, %add3A_580 : i32
        %mul3A_582 = arith.constant 160 : i32
        %mul3A_583 = arith.muli %add3A_581, %mul3A_582 : i32
        %add3A_584 = arith.addi %mul3A_2, %mul3A_583 : i32
        %multiple_of3A_585 = tpu.assume_multiple %add3A_584, 8 : i32
        %mul3A_586 = arith.constant 10 : i32
        %mul3A_587 = arith.muli %multiple_of3A_585, %mul3A_586 : i32
        %jit3A_588 = arith.constant 100 : i32
        %div3A_589 = arith.divsi %mul3A_587, %jit3A_588 : i32
        %sign3A_590 = arith.constant 0 : i32
        %sign3A_591 = arith.cmpi sgt, %mul3A_587, %sign3A_590 : i32
        %sign3A_592 = arith.extui %sign3A_591 : i1 to i32
        %sign3A_593 = arith.constant 0 : i32
        %sign3A_594 = arith.cmpi slt, %mul3A_587, %sign3A_593 : i32
        %sign3A_595 = arith.extui %sign3A_594 : i1 to i32
        %sign3A_596 = arith.subi %sign3A_592, %sign3A_595 : i32
        %sign3A_597 = arith.constant 0 : i32
        %sign3A_598 = arith.cmpi sgt, %jit3A_588, %sign3A_597 : i32
        %sign3A_599 = arith.extui %sign3A_598 : i1 to i32
        %sign3A_600 = arith.constant 0 : i32
        %sign3A_601 = arith.cmpi slt, %jit3A_588, %sign3A_600 : i32
        %sign3A_602 = arith.extui %sign3A_601 : i1 to i32
        %sign3A_603 = arith.subi %sign3A_599, %sign3A_602 : i32
        %ne3A_604 = arith.cmpi ne, %sign3A_596, %sign3A_603 : i32
        %rem3A_605 = arith.remsi %mul3A_587, %jit3A_588 : i32
        %ne3A_606 = arith.constant 0 : i32
        %ne3A_607 = arith.cmpi ne, %rem3A_605, %ne3A_606 : i32
        %and3A_608 = arith.andi %ne3A_604, %ne3A_607 : i1
        %sub3A_609 = arith.constant 1 : i32
        %sub3A_610 = arith.subi %div3A_589, %sub3A_609 : i32
        %select_n3A_611 = arith.select %and3A_608, %sub3A_610, %div3A_589 : i32
        "tpu.region"() ({
          %run_scoped3A = tpu.sem_alloc : memref<!tpu.dma_semaphore, #tpu.memory_space<semaphore_mem>>
          %dma_start3A_772 = arith.constant 0 : i32
          %dma_start3A_773 = tpu.memref_slice %arg2[%select_n3A_611, %dma_start3A_772] : memref<5120x100xi32, #tpu.memory_space<hbm>> -> memref<16x100xi32, #tpu.memory_space<hbm>>
          %dma_start3A_774 = arith.constant 0 : i32
          %dma_start3A_775 = tpu.memref_slice %arg2[%select_n3A_611, %dma_start3A_774] : memref<5120x100xi32, #tpu.memory_space<hbm>> -> memref<16x100xi32, #tpu.memory_space<hbm>>
          tpu.enqueue_dma source(%dma_start3A_775 : memref<16x100xi32, #tpu.memory_space<hbm>>) target(%arg7 : memref<16x100xi32, #tpu.memory_space<vmem>>) target_semaphore(%run_scoped3A : memref<!tpu.dma_semaphore, #tpu.memory_space<semaphore_mem>>)
          %dma_wait3A_776 = arith.constant 0 : i32
          %dma_wait3A_777 = tpu.memref_slice %arg2[%select_n3A_611, %dma_wait3A_776] : memref<5120x100xi32, #tpu.memory_space<hbm>> -> memref<16x100xi32, #tpu.memory_space<hbm>>
          %dma_wait3A_778 = arith.constant 0 : i32
          %dma_wait3A_779 = tpu.memref_slice %arg2[%select_n3A_611, %dma_wait3A_778] : memref<5120x100xi32, #tpu.memory_space<hbm>> -> memref<16x100xi32, #tpu.memory_space<hbm>>
          tpu.wait_dma2 semaphore(%run_scoped3A : memref<!tpu.dma_semaphore, #tpu.memory_space<semaphore_mem>>) src(%dma_wait3A_779 : memref<16x100xi32, #tpu.memory_space<hbm>>) dst(%arg7 : memref<16x100xi32, #tpu.memory_space<vmem>>)
          tpu.yield
        }) : () -> ()
        "tpu.region"() ({
          %run_scoped3A = tpu.sem_alloc : memref<!tpu.dma_semaphore, #tpu.memory_space<semaphore_mem>>
          %dma_start3A_772 = tpu.memref_slice %arg3[%multiple_of3A_585] : memref<51200xf32, #tpu.memory_space<hbm>> -> memref<160xf32, #tpu.memory_space<hbm>>
          %dma_start3A_773 = tpu.memref_slice %arg3[%multiple_of3A_585] : memref<51200xf32, #tpu.memory_space<hbm>> -> memref<160xf32, #tpu.memory_space<hbm>>
          tpu.enqueue_dma source(%dma_start3A_773 : memref<160xf32, #tpu.memory_space<hbm>>) target(%arg9 : memref<160xf32, #tpu.memory_space<vmem>>) target_semaphore(%run_scoped3A : memref<!tpu.dma_semaphore, #tpu.memory_space<semaphore_mem>>)
          %dma_wait3A_774 = tpu.memref_slice %arg3[%multiple_of3A_585] : memref<51200xf32, #tpu.memory_space<hbm>> -> memref<160xf32, #tpu.memory_space<hbm>>
          %dma_wait3A_775 = tpu.memref_slice %arg3[%multiple_of3A_585] : memref<51200xf32, #tpu.memory_space<hbm>> -> memref<160xf32, #tpu.memory_space<hbm>>
          tpu.wait_dma2 semaphore(%run_scoped3A : memref<!tpu.dma_semaphore, #tpu.memory_space<semaphore_mem>>) src(%dma_wait3A_775 : memref<160xf32, #tpu.memory_space<hbm>>) dst(%arg9 : memref<160xf32, #tpu.memory_space<vmem>>)
          tpu.yield
        }) : () -> ()
        %dma_start3A_612 = arith.constant 0 : i32
        %dma_start3A_613 = arith.constant 0 : i32
        %dma_start3A_614 = arith.constant 0 : i32
        %dma_start3A_615 = tpu.memref_slice %arg11[%dma_start3A_613, %dma_start3A_614] : memref<1600x32xf32, #tpu.memory_space<vmem>> -> memref<100x32xf32, #tpu.memory_space<vmem>>
        %dma_start3A_616 = arith.constant 0 : i32
        %dma_start3A_617 = tpu.memref_slice %arg7[%dma_start3A_612, %dma_start3A_616] : memref<16x100xi32, #tpu.memory_space<vmem>> -> memref<1x100xi32, #tpu.memory_space<vmem>>
        %dma_start3A_618 = tpu.memref_squeeze %dma_start3A_617 : memref<1x100xi32, #tpu.memory_space<vmem>> -> memref<100xi32, #tpu.memory_space<vmem>>
        %dma_start3A_619 = arith.constant 0 : i32
        %dma_start3A_620 = arith.constant 0 : i32
        %dma_start3A_621 = tpu.memref_slice %arg4[%dma_start3A_619, %dma_start3A_620] : memref<100000x32xf32, #tpu.memory_space<hbm>> -> memref<100000x32xf32, #tpu.memory_space<hbm>>
        tpu.enqueue_indirect_dma source(%dma_start3A_621 : memref<100000x32xf32, #tpu.memory_space<hbm>>) target(%dma_start3A_615 : memref<100x32xf32, #tpu.memory_space<vmem>>) offsets(%dma_start3A_618 : memref<100xi32, #tpu.memory_space<vmem>>) semaphore(%arg13 : memref<!tpu.dma_semaphore, #tpu.memory_space<semaphore_mem>>)
        %dma_start3A_622 = arith.constant 1 : i32
        %dma_start3A_623 = arith.constant 100 : i32
        %dma_start3A_624 = arith.constant 0 : i32
        %dma_start3A_625 = tpu.memref_slice %arg11[%dma_start3A_623, %dma_start3A_624] : memref<1600x32xf32, #tpu.memory_space<vmem>> -> memref<100x32xf32, #tpu.memory_space<vmem>>
        %dma_start3A_626 = arith.constant 0 : i32
        %dma_start3A_627 = tpu.memref_slice %arg7[%dma_start3A_622, %dma_start3A_626] : memref<16x100xi32, #tpu.memory_space<vmem>> -> memref<1x100xi32, #tpu.memory_space<vmem>>
        %dma_start3A_628 = tpu.memref_squeeze %dma_start3A_627 : memref<1x100xi32, #tpu.memory_space<vmem>> -> memref<100xi32, #tpu.memory_space<vmem>>
        %dma_start3A_629 = arith.constant 0 : i32
        %dma_start3A_630 = arith.constant 0 : i32
        %dma_start3A_631 = tpu.memref_slice %arg4[%dma_start3A_629, %dma_start3A_630] : memref<100000x32xf32, #tpu.memory_space<hbm>> -> memref<100000x32xf32, #tpu.memory_space<hbm>>
        tpu.enqueue_indirect_dma source(%dma_start3A_631 : memref<100000x32xf32, #tpu.memory_space<hbm>>) target(%dma_start3A_625 : memref<100x32xf32, #tpu.memory_space<vmem>>) offsets(%dma_start3A_628 : memref<100xi32, #tpu.memory_space<vmem>>) semaphore(%arg13 : memref<!tpu.dma_semaphore, #tpu.memory_space<semaphore_mem>>)
        %dma_start3A_632 = arith.constant 2 : i32
        %dma_start3A_633 = arith.constant 200 : i32
        %dma_start3A_634 = arith.constant 0 : i32
        %dma_start3A_635 = tpu.memref_slice %arg11[%dma_start3A_633, %dma_start3A_634] : memref<1600x32xf32, #tpu.memory_space<vmem>> -> memref<100x32xf32, #tpu.memory_space<vmem>>
        %dma_start3A_636 = arith.constant 0 : i32
        %dma_start3A_637 = tpu.memref_slice %arg7[%dma_start3A_632, %dma_start3A_636] : memref<16x100xi32, #tpu.memory_space<vmem>> -> memref<1x100xi32, #tpu.memory_space<vmem>>
        %dma_start3A_638 = tpu.memref_squeeze %dma_start3A_637 : memref<1x100xi32, #tpu.memory_space<vmem>> -> memref<100xi32, #tpu.memory_space<vmem>>
        %dma_start3A_639 = arith.constant 0 : i32
        %dma_start3A_640 = arith.constant 0 : i32
        %dma_start3A_641 = tpu.memref_slice %arg4[%dma_start3A_639, %dma_start3A_640] : memref<100000x32xf32, #tpu.memory_space<hbm>> -> memref<100000x32xf32, #tpu.memory_space<hbm>>
        tpu.enqueue_indirect_dma source(%dma_start3A_641 : memref<100000x32xf32, #tpu.memory_space<hbm>>) target(%dma_start3A_635 : memref<100x32xf32, #tpu.memory_space<vmem>>) offsets(%dma_start3A_638 : memref<100xi32, #tpu.memory_space<vmem>>) semaphore(%arg13 : memref<!tpu.dma_semaphore, #tpu.memory_space<semaphore_mem>>)
        %dma_start3A_642 = arith.constant 3 : i32
        %dma_start3A_643 = arith.constant 300 : i32
        %dma_start3A_644 = arith.constant 0 : i32
        %dma_start3A_645 = tpu.memref_slice %arg11[%dma_start3A_643, %dma_start3A_644] : memref<1600x32xf32, #tpu.memory_space<vmem>> -> memref<100x32xf32, #tpu.memory_space<vmem>>
        %dma_start3A_646 = arith.constant 0 : i32
        %dma_start3A_647 = tpu.memref_slice %arg7[%dma_start3A_642, %dma_start3A_646] : memref<16x100xi32, #tpu.memory_space<vmem>> -> memref<1x100xi32, #tpu.memory_space<vmem>>
        %dma_start3A_648 = tpu.memref_squeeze %dma_start3A_647 : memref<1x100xi32, #tpu.memory_space<vmem>> -> memref<100xi32, #tpu.memory_space<vmem>>
        %dma_start3A_649 = arith.constant 0 : i32
        %dma_start3A_650 = arith.constant 0 : i32
        %dma_start3A_651 = tpu.memref_slice %arg4[%dma_start3A_649, %dma_start3A_650] : memref<100000x32xf32, #tpu.memory_space<hbm>> -> memref<100000x32xf32, #tpu.memory_space<hbm>>
        tpu.enqueue_indirect_dma source(%dma_start3A_651 : memref<100000x32xf32, #tpu.memory_space<hbm>>) target(%dma_start3A_645 : memref<100x32xf32, #tpu.memory_space<vmem>>) offsets(%dma_start3A_648 : memref<100xi32, #tpu.memory_space<vmem>>) semaphore(%arg13 : memref<!tpu.dma_semaphore, #tpu.memory_space<semaphore_mem>>)
        %dma_start3A_652 = arith.constant 4 : i32
        %dma_start3A_653 = arith.constant 400 : i32
        %dma_start3A_654 = arith.constant 0 : i32
        %dma_start3A_655 = tpu.memref_slice %arg11[%dma_start3A_653, %dma_start3A_654] : memref<1600x32xf32, #tpu.memory_space<vmem>> -> memref<100x32xf32, #tpu.memory_space<vmem>>
        %dma_start3A_656 = arith.constant 0 : i32
        %dma_start3A_657 = tpu.memref_slice %arg7[%dma_start3A_652, %dma_start3A_656] : memref<16x100xi32, #tpu.memory_space<vmem>> -> memref<1x100xi32, #tpu.memory_space<vmem>>
        %dma_start3A_658 = tpu.memref_squeeze %dma_start3A_657 : memref<1x100xi32, #tpu.memory_space<vmem>> -> memref<100xi32, #tpu.memory_space<vmem>>
        %dma_start3A_659 = arith.constant 0 : i32
        %dma_start3A_660 = arith.constant 0 : i32
        %dma_start3A_661 = tpu.memref_slice %arg4[%dma_start3A_659, %dma_start3A_660] : memref<100000x32xf32, #tpu.memory_space<hbm>> -> memref<100000x32xf32, #tpu.memory_space<hbm>>
        tpu.enqueue_indirect_dma source(%dma_start3A_661 : memref<100000x32xf32, #tpu.memory_space<hbm>>) target(%dma_start3A_655 : memref<100x32xf32, #tpu.memory_space<vmem>>) offsets(%dma_start3A_658 : memref<100xi32, #tpu.memory_space<vmem>>) semaphore(%arg13 : memref<!tpu.dma_semaphore, #tpu.memory_space<semaphore_mem>>)
        %dma_start3A_662 = arith.constant 5 : i32
        %dma_start3A_663 = arith.constant 500 : i32
        %dma_start3A_664 = arith.constant 0 : i32
        %dma_start3A_665 = tpu.memref_slice %arg11[%dma_start3A_663, %dma_start3A_664] : memref<1600x32xf32, #tpu.memory_space<vmem>> -> memref<100x32xf32, #tpu.memory_space<vmem>>
        %dma_start3A_666 = arith.constant 0 : i32
        %dma_start3A_667 = tpu.memref_slice %arg7[%dma_start3A_662, %dma_start3A_666] : memref<16x100xi32, #tpu.memory_space<vmem>> -> memref<1x100xi32, #tpu.memory_space<vmem>>
        %dma_start3A_668 = tpu.memref_squeeze %dma_start3A_667 : memref<1x100xi32, #tpu.memory_space<vmem>> -> memref<100xi32, #tpu.memory_space<vmem>>
        %dma_start3A_669 = arith.constant 0 : i32
        %dma_start3A_670 = arith.constant 0 : i32
        %dma_start3A_671 = tpu.memref_slice %arg4[%dma_start3A_669, %dma_start3A_670] : memref<100000x32xf32, #tpu.memory_space<hbm>> -> memref<100000x32xf32, #tpu.memory_space<hbm>>
        tpu.enqueue_indirect_dma source(%dma_start3A_671 : memref<100000x32xf32, #tpu.memory_space<hbm>>) target(%dma_start3A_665 : memref<100x32xf32, #tpu.memory_space<vmem>>) offsets(%dma_start3A_668 : memref<100xi32, #tpu.memory_space<vmem>>) semaphore(%arg13 : memref<!tpu.dma_semaphore, #tpu.memory_space<semaphore_mem>>)
        %dma_start3A_672 = arith.constant 6 : i32
        %dma_start3A_673 = arith.constant 600 : i32
        %dma_start3A_674 = arith.constant 0 : i32
        %dma_start3A_675 = tpu.memref_slice %arg11[%dma_start3A_673, %dma_start3A_674] : memref<1600x32xf32, #tpu.memory_space<vmem>> -> memref<100x32xf32, #tpu.memory_space<vmem>>
        %dma_start3A_676 = arith.constant 0 : i32
        %dma_start3A_677 = tpu.memref_slice %arg7[%dma_start3A_672, %dma_start3A_676] : memref<16x100xi32, #tpu.memory_space<vmem>> -> memref<1x100xi32, #tpu.memory_space<vmem>>
        %dma_start3A_678 = tpu.memref_squeeze %dma_start3A_677 : memref<1x100xi32, #tpu.memory_space<vmem>> -> memref<100xi32, #tpu.memory_space<vmem>>
        %dma_start3A_679 = arith.constant 0 : i32
        %dma_start3A_680 = arith.constant 0 : i32
        %dma_start3A_681 = tpu.memref_slice %arg4[%dma_start3A_679, %dma_start3A_680] : memref<100000x32xf32, #tpu.memory_space<hbm>> -> memref<100000x32xf32, #tpu.memory_space<hbm>>
        tpu.enqueue_indirect_dma source(%dma_start3A_681 : memref<100000x32xf32, #tpu.memory_space<hbm>>) target(%dma_start3A_675 : memref<100x32xf32, #tpu.memory_space<vmem>>) offsets(%dma_start3A_678 : memref<100xi32, #tpu.memory_space<vmem>>) semaphore(%arg13 : memref<!tpu.dma_semaphore, #tpu.memory_space<semaphore_mem>>)
        %dma_start3A_682 = arith.constant 7 : i32
        %dma_start3A_683 = arith.constant 700 : i32
        %dma_start3A_684 = arith.constant 0 : i32
        %dma_start3A_685 = tpu.memref_slice %arg11[%dma_start3A_683, %dma_start3A_684] : memref<1600x32xf32, #tpu.memory_space<vmem>> -> memref<100x32xf32, #tpu.memory_space<vmem>>
        %dma_start3A_686 = arith.constant 0 : i32
        %dma_start3A_687 = tpu.memref_slice %arg7[%dma_start3A_682, %dma_start3A_686] : memref<16x100xi32, #tpu.memory_space<vmem>> -> memref<1x100xi32, #tpu.memory_space<vmem>>
        %dma_start3A_688 = tpu.memref_squeeze %dma_start3A_687 : memref<1x100xi32, #tpu.memory_space<vmem>> -> memref<100xi32, #tpu.memory_space<vmem>>
        %dma_start3A_689 = arith.constant 0 : i32
        %dma_start3A_690 = arith.constant 0 : i32
        %dma_start3A_691 = tpu.memref_slice %arg4[%dma_start3A_689, %dma_start3A_690] : memref<100000x32xf32, #tpu.memory_space<hbm>> -> memref<100000x32xf32, #tpu.memory_space<hbm>>
        tpu.enqueue_indirect_dma source(%dma_start3A_691 : memref<100000x32xf32, #tpu.memory_space<hbm>>) target(%dma_start3A_685 : memref<100x32xf32, #tpu.memory_space<vmem>>) offsets(%dma_start3A_688 : memref<100xi32, #tpu.memory_space<vmem>>) semaphore(%arg13 : memref<!tpu.dma_semaphore, #tpu.memory_space<semaphore_mem>>)
        %dma_start3A_692 = arith.constant 8 : i32
        %dma_start3A_693 = arith.constant 800 : i32
        %dma_start3A_694 = arith.constant 0 : i32
        %dma_start3A_695 = tpu.memref_slice %arg11[%dma_start3A_693, %dma_start3A_694] : memref<1600x32xf32, #tpu.memory_space<vmem>> -> memref<100x32xf32, #tpu.memory_space<vmem>>
        %dma_start3A_696 = arith.constant 0 : i32
        %dma_start3A_697 = tpu.memref_slice %arg7[%dma_start3A_692, %dma_start3A_696] : memref<16x100xi32, #tpu.memory_space<vmem>> -> memref<1x100xi32, #tpu.memory_space<vmem>>
        %dma_start3A_698 = tpu.memref_squeeze %dma_start3A_697 : memref<1x100xi32, #tpu.memory_space<vmem>> -> memref<100xi32, #tpu.memory_space<vmem>>
        %dma_start3A_699 = arith.constant 0 : i32
        %dma_start3A_700 = arith.constant 0 : i32
        %dma_start3A_701 = tpu.memref_slice %arg4[%dma_start3A_699, %dma_start3A_700] : memref<100000x32xf32, #tpu.memory_space<hbm>> -> memref<100000x32xf32, #tpu.memory_space<hbm>>
        tpu.enqueue_indirect_dma source(%dma_start3A_701 : memref<100000x32xf32, #tpu.memory_space<hbm>>) target(%dma_start3A_695 : memref<100x32xf32, #tpu.memory_space<vmem>>) offsets(%dma_start3A_698 : memref<100xi32, #tpu.memory_space<vmem>>) semaphore(%arg13 : memref<!tpu.dma_semaphore, #tpu.memory_space<semaphore_mem>>)
        %dma_start3A_702 = arith.constant 9 : i32
        %dma_start3A_703 = arith.constant 900 : i32
        %dma_start3A_704 = arith.constant 0 : i32
        %dma_start3A_705 = tpu.memref_slice %arg11[%dma_start3A_703, %dma_start3A_704] : memref<1600x32xf32, #tpu.memory_space<vmem>> -> memref<100x32xf32, #tpu.memory_space<vmem>>
        %dma_start3A_706 = arith.constant 0 : i32
        %dma_start3A_707 = tpu.memref_slice %arg7[%dma_start3A_702, %dma_start3A_706] : memref<16x100xi32, #tpu.memory_space<vmem>> -> memref<1x100xi32, #tpu.memory_space<vmem>>
        %dma_start3A_708 = tpu.memref_squeeze %dma_start3A_707 : memref<1x100xi32, #tpu.memory_space<vmem>> -> memref<100xi32, #tpu.memory_space<vmem>>
        %dma_start3A_709 = arith.constant 0 : i32
        %dma_start3A_710 = arith.constant 0 : i32
        %dma_start3A_711 = tpu.memref_slice %arg4[%dma_start3A_709, %dma_start3A_710] : memref<100000x32xf32, #tpu.memory_space<hbm>> -> memref<100000x32xf32, #tpu.memory_space<hbm>>
        tpu.enqueue_indirect_dma source(%dma_start3A_711 : memref<100000x32xf32, #tpu.memory_space<hbm>>) target(%dma_start3A_705 : memref<100x32xf32, #tpu.memory_space<vmem>>) offsets(%dma_start3A_708 : memref<100xi32, #tpu.memory_space<vmem>>) semaphore(%arg13 : memref<!tpu.dma_semaphore, #tpu.memory_space<semaphore_mem>>)
        %dma_start3A_712 = arith.constant 10 : i32
        %dma_start3A_713 = arith.constant 1000 : i32
        %dma_start3A_714 = arith.constant 0 : i32
        %dma_start3A_715 = tpu.memref_slice %arg11[%dma_start3A_713, %dma_start3A_714] : memref<1600x32xf32, #tpu.memory_space<vmem>> -> memref<100x32xf32, #tpu.memory_space<vmem>>
        %dma_start3A_716 = arith.constant 0 : i32
        %dma_start3A_717 = tpu.memref_slice %arg7[%dma_start3A_712, %dma_start3A_716] : memref<16x100xi32, #tpu.memory_space<vmem>> -> memref<1x100xi32, #tpu.memory_space<vmem>>
        %dma_start3A_718 = tpu.memref_squeeze %dma_start3A_717 : memref<1x100xi32, #tpu.memory_space<vmem>> -> memref<100xi32, #tpu.memory_space<vmem>>
        %dma_start3A_719 = arith.constant 0 : i32
        %dma_start3A_720 = arith.constant 0 : i32
        %dma_start3A_721 = tpu.memref_slice %arg4[%dma_start3A_719, %dma_start3A_720] : memref<100000x32xf32, #tpu.memory_space<hbm>> -> memref<100000x32xf32, #tpu.memory_space<hbm>>
        tpu.enqueue_indirect_dma source(%dma_start3A_721 : memref<100000x32xf32, #tpu.memory_space<hbm>>) target(%dma_start3A_715 : memref<100x32xf32, #tpu.memory_space<vmem>>) offsets(%dma_start3A_718 : memref<100xi32, #tpu.memory_space<vmem>>) semaphore(%arg13 : memref<!tpu.dma_semaphore, #tpu.memory_space<semaphore_mem>>)
        %dma_start3A_722 = arith.constant 11 : i32
        %dma_start3A_723 = arith.constant 1100 : i32
        %dma_start3A_724 = arith.constant 0 : i32
        %dma_start3A_725 = tpu.memref_slice %arg11[%dma_start3A_723, %dma_start3A_724] : memref<1600x32xf32, #tpu.memory_space<vmem>> -> memref<100x32xf32, #tpu.memory_space<vmem>>
        %dma_start3A_726 = arith.constant 0 : i32
        %dma_start3A_727 = tpu.memref_slice %arg7[%dma_start3A_722, %dma_start3A_726] : memref<16x100xi32, #tpu.memory_space<vmem>> -> memref<1x100xi32, #tpu.memory_space<vmem>>
        %dma_start3A_728 = tpu.memref_squeeze %dma_start3A_727 : memref<1x100xi32, #tpu.memory_space<vmem>> -> memref<100xi32, #tpu.memory_space<vmem>>
        %dma_start3A_729 = arith.constant 0 : i32
        %dma_start3A_730 = arith.constant 0 : i32
        %dma_start3A_731 = tpu.memref_slice %arg4[%dma_start3A_729, %dma_start3A_730] : memref<100000x32xf32, #tpu.memory_space<hbm>> -> memref<100000x32xf32, #tpu.memory_space<hbm>>
        tpu.enqueue_indirect_dma source(%dma_start3A_731 : memref<100000x32xf32, #tpu.memory_space<hbm>>) target(%dma_start3A_725 : memref<100x32xf32, #tpu.memory_space<vmem>>) offsets(%dma_start3A_728 : memref<100xi32, #tpu.memory_space<vmem>>) semaphore(%arg13 : memref<!tpu.dma_semaphore, #tpu.memory_space<semaphore_mem>>)
        %dma_start3A_732 = arith.constant 12 : i32
        %dma_start3A_733 = arith.constant 1200 : i32
        %dma_start3A_734 = arith.constant 0 : i32
        %dma_start3A_735 = tpu.memref_slice %arg11[%dma_start3A_733, %dma_start3A_734] : memref<1600x32xf32, #tpu.memory_space<vmem>> -> memref<100x32xf32, #tpu.memory_space<vmem>>
        %dma_start3A_736 = arith.constant 0 : i32
        %dma_start3A_737 = tpu.memref_slice %arg7[%dma_start3A_732, %dma_start3A_736] : memref<16x100xi32, #tpu.memory_space<vmem>> -> memref<1x100xi32, #tpu.memory_space<vmem>>
        %dma_start3A_738 = tpu.memref_squeeze %dma_start3A_737 : memref<1x100xi32, #tpu.memory_space<vmem>> -> memref<100xi32, #tpu.memory_space<vmem>>
        %dma_start3A_739 = arith.constant 0 : i32
        %dma_start3A_740 = arith.constant 0 : i32
        %dma_start3A_741 = tpu.memref_slice %arg4[%dma_start3A_739, %dma_start3A_740] : memref<100000x32xf32, #tpu.memory_space<hbm>> -> memref<100000x32xf32, #tpu.memory_space<hbm>>
        tpu.enqueue_indirect_dma source(%dma_start3A_741 : memref<100000x32xf32, #tpu.memory_space<hbm>>) target(%dma_start3A_735 : memref<100x32xf32, #tpu.memory_space<vmem>>) offsets(%dma_start3A_738 : memref<100xi32, #tpu.memory_space<vmem>>) semaphore(%arg13 : memref<!tpu.dma_semaphore, #tpu.memory_space<semaphore_mem>>)
        %dma_start3A_742 = arith.constant 13 : i32
        %dma_start3A_743 = arith.constant 1300 : i32
        %dma_start3A_744 = arith.constant 0 : i32
        %dma_start3A_745 = tpu.memref_slice %arg11[%dma_start3A_743, %dma_start3A_744] : memref<1600x32xf32, #tpu.memory_space<vmem>> -> memref<100x32xf32, #tpu.memory_space<vmem>>
        %dma_start3A_746 = arith.constant 0 : i32
        %dma_start3A_747 = tpu.memref_slice %arg7[%dma_start3A_742, %dma_start3A_746] : memref<16x100xi32, #tpu.memory_space<vmem>> -> memref<1x100xi32, #tpu.memory_space<vmem>>
        %dma_start3A_748 = tpu.memref_squeeze %dma_start3A_747 : memref<1x100xi32, #tpu.memory_space<vmem>> -> memref<100xi32, #tpu.memory_space<vmem>>
        %dma_start3A_749 = arith.constant 0 : i32
        %dma_start3A_750 = arith.constant 0 : i32
        %dma_start3A_751 = tpu.memref_slice %arg4[%dma_start3A_749, %dma_start3A_750] : memref<100000x32xf32, #tpu.memory_space<hbm>> -> memref<100000x32xf32, #tpu.memory_space<hbm>>
        tpu.enqueue_indirect_dma source(%dma_start3A_751 : memref<100000x32xf32, #tpu.memory_space<hbm>>) target(%dma_start3A_745 : memref<100x32xf32, #tpu.memory_space<vmem>>) offsets(%dma_start3A_748 : memref<100xi32, #tpu.memory_space<vmem>>) semaphore(%arg13 : memref<!tpu.dma_semaphore, #tpu.memory_space<semaphore_mem>>)
        %dma_start3A_752 = arith.constant 14 : i32
        %dma_start3A_753 = arith.constant 1400 : i32
        %dma_start3A_754 = arith.constant 0 : i32
        %dma_start3A_755 = tpu.memref_slice %arg11[%dma_start3A_753, %dma_start3A_754] : memref<1600x32xf32, #tpu.memory_space<vmem>> -> memref<100x32xf32, #tpu.memory_space<vmem>>
        %dma_start3A_756 = arith.constant 0 : i32
        %dma_start3A_757 = tpu.memref_slice %arg7[%dma_start3A_752, %dma_start3A_756] : memref<16x100xi32, #tpu.memory_space<vmem>> -> memref<1x100xi32, #tpu.memory_space<vmem>>
        %dma_start3A_758 = tpu.memref_squeeze %dma_start3A_757 : memref<1x100xi32, #tpu.memory_space<vmem>> -> memref<100xi32, #tpu.memory_space<vmem>>
        %dma_start3A_759 = arith.constant 0 : i32
        %dma_start3A_760 = arith.constant 0 : i32
        %dma_start3A_761 = tpu.memref_slice %arg4[%dma_start3A_759, %dma_start3A_760] : memref<100000x32xf32, #tpu.memory_space<hbm>> -> memref<100000x32xf32, #tpu.memory_space<hbm>>
        tpu.enqueue_indirect_dma source(%dma_start3A_761 : memref<100000x32xf32, #tpu.memory_space<hbm>>) target(%dma_start3A_755 : memref<100x32xf32, #tpu.memory_space<vmem>>) offsets(%dma_start3A_758 : memref<100xi32, #tpu.memory_space<vmem>>) semaphore(%arg13 : memref<!tpu.dma_semaphore, #tpu.memory_space<semaphore_mem>>)
        %dma_start3A_762 = arith.constant 15 : i32
        %dma_start3A_763 = arith.constant 1500 : i32
        %dma_start3A_764 = arith.constant 0 : i32
        %dma_start3A_765 = tpu.memref_slice %arg11[%dma_start3A_763, %dma_start3A_764] : memref<1600x32xf32, #tpu.memory_space<vmem>> -> memref<100x32xf32, #tpu.memory_space<vmem>>
        %dma_start3A_766 = arith.constant 0 : i32
        %dma_start3A_767 = tpu.memref_slice %arg7[%dma_start3A_762, %dma_start3A_766] : memref<16x100xi32, #tpu.memory_space<vmem>> -> memref<1x100xi32, #tpu.memory_space<vmem>>
        %dma_start3A_768 = tpu.memref_squeeze %dma_start3A_767 : memref<1x100xi32, #tpu.memory_space<vmem>> -> memref<100xi32, #tpu.memory_space<vmem>>
        %dma_start3A_769 = arith.constant 0 : i32
        %dma_start3A_770 = arith.constant 0 : i32
        %dma_start3A_771 = tpu.memref_slice %arg4[%dma_start3A_769, %dma_start3A_770] : memref<100000x32xf32, #tpu.memory_space<hbm>> -> memref<100000x32xf32, #tpu.memory_space<hbm>>
        tpu.enqueue_indirect_dma source(%dma_start3A_771 : memref<100000x32xf32, #tpu.memory_space<hbm>>) target(%dma_start3A_765 : memref<100x32xf32, #tpu.memory_space<vmem>>) offsets(%dma_start3A_768 : memref<100xi32, #tpu.memory_space<vmem>>) semaphore(%arg13 : memref<!tpu.dma_semaphore, #tpu.memory_space<semaphore_mem>>)
      } else {
      }
      %dma_wait3A_213 = arith.constant 0 : i32
      %dma_wait3A_214 = arith.constant 0 : i32
      %dma_wait3A_215 = arith.constant 0 : i32
      %dma_wait3A_216 = tpu.memref_slice %arg10[%dma_wait3A_214, %dma_wait3A_215] : memref<1600x32xf32, #tpu.memory_space<vmem>> -> memref<100x32xf32, #tpu.memory_space<vmem>>
      %dma_wait3A_217 = arith.constant 0 : i32
      %dma_wait3A_218 = tpu.memref_slice %arg6[%dma_wait3A_213, %dma_wait3A_217] : memref<16x100xi32, #tpu.memory_space<vmem>> -> memref<1x100xi32, #tpu.memory_space<vmem>>
      %dma_wait3A_219 = tpu.memref_squeeze %dma_wait3A_218 : memref<1x100xi32, #tpu.memory_space<vmem>> -> memref<100xi32, #tpu.memory_space<vmem>>
      %dma_wait3A_220 = arith.constant 0 : i32
      %dma_wait3A_221 = arith.constant 0 : i32
      %dma_wait3A_222 = tpu.memref_slice %arg4[%dma_wait3A_220, %dma_wait3A_221] : memref<100000x32xf32, #tpu.memory_space<hbm>> -> memref<100000x32xf32, #tpu.memory_space<hbm>>
      tpu.wait_indirect_dma semaphore(%arg12 : memref<!tpu.dma_semaphore, #tpu.memory_space<semaphore_mem>>) src(%dma_wait3A_222 : memref<100000x32xf32, #tpu.memory_space<hbm>>) dst(%dma_wait3A_216 : memref<100x32xf32, #tpu.memory_space<vmem>>)
      %dma_wait3A_223 = arith.constant 1 : i32
      %dma_wait3A_224 = arith.constant 100 : i32
      %dma_wait3A_225 = arith.constant 0 : i32
      %dma_wait3A_226 = tpu.memref_slice %arg10[%dma_wait3A_224, %dma_wait3A_225] : memref<1600x32xf32, #tpu.memory_space<vmem>> -> memref<100x32xf32, #tpu.memory_space<vmem>>
      %dma_wait3A_227 = arith.constant 0 : i32
      %dma_wait3A_228 = tpu.memref_slice %arg6[%dma_wait3A_223, %dma_wait3A_227] : memref<16x100xi32, #tpu.memory_space<vmem>> -> memref<1x100xi32, #tpu.memory_space<vmem>>
      %dma_wait3A_229 = tpu.memref_squeeze %dma_wait3A_228 : memref<1x100xi32, #tpu.memory_space<vmem>> -> memref<100xi32, #tpu.memory_space<vmem>>
      %dma_wait3A_230 = arith.constant 0 : i32
      %dma_wait3A_231 = arith.constant 0 : i32
      %dma_wait3A_232 = tpu.memref_slice %arg4[%dma_wait3A_230, %dma_wait3A_231] : memref<100000x32xf32, #tpu.memory_space<hbm>> -> memref<100000x32xf32, #tpu.memory_space<hbm>>
      tpu.wait_indirect_dma semaphore(%arg12 : memref<!tpu.dma_semaphore, #tpu.memory_space<semaphore_mem>>) src(%dma_wait3A_232 : memref<100000x32xf32, #tpu.memory_space<hbm>>) dst(%dma_wait3A_226 : memref<100x32xf32, #tpu.memory_space<vmem>>)
      %dma_wait3A_233 = arith.constant 2 : i32
      %dma_wait3A_234 = arith.constant 200 : i32
      %dma_wait3A_235 = arith.constant 0 : i32
      %dma_wait3A_236 = tpu.memref_slice %arg10[%dma_wait3A_234, %dma_wait3A_235] : memref<1600x32xf32, #tpu.memory_space<vmem>> -> memref<100x32xf32, #tpu.memory_space<vmem>>
      %dma_wait3A_237 = arith.constant 0 : i32
      %dma_wait3A_238 = tpu.memref_slice %arg6[%dma_wait3A_233, %dma_wait3A_237] : memref<16x100xi32, #tpu.memory_space<vmem>> -> memref<1x100xi32, #tpu.memory_space<vmem>>
      %dma_wait3A_239 = tpu.memref_squeeze %dma_wait3A_238 : memref<1x100xi32, #tpu.memory_space<vmem>> -> memref<100xi32, #tpu.memory_space<vmem>>
      %dma_wait3A_240 = arith.constant 0 : i32
      %dma_wait3A_241 = arith.constant 0 : i32
      %dma_wait3A_242 = tpu.memref_slice %arg4[%dma_wait3A_240, %dma_wait3A_241] : memref<100000x32xf32, #tpu.memory_space<hbm>> -> memref<100000x32xf32, #tpu.memory_space<hbm>>
      tpu.wait_indirect_dma semaphore(%arg12 : memref<!tpu.dma_semaphore, #tpu.memory_space<semaphore_mem>>) src(%dma_wait3A_242 : memref<100000x32xf32, #tpu.memory_space<hbm>>) dst(%dma_wait3A_236 : memref<100x32xf32, #tpu.memory_space<vmem>>)
      %dma_wait3A_243 = arith.constant 3 : i32
      %dma_wait3A_244 = arith.constant 300 : i32
      %dma_wait3A_245 = arith.constant 0 : i32
      %dma_wait3A_246 = tpu.memref_slice %arg10[%dma_wait3A_244, %dma_wait3A_245] : memref<1600x32xf32, #tpu.memory_space<vmem>> -> memref<100x32xf32, #tpu.memory_space<vmem>>
      %dma_wait3A_247 = arith.constant 0 : i32
      %dma_wait3A_248 = tpu.memref_slice %arg6[%dma_wait3A_243, %dma_wait3A_247] : memref<16x100xi32, #tpu.memory_space<vmem>> -> memref<1x100xi32, #tpu.memory_space<vmem>>
      %dma_wait3A_249 = tpu.memref_squeeze %dma_wait3A_248 : memref<1x100xi32, #tpu.memory_space<vmem>> -> memref<100xi32, #tpu.memory_space<vmem>>
      %dma_wait3A_250 = arith.constant 0 : i32
      %dma_wait3A_251 = arith.constant 0 : i32
      %dma_wait3A_252 = tpu.memref_slice %arg4[%dma_wait3A_250, %dma_wait3A_251] : memref<100000x32xf32, #tpu.memory_space<hbm>> -> memref<100000x32xf32, #tpu.memory_space<hbm>>
      tpu.wait_indirect_dma semaphore(%arg12 : memref<!tpu.dma_semaphore, #tpu.memory_space<semaphore_mem>>) src(%dma_wait3A_252 : memref<100000x32xf32, #tpu.memory_space<hbm>>) dst(%dma_wait3A_246 : memref<100x32xf32, #tpu.memory_space<vmem>>)
      %dma_wait3A_253 = arith.constant 4 : i32
      %dma_wait3A_254 = arith.constant 400 : i32
      %dma_wait3A_255 = arith.constant 0 : i32
      %dma_wait3A_256 = tpu.memref_slice %arg10[%dma_wait3A_254, %dma_wait3A_255] : memref<1600x32xf32, #tpu.memory_space<vmem>> -> memref<100x32xf32, #tpu.memory_space<vmem>>
      %dma_wait3A_257 = arith.constant 0 : i32
      %dma_wait3A_258 = tpu.memref_slice %arg6[%dma_wait3A_253, %dma_wait3A_257] : memref<16x100xi32, #tpu.memory_space<vmem>> -> memref<1x100xi32, #tpu.memory_space<vmem>>
      %dma_wait3A_259 = tpu.memref_squeeze %dma_wait3A_258 : memref<1x100xi32, #tpu.memory_space<vmem>> -> memref<100xi32, #tpu.memory_space<vmem>>
      %dma_wait3A_260 = arith.constant 0 : i32
      %dma_wait3A_261 = arith.constant 0 : i32
      %dma_wait3A_262 = tpu.memref_slice %arg4[%dma_wait3A_260, %dma_wait3A_261] : memref<100000x32xf32, #tpu.memory_space<hbm>> -> memref<100000x32xf32, #tpu.memory_space<hbm>>
      tpu.wait_indirect_dma semaphore(%arg12 : memref<!tpu.dma_semaphore, #tpu.memory_space<semaphore_mem>>) src(%dma_wait3A_262 : memref<100000x32xf32, #tpu.memory_space<hbm>>) dst(%dma_wait3A_256 : memref<100x32xf32, #tpu.memory_space<vmem>>)
      %dma_wait3A_263 = arith.constant 5 : i32
      %dma_wait3A_264 = arith.constant 500 : i32
      %dma_wait3A_265 = arith.constant 0 : i32
      %dma_wait3A_266 = tpu.memref_slice %arg10[%dma_wait3A_264, %dma_wait3A_265] : memref<1600x32xf32, #tpu.memory_space<vmem>> -> memref<100x32xf32, #tpu.memory_space<vmem>>
      %dma_wait3A_267 = arith.constant 0 : i32
      %dma_wait3A_268 = tpu.memref_slice %arg6[%dma_wait3A_263, %dma_wait3A_267] : memref<16x100xi32, #tpu.memory_space<vmem>> -> memref<1x100xi32, #tpu.memory_space<vmem>>
      %dma_wait3A_269 = tpu.memref_squeeze %dma_wait3A_268 : memref<1x100xi32, #tpu.memory_space<vmem>> -> memref<100xi32, #tpu.memory_space<vmem>>
      %dma_wait3A_270 = arith.constant 0 : i32
      %dma_wait3A_271 = arith.constant 0 : i32
      %dma_wait3A_272 = tpu.memref_slice %arg4[%dma_wait3A_270, %dma_wait3A_271] : memref<100000x32xf32, #tpu.memory_space<hbm>> -> memref<100000x32xf32, #tpu.memory_space<hbm>>
      tpu.wait_indirect_dma semaphore(%arg12 : memref<!tpu.dma_semaphore, #tpu.memory_space<semaphore_mem>>) src(%dma_wait3A_272 : memref<100000x32xf32, #tpu.memory_space<hbm>>) dst(%dma_wait3A_266 : memref<100x32xf32, #tpu.memory_space<vmem>>)
      %dma_wait3A_273 = arith.constant 6 : i32
      %dma_wait3A_274 = arith.constant 600 : i32
      %dma_wait3A_275 = arith.constant 0 : i32
      %dma_wait3A_276 = tpu.memref_slice %arg10[%dma_wait3A_274, %dma_wait3A_275] : memref<1600x32xf32, #tpu.memory_space<vmem>> -> memref<100x32xf32, #tpu.memory_space<vmem>>
      %dma_wait3A_277 = arith.constant 0 : i32
      %dma_wait3A_278 = tpu.memref_slice %arg6[%dma_wait3A_273, %dma_wait3A_277] : memref<16x100xi32, #tpu.memory_space<vmem>> -> memref<1x100xi32, #tpu.memory_space<vmem>>
      %dma_wait3A_279 = tpu.memref_squeeze %dma_wait3A_278 : memref<1x100xi32, #tpu.memory_space<vmem>> -> memref<100xi32, #tpu.memory_space<vmem>>
      %dma_wait3A_280 = arith.constant 0 : i32
      %dma_wait3A_281 = arith.constant 0 : i32
      %dma_wait3A_282 = tpu.memref_slice %arg4[%dma_wait3A_280, %dma_wait3A_281] : memref<100000x32xf32, #tpu.memory_space<hbm>> -> memref<100000x32xf32, #tpu.memory_space<hbm>>
      tpu.wait_indirect_dma semaphore(%arg12 : memref<!tpu.dma_semaphore, #tpu.memory_space<semaphore_mem>>) src(%dma_wait3A_282 : memref<100000x32xf32, #tpu.memory_space<hbm>>) dst(%dma_wait3A_276 : memref<100x32xf32, #tpu.memory_space<vmem>>)
      %dma_wait3A_283 = arith.constant 7 : i32
      %dma_wait3A_284 = arith.constant 700 : i32
      %dma_wait3A_285 = arith.constant 0 : i32
      %dma_wait3A_286 = tpu.memref_slice %arg10[%dma_wait3A_284, %dma_wait3A_285] : memref<1600x32xf32, #tpu.memory_space<vmem>> -> memref<100x32xf32, #tpu.memory_space<vmem>>
      %dma_wait3A_287 = arith.constant 0 : i32
      %dma_wait3A_288 = tpu.memref_slice %arg6[%dma_wait3A_283, %dma_wait3A_287] : memref<16x100xi32, #tpu.memory_space<vmem>> -> memref<1x100xi32, #tpu.memory_space<vmem>>
      %dma_wait3A_289 = tpu.memref_squeeze %dma_wait3A_288 : memref<1x100xi32, #tpu.memory_space<vmem>> -> memref<100xi32, #tpu.memory_space<vmem>>
      %dma_wait3A_290 = arith.constant 0 : i32
      %dma_wait3A_291 = arith.constant 0 : i32
      %dma_wait3A_292 = tpu.memref_slice %arg4[%dma_wait3A_290, %dma_wait3A_291] : memref<100000x32xf32, #tpu.memory_space<hbm>> -> memref<100000x32xf32, #tpu.memory_space<hbm>>
      tpu.wait_indirect_dma semaphore(%arg12 : memref<!tpu.dma_semaphore, #tpu.memory_space<semaphore_mem>>) src(%dma_wait3A_292 : memref<100000x32xf32, #tpu.memory_space<hbm>>) dst(%dma_wait3A_286 : memref<100x32xf32, #tpu.memory_space<vmem>>)
      %dma_wait3A_293 = arith.constant 8 : i32
      %dma_wait3A_294 = arith.constant 800 : i32
      %dma_wait3A_295 = arith.constant 0 : i32
      %dma_wait3A_296 = tpu.memref_slice %arg10[%dma_wait3A_294, %dma_wait3A_295] : memref<1600x32xf32, #tpu.memory_space<vmem>> -> memref<100x32xf32, #tpu.memory_space<vmem>>
      %dma_wait3A_297 = arith.constant 0 : i32
      %dma_wait3A_298 = tpu.memref_slice %arg6[%dma_wait3A_293, %dma_wait3A_297] : memref<16x100xi32, #tpu.memory_space<vmem>> -> memref<1x100xi32, #tpu.memory_space<vmem>>
      %dma_wait3A_299 = tpu.memref_squeeze %dma_wait3A_298 : memref<1x100xi32, #tpu.memory_space<vmem>> -> memref<100xi32, #tpu.memory_space<vmem>>
      %dma_wait3A_300 = arith.constant 0 : i32
      %dma_wait3A_301 = arith.constant 0 : i32
      %dma_wait3A_302 = tpu.memref_slice %arg4[%dma_wait3A_300, %dma_wait3A_301] : memref<100000x32xf32, #tpu.memory_space<hbm>> -> memref<100000x32xf32, #tpu.memory_space<hbm>>
      tpu.wait_indirect_dma semaphore(%arg12 : memref<!tpu.dma_semaphore, #tpu.memory_space<semaphore_mem>>) src(%dma_wait3A_302 : memref<100000x32xf32, #tpu.memory_space<hbm>>) dst(%dma_wait3A_296 : memref<100x32xf32, #tpu.memory_space<vmem>>)
      %dma_wait3A_303 = arith.constant 9 : i32
      %dma_wait3A_304 = arith.constant 900 : i32
      %dma_wait3A_305 = arith.constant 0 : i32
      %dma_wait3A_306 = tpu.memref_slice %arg10[%dma_wait3A_304, %dma_wait3A_305] : memref<1600x32xf32, #tpu.memory_space<vmem>> -> memref<100x32xf32, #tpu.memory_space<vmem>>
      %dma_wait3A_307 = arith.constant 0 : i32
      %dma_wait3A_308 = tpu.memref_slice %arg6[%dma_wait3A_303, %dma_wait3A_307] : memref<16x100xi32, #tpu.memory_space<vmem>> -> memref<1x100xi32, #tpu.memory_space<vmem>>
      %dma_wait3A_309 = tpu.memref_squeeze %dma_wait3A_308 : memref<1x100xi32, #tpu.memory_space<vmem>> -> memref<100xi32, #tpu.memory_space<vmem>>
      %dma_wait3A_310 = arith.constant 0 : i32
      %dma_wait3A_311 = arith.constant 0 : i32
      %dma_wait3A_312 = tpu.memref_slice %arg4[%dma_wait3A_310, %dma_wait3A_311] : memref<100000x32xf32, #tpu.memory_space<hbm>> -> memref<100000x32xf32, #tpu.memory_space<hbm>>
      tpu.wait_indirect_dma semaphore(%arg12 : memref<!tpu.dma_semaphore, #tpu.memory_space<semaphore_mem>>) src(%dma_wait3A_312 : memref<100000x32xf32, #tpu.memory_space<hbm>>) dst(%dma_wait3A_306 : memref<100x32xf32, #tpu.memory_space<vmem>>)
      %dma_wait3A_313 = arith.constant 10 : i32
      %dma_wait3A_314 = arith.constant 1000 : i32
      %dma_wait3A_315 = arith.constant 0 : i32
      %dma_wait3A_316 = tpu.memref_slice %arg10[%dma_wait3A_314, %dma_wait3A_315] : memref<1600x32xf32, #tpu.memory_space<vmem>> -> memref<100x32xf32, #tpu.memory_space<vmem>>
      %dma_wait3A_317 = arith.constant 0 : i32
      %dma_wait3A_318 = tpu.memref_slice %arg6[%dma_wait3A_313, %dma_wait3A_317] : memref<16x100xi32, #tpu.memory_space<vmem>> -> memref<1x100xi32, #tpu.memory_space<vmem>>
      %dma_wait3A_319 = tpu.memref_squeeze %dma_wait3A_318 : memref<1x100xi32, #tpu.memory_space<vmem>> -> memref<100xi32, #tpu.memory_space<vmem>>
      %dma_wait3A_320 = arith.constant 0 : i32
      %dma_wait3A_321 = arith.constant 0 : i32
      %dma_wait3A_322 = tpu.memref_slice %arg4[%dma_wait3A_320, %dma_wait3A_321] : memref<100000x32xf32, #tpu.memory_space<hbm>> -> memref<100000x32xf32, #tpu.memory_space<hbm>>
      tpu.wait_indirect_dma semaphore(%arg12 : memref<!tpu.dma_semaphore, #tpu.memory_space<semaphore_mem>>) src(%dma_wait3A_322 : memref<100000x32xf32, #tpu.memory_space<hbm>>) dst(%dma_wait3A_316 : memref<100x32xf32, #tpu.memory_space<vmem>>)
      %dma_wait3A_323 = arith.constant 11 : i32
      %dma_wait3A_324 = arith.constant 1100 : i32
      %dma_wait3A_325 = arith.constant 0 : i32
      %dma_wait3A_326 = tpu.memref_slice %arg10[%dma_wait3A_324, %dma_wait3A_325] : memref<1600x32xf32, #tpu.memory_space<vmem>> -> memref<100x32xf32, #tpu.memory_space<vmem>>
      %dma_wait3A_327 = arith.constant 0 : i32
      %dma_wait3A_328 = tpu.memref_slice %arg6[%dma_wait3A_323, %dma_wait3A_327] : memref<16x100xi32, #tpu.memory_space<vmem>> -> memref<1x100xi32, #tpu.memory_space<vmem>>
      %dma_wait3A_329 = tpu.memref_squeeze %dma_wait3A_328 : memref<1x100xi32, #tpu.memory_space<vmem>> -> memref<100xi32, #tpu.memory_space<vmem>>
      %dma_wait3A_330 = arith.constant 0 : i32
      %dma_wait3A_331 = arith.constant 0 : i32
      %dma_wait3A_332 = tpu.memref_slice %arg4[%dma_wait3A_330, %dma_wait3A_331] : memref<100000x32xf32, #tpu.memory_space<hbm>> -> memref<100000x32xf32, #tpu.memory_space<hbm>>
      tpu.wait_indirect_dma semaphore(%arg12 : memref<!tpu.dma_semaphore, #tpu.memory_space<semaphore_mem>>) src(%dma_wait3A_332 : memref<100000x32xf32, #tpu.memory_space<hbm>>) dst(%dma_wait3A_326 : memref<100x32xf32, #tpu.memory_space<vmem>>)
      %dma_wait3A_333 = arith.constant 12 : i32
      %dma_wait3A_334 = arith.constant 1200 : i32
      %dma_wait3A_335 = arith.constant 0 : i32
      %dma_wait3A_336 = tpu.memref_slice %arg10[%dma_wait3A_334, %dma_wait3A_335] : memref<1600x32xf32, #tpu.memory_space<vmem>> -> memref<100x32xf32, #tpu.memory_space<vmem>>
      %dma_wait3A_337 = arith.constant 0 : i32
      %dma_wait3A_338 = tpu.memref_slice %arg6[%dma_wait3A_333, %dma_wait3A_337] : memref<16x100xi32, #tpu.memory_space<vmem>> -> memref<1x100xi32, #tpu.memory_space<vmem>>
      %dma_wait3A_339 = tpu.memref_squeeze %dma_wait3A_338 : memref<1x100xi32, #tpu.memory_space<vmem>> -> memref<100xi32, #tpu.memory_space<vmem>>
      %dma_wait3A_340 = arith.constant 0 : i32
      %dma_wait3A_341 = arith.constant 0 : i32
      %dma_wait3A_342 = tpu.memref_slice %arg4[%dma_wait3A_340, %dma_wait3A_341] : memref<100000x32xf32, #tpu.memory_space<hbm>> -> memref<100000x32xf32, #tpu.memory_space<hbm>>
      tpu.wait_indirect_dma semaphore(%arg12 : memref<!tpu.dma_semaphore, #tpu.memory_space<semaphore_mem>>) src(%dma_wait3A_342 : memref<100000x32xf32, #tpu.memory_space<hbm>>) dst(%dma_wait3A_336 : memref<100x32xf32, #tpu.memory_space<vmem>>)
      %dma_wait3A_343 = arith.constant 13 : i32
      %dma_wait3A_344 = arith.constant 1300 : i32
      %dma_wait3A_345 = arith.constant 0 : i32
      %dma_wait3A_346 = tpu.memref_slice %arg10[%dma_wait3A_344, %dma_wait3A_345] : memref<1600x32xf32, #tpu.memory_space<vmem>> -> memref<100x32xf32, #tpu.memory_space<vmem>>
      %dma_wait3A_347 = arith.constant 0 : i32
      %dma_wait3A_348 = tpu.memref_slice %arg6[%dma_wait3A_343, %dma_wait3A_347] : memref<16x100xi32, #tpu.memory_space<vmem>> -> memref<1x100xi32, #tpu.memory_space<vmem>>
      %dma_wait3A_349 = tpu.memref_squeeze %dma_wait3A_348 : memref<1x100xi32, #tpu.memory_space<vmem>> -> memref<100xi32, #tpu.memory_space<vmem>>
      %dma_wait3A_350 = arith.constant 0 : i32
      %dma_wait3A_351 = arith.constant 0 : i32
      %dma_wait3A_352 = tpu.memref_slice %arg4[%dma_wait3A_350, %dma_wait3A_351] : memref<100000x32xf32, #tpu.memory_space<hbm>> -> memref<100000x32xf32, #tpu.memory_space<hbm>>
      tpu.wait_indirect_dma semaphore(%arg12 : memref<!tpu.dma_semaphore, #tpu.memory_space<semaphore_mem>>) src(%dma_wait3A_352 : memref<100000x32xf32, #tpu.memory_space<hbm>>) dst(%dma_wait3A_346 : memref<100x32xf32, #tpu.memory_space<vmem>>)
      %dma_wait3A_353 = arith.constant 14 : i32
      %dma_wait3A_354 = arith.constant 1400 : i32
      %dma_wait3A_355 = arith.constant 0 : i32
      %dma_wait3A_356 = tpu.memref_slice %arg10[%dma_wait3A_354, %dma_wait3A_355] : memref<1600x32xf32, #tpu.memory_space<vmem>> -> memref<100x32xf32, #tpu.memory_space<vmem>>
      %dma_wait3A_357 = arith.constant 0 : i32
      %dma_wait3A_358 = tpu.memref_slice %arg6[%dma_wait3A_353, %dma_wait3A_357] : memref<16x100xi32, #tpu.memory_space<vmem>> -> memref<1x100xi32, #tpu.memory_space<vmem>>
      %dma_wait3A_359 = tpu.memref_squeeze %dma_wait3A_358 : memref<1x100xi32, #tpu.memory_space<vmem>> -> memref<100xi32, #tpu.memory_space<vmem>>
      %dma_wait3A_360 = arith.constant 0 : i32
      %dma_wait3A_361 = arith.constant 0 : i32
      %dma_wait3A_362 = tpu.memref_slice %arg4[%dma_wait3A_360, %dma_wait3A_361] : memref<100000x32xf32, #tpu.memory_space<hbm>> -> memref<100000x32xf32, #tpu.memory_space<hbm>>
      tpu.wait_indirect_dma semaphore(%arg12 : memref<!tpu.dma_semaphore, #tpu.memory_space<semaphore_mem>>) src(%dma_wait3A_362 : memref<100000x32xf32, #tpu.memory_space<hbm>>) dst(%dma_wait3A_356 : memref<100x32xf32, #tpu.memory_space<vmem>>)
      %dma_wait3A_363 = arith.constant 15 : i32
      %dma_wait3A_364 = arith.constant 1500 : i32
      %dma_wait3A_365 = arith.constant 0 : i32
      %dma_wait3A_366 = tpu.memref_slice %arg10[%dma_wait3A_364, %dma_wait3A_365] : memref<1600x32xf32, #tpu.memory_space<vmem>> -> memref<100x32xf32, #tpu.memory_space<vmem>>
      %dma_wait3A_367 = arith.constant 0 : i32
      %dma_wait3A_368 = tpu.memref_slice %arg6[%dma_wait3A_363, %dma_wait3A_367] : memref<16x100xi32, #tpu.memory_space<vmem>> -> memref<1x100xi32, #tpu.memory_space<vmem>>
      %dma_wait3A_369 = tpu.memref_squeeze %dma_wait3A_368 : memref<1x100xi32, #tpu.memory_space<vmem>> -> memref<100xi32, #tpu.memory_space<vmem>>
      %dma_wait3A_370 = arith.constant 0 : i32
      %dma_wait3A_371 = arith.constant 0 : i32
      %dma_wait3A_372 = tpu.memref_slice %arg4[%dma_wait3A_370, %dma_wait3A_371] : memref<100000x32xf32, #tpu.memory_space<hbm>> -> memref<100000x32xf32, #tpu.memory_space<hbm>>
      tpu.wait_indirect_dma semaphore(%arg12 : memref<!tpu.dma_semaphore, #tpu.memory_space<semaphore_mem>>) src(%dma_wait3A_372 : memref<100000x32xf32, #tpu.memory_space<hbm>>) dst(%dma_wait3A_366 : memref<100x32xf32, #tpu.memory_space<vmem>>)
      %scan3A_373 = arith.constant 0 : i32
      %scan3A_374 = arith.constant 0 : i32
      %scan3A_375 = arith.constant 160 : i32
      %scan3A_376 = arith.addi %scan3A_374, %scan3A_375 : i32
      %scan3A_377 = arith.constant 1 : i32
      scf.for %scan3A_576 = %scan3A_374 to %scan3A_376 step %scan3A_377  : i32 {
        %broadcast_in_dim3A = vector.broadcast %scan3A_576 : i32 to vector<16xi32>
        %gather3A = tpu.vector_load_idx %arg8[%broadcast_in_dim3A] : memref<160xf32, #tpu.memory_space<vmem>>[vector<16xi32>], vector<16xf32>,
        %mul3A_577 = arith.constant 10 : i32
        %mul3A_578 = arith.muli %scan3A_576, %mul3A_577 : i32
        %add3A_579 = arith.constant 0 : i32
        %add3A_580 = arith.addi %mul3A_578, %add3A_579 : i32
        %get3A = arith.index_cast %add3A_580 : i32 to index
        %get3A_581 = arith.constant 0 : index
        %get3A_582 = tpu.vector_load %arg10[%get3A, %get3A_581] {strides = array<i32>} : memref<1600x32xf32, #tpu.memory_space<vmem>>, vector<16xf32>,
        %mul3A_583 = arith.mulf %get3A_582, %gather3A : vector<16xf32>
        %swap3A = arith.index_cast %add3A_580 : i32 to index
        %swap3A_584 = arith.constant 0 : index
        %swap3A_585 = tpu.vector_load %arg10[%swap3A, %swap3A_584] {strides = array<i32>} : memref<1600x32xf32, #tpu.memory_space<vmem>>, vector<16xf32>,
        tpu.vector_store %arg10[%swap3A, %swap3A_584], %mul3A_583 {strides = array<i32>} : memref<1600x32xf32, #tpu.memory_space<vmem>>, vector<16xf32>,
        %get3A_586 = arith.index_cast %add3A_580 : i32 to index
        %get3A_587 = arith.constant 16 : index
        %get3A_588 = tpu.vector_load %arg10[%get3A_586, %get3A_587] {strides = array<i32>} : memref<1600x32xf32, #tpu.memory_space<vmem>>, vector<16xf32>,
        %mul3A_589 = arith.mulf %get3A_588, %gather3A : vector<16xf32>
        %swap3A_590 = arith.index_cast %add3A_580 : i32 to index
        %swap3A_591 = arith.constant 16 : index
        %swap3A_592 = tpu.vector_load %arg10[%swap3A_590, %swap3A_591] {strides = array<i32>} : memref<1600x32xf32, #tpu.memory_space<vmem>>, vector<16xf32>,
        tpu.vector_store %arg10[%swap3A_590, %swap3A_591], %mul3A_589 {strides = array<i32>} : memref<1600x32xf32, #tpu.memory_space<vmem>>, vector<16xf32>,
        %mul3A_593 = arith.constant 10 : i32
        %mul3A_594 = arith.muli %scan3A_576, %mul3A_593 : i32
        %add3A_595 = arith.constant 1 : i32
        %add3A_596 = arith.addi %mul3A_594, %add3A_595 : i32
        %get3A_597 = arith.index_cast %add3A_596 : i32 to index
        %get3A_598 = arith.constant 0 : index
        %get3A_599 = tpu.vector_load %arg10[%get3A_597, %get3A_598] {strides = array<i32>} : memref<1600x32xf32, #tpu.memory_space<vmem>>, vector<16xf32>,
        %mul3A_600 = arith.mulf %get3A_599, %gather3A : vector<16xf32>
        %swap3A_601 = arith.index_cast %add3A_596 : i32 to index
        %swap3A_602 = arith.constant 0 : index
        %swap3A_603 = tpu.vector_load %arg10[%swap3A_601, %swap3A_602] {strides = array<i32>} : memref<1600x32xf32, #tpu.memory_space<vmem>>, vector<16xf32>,
        tpu.vector_store %arg10[%swap3A_601, %swap3A_602], %mul3A_600 {strides = array<i32>} : memref<1600x32xf32, #tpu.memory_space<vmem>>, vector<16xf32>,
        %get3A_604 = arith.index_cast %add3A_596 : i32 to index
        %get3A_605 = arith.constant 16 : index
        %get3A_606 = tpu.vector_load %arg10[%get3A_604, %get3A_605] {strides = array<i32>} : memref<1600x32xf32, #tpu.memory_space<vmem>>, vector<16xf32>,
        %mul3A_607 = arith.mulf %get3A_606, %gather3A : vector<16xf32>
        %swap3A_608 = arith.index_cast %add3A_596 : i32 to index
        %swap3A_609 = arith.constant 16 : index
        %swap3A_610 = tpu.vector_load %arg10[%swap3A_608, %swap3A_609] {strides = array<i32>} : memref<1600x32xf32, #tpu.memory_space<vmem>>, vector<16xf32>,
        tpu.vector_store %arg10[%swap3A_608, %swap3A_609], %mul3A_607 {strides = array<i32>} : memref<1600x32xf32, #tpu.memory_space<vmem>>, vector<16xf32>,
        %mul3A_611 = arith.constant 10 : i32
        %mul3A_612 = arith.muli %scan3A_576, %mul3A_611 : i32
        %add3A_613 = arith.constant 2 : i32
        %add3A_614 = arith.addi %mul3A_612, %add3A_613 : i32
        %get3A_615 = arith.index_cast %add3A_614 : i32 to index
        %get3A_616 = arith.constant 0 : index
        %get3A_617 = tpu.vector_load %arg10[%get3A_615, %get3A_616] {strides = array<i32>} : memref<1600x32xf32, #tpu.memory_space<vmem>>, vector<16xf32>,
        %mul3A_618 = arith.mulf %get3A_617, %gather3A : vector<16xf32>
        %swap3A_619 = arith.index_cast %add3A_614 : i32 to index
        %swap3A_620 = arith.constant 0 : index
        %swap3A_621 = tpu.vector_load %arg10[%swap3A_619, %swap3A_620] {strides = array<i32>} : memref<1600x32xf32, #tpu.memory_space<vmem>>, vector<16xf32>,
        tpu.vector_store %arg10[%swap3A_619, %swap3A_620], %mul3A_618 {strides = array<i32>} : memref<1600x32xf32, #tpu.memory_space<vmem>>, vector<16xf32>,
        %get3A_622 = arith.index_cast %add3A_614 : i32 to index
        %get3A_623 = arith.constant 16 : index
        %get3A_624 = tpu.vector_load %arg10[%get3A_622, %get3A_623] {strides = array<i32>} : memref<1600x32xf32, #tpu.memory_space<vmem>>, vector<16xf32>,
        %mul3A_625 = arith.mulf %get3A_624, %gather3A : vector<16xf32>
        %swap3A_626 = arith.index_cast %add3A_614 : i32 to index
        %swap3A_627 = arith.constant 16 : index
        %swap3A_628 = tpu.vector_load %arg10[%swap3A_626, %swap3A_627] {strides = array<i32>} : memref<1600x32xf32, #tpu.memory_space<vmem>>, vector<16xf32>,
        tpu.vector_store %arg10[%swap3A_626, %swap3A_627], %mul3A_625 {strides = array<i32>} : memref<1600x32xf32, #tpu.memory_space<vmem>>, vector<16xf32>,
        %mul3A_629 = arith.constant 10 : i32
        %mul3A_630 = arith.muli %scan3A_576, %mul3A_629 : i32
        %add3A_631 = arith.constant 3 : i32
        %add3A_632 = arith.addi %mul3A_630, %add3A_631 : i32
        %get3A_633 = arith.index_cast %add3A_632 : i32 to index
        %get3A_634 = arith.constant 0 : index
        %get3A_635 = tpu.vector_load %arg10[%get3A_633, %get3A_634] {strides = array<i32>} : memref<1600x32xf32, #tpu.memory_space<vmem>>, vector<16xf32>,
        %mul3A_636 = arith.mulf %get3A_635, %gather3A : vector<16xf32>
        %swap3A_637 = arith.index_cast %add3A_632 : i32 to index
        %swap3A_638 = arith.constant 0 : index
        %swap3A_639 = tpu.vector_load %arg10[%swap3A_637, %swap3A_638] {strides = array<i32>} : memref<1600x32xf32, #tpu.memory_space<vmem>>, vector<16xf32>,
        tpu.vector_store %arg10[%swap3A_637, %swap3A_638], %mul3A_636 {strides = array<i32>} : memref<1600x32xf32, #tpu.memory_space<vmem>>, vector<16xf32>,
        %get3A_640 = arith.index_cast %add3A_632 : i32 to index
        %get3A_641 = arith.constant 16 : index
        %get3A_642 = tpu.vector_load %arg10[%get3A_640, %get3A_641] {strides = array<i32>} : memref<1600x32xf32, #tpu.memory_space<vmem>>, vector<16xf32>,
        %mul3A_643 = arith.mulf %get3A_642, %gather3A : vector<16xf32>
        %swap3A_644 = arith.index_cast %add3A_632 : i32 to index
        %swap3A_645 = arith.constant 16 : index
        %swap3A_646 = tpu.vector_load %arg10[%swap3A_644, %swap3A_645] {strides = array<i32>} : memref<1600x32xf32, #tpu.memory_space<vmem>>, vector<16xf32>,
        tpu.vector_store %arg10[%swap3A_644, %swap3A_645], %mul3A_643 {strides = array<i32>} : memref<1600x32xf32, #tpu.memory_space<vmem>>, vector<16xf32>,
        %mul3A_647 = arith.constant 10 : i32
        %mul3A_648 = arith.muli %scan3A_576, %mul3A_647 : i32
        %add3A_649 = arith.constant 4 : i32
        %add3A_650 = arith.addi %mul3A_648, %add3A_649 : i32
        %get3A_651 = arith.index_cast %add3A_650 : i32 to index
        %get3A_652 = arith.constant 0 : index
        %get3A_653 = tpu.vector_load %arg10[%get3A_651, %get3A_652] {strides = array<i32>} : memref<1600x32xf32, #tpu.memory_space<vmem>>, vector<16xf32>,
        %mul3A_654 = arith.mulf %get3A_653, %gather3A : vector<16xf32>
        %swap3A_655 = arith.index_cast %add3A_650 : i32 to index
        %swap3A_656 = arith.constant 0 : index
        %swap3A_657 = tpu.vector_load %arg10[%swap3A_655, %swap3A_656] {strides = array<i32>} : memref<1600x32xf32, #tpu.memory_space<vmem>>, vector<16xf32>,
        tpu.vector_store %arg10[%swap3A_655, %swap3A_656], %mul3A_654 {strides = array<i32>} : memref<1600x32xf32, #tpu.memory_space<vmem>>, vector<16xf32>,
        %get3A_658 = arith.index_cast %add3A_650 : i32 to index
        %get3A_659 = arith.constant 16 : index
        %get3A_660 = tpu.vector_load %arg10[%get3A_658, %get3A_659] {strides = array<i32>} : memref<1600x32xf32, #tpu.memory_space<vmem>>, vector<16xf32>,
        %mul3A_661 = arith.mulf %get3A_660, %gather3A : vector<16xf32>
        %swap3A_662 = arith.index_cast %add3A_650 : i32 to index
        %swap3A_663 = arith.constant 16 : index
        %swap3A_664 = tpu.vector_load %arg10[%swap3A_662, %swap3A_663] {strides = array<i32>} : memref<1600x32xf32, #tpu.memory_space<vmem>>, vector<16xf32>,
        tpu.vector_store %arg10[%swap3A_662, %swap3A_663], %mul3A_661 {strides = array<i32>} : memref<1600x32xf32, #tpu.memory_space<vmem>>, vector<16xf32>,
        %mul3A_665 = arith.constant 10 : i32
        %mul3A_666 = arith.muli %scan3A_576, %mul3A_665 : i32
        %add3A_667 = arith.constant 5 : i32
        %add3A_668 = arith.addi %mul3A_666, %add3A_667 : i32
        %get3A_669 = arith.index_cast %add3A_668 : i32 to index
        %get3A_670 = arith.constant 0 : index
        %get3A_671 = tpu.vector_load %arg10[%get3A_669, %get3A_670] {strides = array<i32>} : memref<1600x32xf32, #tpu.memory_space<vmem>>, vector<16xf32>,
        %mul3A_672 = arith.mulf %get3A_671, %gather3A : vector<16xf32>
        %swap3A_673 = arith.index_cast %add3A_668 : i32 to index
        %swap3A_674 = arith.constant 0 : index
        %swap3A_675 = tpu.vector_load %arg10[%swap3A_673, %swap3A_674] {strides = array<i32>} : memref<1600x32xf32, #tpu.memory_space<vmem>>, vector<16xf32>,
        tpu.vector_store %arg10[%swap3A_673, %swap3A_674], %mul3A_672 {strides = array<i32>} : memref<1600x32xf32, #tpu.memory_space<vmem>>, vector<16xf32>,
        %get3A_676 = arith.index_cast %add3A_668 : i32 to index
        %get3A_677 = arith.constant 16 : index
        %get3A_678 = tpu.vector_load %arg10[%get3A_676, %get3A_677] {strides = array<i32>} : memref<1600x32xf32, #tpu.memory_space<vmem>>, vector<16xf32>,
        %mul3A_679 = arith.mulf %get3A_678, %gather3A : vector<16xf32>
        %swap3A_680 = arith.index_cast %add3A_668 : i32 to index
        %swap3A_681 = arith.constant 16 : index
        %swap3A_682 = tpu.vector_load %arg10[%swap3A_680, %swap3A_681] {strides = array<i32>} : memref<1600x32xf32, #tpu.memory_space<vmem>>, vector<16xf32>,
        tpu.vector_store %arg10[%swap3A_680, %swap3A_681], %mul3A_679 {strides = array<i32>} : memref<1600x32xf32, #tpu.memory_space<vmem>>, vector<16xf32>,
        %mul3A_683 = arith.constant 10 : i32
        %mul3A_684 = arith.muli %scan3A_576, %mul3A_683 : i32
        %add3A_685 = arith.constant 6 : i32
        %add3A_686 = arith.addi %mul3A_684, %add3A_685 : i32
        %get3A_687 = arith.index_cast %add3A_686 : i32 to index
        %get3A_688 = arith.constant 0 : index
        %get3A_689 = tpu.vector_load %arg10[%get3A_687, %get3A_688] {strides = array<i32>} : memref<1600x32xf32, #tpu.memory_space<vmem>>, vector<16xf32>,
        %mul3A_690 = arith.mulf %get3A_689, %gather3A : vector<16xf32>
        %swap3A_691 = arith.index_cast %add3A_686 : i32 to index
        %swap3A_692 = arith.constant 0 : index
        %swap3A_693 = tpu.vector_load %arg10[%swap3A_691, %swap3A_692] {strides = array<i32>} : memref<1600x32xf32, #tpu.memory_space<vmem>>, vector<16xf32>,
        tpu.vector_store %arg10[%swap3A_691, %swap3A_692], %mul3A_690 {strides = array<i32>} : memref<1600x32xf32, #tpu.memory_space<vmem>>, vector<16xf32>,
        %get3A_694 = arith.index_cast %add3A_686 : i32 to index
        %get3A_695 = arith.constant 16 : index
        %get3A_696 = tpu.vector_load %arg10[%get3A_694, %get3A_695] {strides = array<i32>} : memref<1600x32xf32, #tpu.memory_space<vmem>>, vector<16xf32>,
        %mul3A_697 = arith.mulf %get3A_696, %gather3A : vector<16xf32>
        %swap3A_698 = arith.index_cast %add3A_686 : i32 to index
        %swap3A_699 = arith.constant 16 : index
        %swap3A_700 = tpu.vector_load %arg10[%swap3A_698, %swap3A_699] {strides = array<i32>} : memref<1600x32xf32, #tpu.memory_space<vmem>>, vector<16xf32>,
        tpu.vector_store %arg10[%swap3A_698, %swap3A_699], %mul3A_697 {strides = array<i32>} : memref<1600x32xf32, #tpu.memory_space<vmem>>, vector<16xf32>,
        %mul3A_701 = arith.constant 10 : i32
        %mul3A_702 = arith.muli %scan3A_576, %mul3A_701 : i32
        %add3A_703 = arith.constant 7 : i32
        %add3A_704 = arith.addi %mul3A_702, %add3A_703 : i32
        %get3A_705 = arith.index_cast %add3A_704 : i32 to index
        %get3A_706 = arith.constant 0 : index
        %get3A_707 = tpu.vector_load %arg10[%get3A_705, %get3A_706] {strides = array<i32>} : memref<1600x32xf32, #tpu.memory_space<vmem>>, vector<16xf32>,
        %mul3A_708 = arith.mulf %get3A_707, %gather3A : vector<16xf32>
        %swap3A_709 = arith.index_cast %add3A_704 : i32 to index
        %swap3A_710 = arith.constant 0 : index
        %swap3A_711 = tpu.vector_load %arg10[%swap3A_709, %swap3A_710] {strides = array<i32>} : memref<1600x32xf32, #tpu.memory_space<vmem>>, vector<16xf32>,
        tpu.vector_store %arg10[%swap3A_709, %swap3A_710], %mul3A_708 {strides = array<i32>} : memref<1600x32xf32, #tpu.memory_space<vmem>>, vector<16xf32>,
        %get3A_712 = arith.index_cast %add3A_704 : i32 to index
        %get3A_713 = arith.constant 16 : index
        %get3A_714 = tpu.vector_load %arg10[%get3A_712, %get3A_713] {strides = array<i32>} : memref<1600x32xf32, #tpu.memory_space<vmem>>, vector<16xf32>,
        %mul3A_715 = arith.mulf %get3A_714, %gather3A : vector<16xf32>
        %swap3A_716 = arith.index_cast %add3A_704 : i32 to index
        %swap3A_717 = arith.constant 16 : index
        %swap3A_718 = tpu.vector_load %arg10[%swap3A_716, %swap3A_717] {strides = array<i32>} : memref<1600x32xf32, #tpu.memory_space<vmem>>, vector<16xf32>,
        tpu.vector_store %arg10[%swap3A_716, %swap3A_717], %mul3A_715 {strides = array<i32>} : memref<1600x32xf32, #tpu.memory_space<vmem>>, vector<16xf32>,
        %mul3A_719 = arith.constant 10 : i32
        %mul3A_720 = arith.muli %scan3A_576, %mul3A_719 : i32
        %add3A_721 = arith.constant 8 : i32
        %add3A_722 = arith.addi %mul3A_720, %add3A_721 : i32
        %get3A_723 = arith.index_cast %add3A_722 : i32 to index
        %get3A_724 = arith.constant 0 : index
        %get3A_725 = tpu.vector_load %arg10[%get3A_723, %get3A_724] {strides = array<i32>} : memref<1600x32xf32, #tpu.memory_space<vmem>>, vector<16xf32>,
        %mul3A_726 = arith.mulf %get3A_725, %gather3A : vector<16xf32>
        %swap3A_727 = arith.index_cast %add3A_722 : i32 to index
        %swap3A_728 = arith.constant 0 : index
        %swap3A_729 = tpu.vector_load %arg10[%swap3A_727, %swap3A_728] {strides = array<i32>} : memref<1600x32xf32, #tpu.memory_space<vmem>>, vector<16xf32>,
        tpu.vector_store %arg10[%swap3A_727, %swap3A_728], %mul3A_726 {strides = array<i32>} : memref<1600x32xf32, #tpu.memory_space<vmem>>, vector<16xf32>,
        %get3A_730 = arith.index_cast %add3A_722 : i32 to index
        %get3A_731 = arith.constant 16 : index
        %get3A_732 = tpu.vector_load %arg10[%get3A_730, %get3A_731] {strides = array<i32>} : memref<1600x32xf32, #tpu.memory_space<vmem>>, vector<16xf32>,
        %mul3A_733 = arith.mulf %get3A_732, %gather3A : vector<16xf32>
        %swap3A_734 = arith.index_cast %add3A_722 : i32 to index
        %swap3A_735 = arith.constant 16 : index
        %swap3A_736 = tpu.vector_load %arg10[%swap3A_734, %swap3A_735] {strides = array<i32>} : memref<1600x32xf32, #tpu.memory_space<vmem>>, vector<16xf32>,
        tpu.vector_store %arg10[%swap3A_734, %swap3A_735], %mul3A_733 {strides = array<i32>} : memref<1600x32xf32, #tpu.memory_space<vmem>>, vector<16xf32>,
        %mul3A_737 = arith.constant 10 : i32
        %mul3A_738 = arith.muli %scan3A_576, %mul3A_737 : i32
        %add3A_739 = arith.constant 9 : i32
        %add3A_740 = arith.addi %mul3A_738, %add3A_739 : i32
        %get3A_741 = arith.index_cast %add3A_740 : i32 to index
        %get3A_742 = arith.constant 0 : index
        %get3A_743 = tpu.vector_load %arg10[%get3A_741, %get3A_742] {strides = array<i32>} : memref<1600x32xf32, #tpu.memory_space<vmem>>, vector<16xf32>,
        %mul3A_744 = arith.mulf %get3A_743, %gather3A : vector<16xf32>
        %swap3A_745 = arith.index_cast %add3A_740 : i32 to index
        %swap3A_746 = arith.constant 0 : index
        %swap3A_747 = tpu.vector_load %arg10[%swap3A_745, %swap3A_746] {strides = array<i32>} : memref<1600x32xf32, #tpu.memory_space<vmem>>, vector<16xf32>,
        tpu.vector_store %arg10[%swap3A_745, %swap3A_746], %mul3A_744 {strides = array<i32>} : memref<1600x32xf32, #tpu.memory_space<vmem>>, vector<16xf32>,
        %get3A_748 = arith.index_cast %add3A_740 : i32 to index
        %get3A_749 = arith.constant 16 : index
        %get3A_750 = tpu.vector_load %arg10[%get3A_748, %get3A_749] {strides = array<i32>} : memref<1600x32xf32, #tpu.memory_space<vmem>>, vector<16xf32>,
        %mul3A_751 = arith.mulf %get3A_750, %gather3A : vector<16xf32>
        %swap3A_752 = arith.index_cast %add3A_740 : i32 to index
        %swap3A_753 = arith.constant 16 : index
        %swap3A_754 = tpu.vector_load %arg10[%swap3A_752, %swap3A_753] {strides = array<i32>} : memref<1600x32xf32, #tpu.memory_space<vmem>>, vector<16xf32>,
        tpu.vector_store %arg10[%swap3A_752, %swap3A_753], %mul3A_751 {strides = array<i32>} : memref<1600x32xf32, #tpu.memory_space<vmem>>, vector<16xf32>,
      }
      %scan3A_378 = arith.constant 160 : i32
      %mul3A_379 = arith.constant 160 : i32
      %mul3A_380 = arith.muli %add3A_208, %mul3A_379 : i32
      %add3A_381 = arith.addi %mul3A_2, %mul3A_380 : i32
      %mul3A_382 = arith.constant 10 : i32
      %mul3A_383 = arith.muli %add3A_381, %mul3A_382 : i32
      %multiple_of3A_384 = tpu.assume_multiple %mul3A_383, 8 : i32
      %dma_start3A_385 = arith.constant 0 : i32
      %dma_start3A_386 = tpu.memref_slice %arg5[%multiple_of3A_384, %dma_start3A_385] : memref<512000x32xf32, #tpu.memory_space<hbm>> -> memref<1600x32xf32, #tpu.memory_space<hbm>>
      %dma_start3A_387 = arith.constant 0 : i32
      %dma_start3A_388 = tpu.memref_slice %arg5[%multiple_of3A_384, %dma_start3A_387] : memref<512000x32xf32, #tpu.memory_space<hbm>> -> memref<1600x32xf32, #tpu.memory_space<hbm>>
      tpu.enqueue_dma source(%arg10 : memref<1600x32xf32, #tpu.memory_space<vmem>>) target(%dma_start3A_388 : memref<1600x32xf32, #tpu.memory_space<hbm>>) target_semaphore(%arg14 : memref<!tpu.dma_semaphore, #tpu.memory_space<semaphore_mem>>)
      %mul3A_389 = arith.constant 2 : i32
      %mul3A_390 = arith.muli %scan3A_204, %mul3A_389 : i32
      %add3A_391 = arith.constant 1 : i32
      %add3A_392 = arith.addi %mul3A_390, %add3A_391 : i32
      %add3A_393 = arith.constant 1 : i32
      %add3A_394 = arith.addi %add3A_392, %add3A_393 : i32
      %lt3A_395 = arith.constant 10 : i32
      %lt3A_396 = arith.cmpi slt, %add3A_394, %lt3A_395 : i32
      %convert_element_type3A_397 = arith.extui %lt3A_396 : i1 to i32
      %cond3A_398 = arith.constant 0 : i32
      %cond3A_399 = arith.cmpi ne, %convert_element_type3A_397, %cond3A_398 : i32
      scf.if %cond3A_399 {
        %ge3A = arith.constant 1 : i32
        %ge3A_576 = arith.cmpi sge, %add3A_392, %ge3A : i32
        %convert_element_type3A_577 = arith.extui %ge3A_576 : i1 to i32
        %cond3A_578 = arith.constant 0 : i32
        %cond3A_579 = arith.cmpi ne, %convert_element_type3A_577, %cond3A_578 : i32
        scf.if %cond3A_579 {
          %sub3A_772 = arith.constant 1 : i32
          %sub3A_773 = arith.subi %add3A_392, %sub3A_772 : i32
          %mul3A_774 = arith.constant 160 : i32
          %mul3A_775 = arith.muli %sub3A_773, %mul3A_774 : i32
          %add3A_776 = arith.addi %mul3A_2, %mul3A_775 : i32
          %mul3A_777 = arith.constant 10 : i32
          %mul3A_778 = arith.muli %add3A_776, %mul3A_777 : i32
          %multiple_of3A_779 = tpu.assume_multiple %mul3A_778, 8 : i32
          %dma_wait3A_780 = arith.constant 0 : i32
          %dma_wait3A_781 = tpu.memref_slice %arg5[%multiple_of3A_779, %dma_wait3A_780] : memref<512000x32xf32, #tpu.memory_space<hbm>> -> memref<1600x32xf32, #tpu.memory_space<hbm>>
          %dma_wait3A_782 = arith.constant 0 : i32
          %dma_wait3A_783 = tpu.memref_slice %arg5[%multiple_of3A_779, %dma_wait3A_782] : memref<512000x32xf32, #tpu.memory_space<hbm>> -> memref<1600x32xf32, #tpu.memory_space<hbm>>
          tpu.wait_dma2 semaphore(%arg14 : memref<!tpu.dma_semaphore, #tpu.memory_space<semaphore_mem>>) src(%arg10 : memref<1600x32xf32, #tpu.memory_space<vmem>>) dst(%dma_wait3A_783 : memref<1600x32xf32, #tpu.memory_space<hbm>>)
        } else {
        }
        %add3A_580 = arith.constant 1 : i32
        %add3A_581 = arith.addi %add3A_392, %add3A_580 : i32
        %mul3A_582 = arith.constant 160 : i32
        %mul3A_583 = arith.muli %add3A_581, %mul3A_582 : i32
        %add3A_584 = arith.addi %mul3A_2, %mul3A_583 : i32
        %multiple_of3A_585 = tpu.assume_multiple %add3A_584, 8 : i32
        %mul3A_586 = arith.constant 10 : i32
        %mul3A_587 = arith.muli %multiple_of3A_585, %mul3A_586 : i32
        %jit3A_588 = arith.constant 100 : i32
        %div3A_589 = arith.divsi %mul3A_587, %jit3A_588 : i32
        %sign3A_590 = arith.constant 0 : i32
        %sign3A_591 = arith.cmpi sgt, %mul3A_587, %sign3A_590 : i32
        %sign3A_592 = arith.extui %sign3A_591 : i1 to i32
        %sign3A_593 = arith.constant 0 : i32
        %sign3A_594 = arith.cmpi slt, %mul3A_587, %sign3A_593 : i32
        %sign3A_595 = arith.extui %sign3A_594 : i1 to i32
        %sign3A_596 = arith.subi %sign3A_592, %sign3A_595 : i32
        %sign3A_597 = arith.constant 0 : i32
        %sign3A_598 = arith.cmpi sgt, %jit3A_588, %sign3A_597 : i32
        %sign3A_599 = arith.extui %sign3A_598 : i1 to i32
        %sign3A_600 = arith.constant 0 : i32
        %sign3A_601 = arith.cmpi slt, %jit3A_588, %sign3A_600 : i32
        %sign3A_602 = arith.extui %sign3A_601 : i1 to i32
        %sign3A_603 = arith.subi %sign3A_599, %sign3A_602 : i32
        %ne3A_604 = arith.cmpi ne, %sign3A_596, %sign3A_603 : i32
        %rem3A_605 = arith.remsi %mul3A_587, %jit3A_588 : i32
        %ne3A_606 = arith.constant 0 : i32
        %ne3A_607 = arith.cmpi ne, %rem3A_605, %ne3A_606 : i32
        %and3A_608 = arith.andi %ne3A_604, %ne3A_607 : i1
        %sub3A_609 = arith.constant 1 : i32
        %sub3A_610 = arith.subi %div3A_589, %sub3A_609 : i32
        %select_n3A_611 = arith.select %and3A_608, %sub3A_610, %div3A_589 : i32
        "tpu.region"() ({
          %run_scoped3A = tpu.sem_alloc : memref<!tpu.dma_semaphore, #tpu.memory_space<semaphore_mem>>
          %dma_start3A_772 = arith.constant 0 : i32
          %dma_start3A_773 = tpu.memref_slice %arg2[%select_n3A_611, %dma_start3A_772] : memref<5120x100xi32, #tpu.memory_space<hbm>> -> memref<16x100xi32, #tpu.memory_space<hbm>>
          %dma_start3A_774 = arith.constant 0 : i32
          %dma_start3A_775 = tpu.memref_slice %arg2[%select_n3A_611, %dma_start3A_774] : memref<5120x100xi32, #tpu.memory_space<hbm>> -> memref<16x100xi32, #tpu.memory_space<hbm>>
          tpu.enqueue_dma source(%dma_start3A_775 : memref<16x100xi32, #tpu.memory_space<hbm>>) target(%arg6 : memref<16x100xi32, #tpu.memory_space<vmem>>) target_semaphore(%run_scoped3A : memref<!tpu.dma_semaphore, #tpu.memory_space<semaphore_mem>>)
          %dma_wait3A_776 = arith.constant 0 : i32
          %dma_wait3A_777 = tpu.memref_slice %arg2[%select_n3A_611, %dma_wait3A_776] : memref<5120x100xi32, #tpu.memory_space<hbm>> -> memref<16x100xi32, #tpu.memory_space<hbm>>
          %dma_wait3A_778 = arith.constant 0 : i32
          %dma_wait3A_779 = tpu.memref_slice %arg2[%select_n3A_611, %dma_wait3A_778] : memref<5120x100xi32, #tpu.memory_space<hbm>> -> memref<16x100xi32, #tpu.memory_space<hbm>>
          tpu.wait_dma2 semaphore(%run_scoped3A : memref<!tpu.dma_semaphore, #tpu.memory_space<semaphore_mem>>) src(%dma_wait3A_779 : memref<16x100xi32, #tpu.memory_space<hbm>>) dst(%arg6 : memref<16x100xi32, #tpu.memory_space<vmem>>)
          tpu.yield
        }) : () -> ()
        "tpu.region"() ({
          %run_scoped3A = tpu.sem_alloc : memref<!tpu.dma_semaphore, #tpu.memory_space<semaphore_mem>>
          %dma_start3A_772 = tpu.memref_slice %arg3[%multiple_of3A_585] : memref<51200xf32, #tpu.memory_space<hbm>> -> memref<160xf32, #tpu.memory_space<hbm>>
          %dma_start3A_773 = tpu.memref_slice %arg3[%multiple_of3A_585] : memref<51200xf32, #tpu.memory_space<hbm>> -> memref<160xf32, #tpu.memory_space<hbm>>
          tpu.enqueue_dma source(%dma_start3A_773 : memref<160xf32, #tpu.memory_space<hbm>>) target(%arg8 : memref<160xf32, #tpu.memory_space<vmem>>) target_semaphore(%run_scoped3A : memref<!tpu.dma_semaphore, #tpu.memory_space<semaphore_mem>>)
          %dma_wait3A_774 = tpu.memref_slice %arg3[%multiple_of3A_585] : memref<51200xf32, #tpu.memory_space<hbm>> -> memref<160xf32, #tpu.memory_space<hbm>>
          %dma_wait3A_775 = tpu.memref_slice %arg3[%multiple_of3A_585] : memref<51200xf32, #tpu.memory_space<hbm>> -> memref<160xf32, #tpu.memory_space<hbm>>
          tpu.wait_dma2 semaphore(%run_scoped3A : memref<!tpu.dma_semaphore, #tpu.memory_space<semaphore_mem>>) src(%dma_wait3A_775 : memref<160xf32, #tpu.memory_space<hbm>>) dst(%arg8 : memref<160xf32, #tpu.memory_space<vmem>>)
          tpu.yield
        }) : () -> ()
        %dma_start3A_612 = arith.constant 0 : i32
        %dma_start3A_613 = arith.constant 0 : i32
        %dma_start3A_614 = arith.constant 0 : i32
        %dma_start3A_615 = tpu.memref_slice %arg10[%dma_start3A_613, %dma_start3A_614] : memref<1600x32xf32, #tpu.memory_space<vmem>> -> memref<100x32xf32, #tpu.memory_space<vmem>>
        %dma_start3A_616 = arith.constant 0 : i32
        %dma_start3A_617 = tpu.memref_slice %arg6[%dma_start3A_612, %dma_start3A_616] : memref<16x100xi32, #tpu.memory_space<vmem>> -> memref<1x100xi32, #tpu.memory_space<vmem>>
        %dma_start3A_618 = tpu.memref_squeeze %dma_start3A_617 : memref<1x100xi32, #tpu.memory_space<vmem>> -> memref<100xi32, #tpu.memory_space<vmem>>
        %dma_start3A_619 = arith.constant 0 : i32
        %dma_start3A_620 = arith.constant 0 : i32
        %dma_start3A_621 = tpu.memref_slice %arg4[%dma_start3A_619, %dma_start3A_620] : memref<100000x32xf32, #tpu.memory_space<hbm>> -> memref<100000x32xf32, #tpu.memory_space<hbm>>
        tpu.enqueue_indirect_dma source(%dma_start3A_621 : memref<100000x32xf32, #tpu.memory_space<hbm>>) target(%dma_start3A_615 : memref<100x32xf32, #tpu.memory_space<vmem>>) offsets(%dma_start3A_618 : memref<100xi32, #tpu.memory_space<vmem>>) semaphore(%arg12 : memref<!tpu.dma_semaphore, #tpu.memory_space<semaphore_mem>>)
        %dma_start3A_622 = arith.constant 1 : i32
        %dma_start3A_623 = arith.constant 100 : i32
        %dma_start3A_624 = arith.constant 0 : i32
        %dma_start3A_625 = tpu.memref_slice %arg10[%dma_start3A_623, %dma_start3A_624] : memref<1600x32xf32, #tpu.memory_space<vmem>> -> memref<100x32xf32, #tpu.memory_space<vmem>>
        %dma_start3A_626 = arith.constant 0 : i32
        %dma_start3A_627 = tpu.memref_slice %arg6[%dma_start3A_622, %dma_start3A_626] : memref<16x100xi32, #tpu.memory_space<vmem>> -> memref<1x100xi32, #tpu.memory_space<vmem>>
        %dma_start3A_628 = tpu.memref_squeeze %dma_start3A_627 : memref<1x100xi32, #tpu.memory_space<vmem>> -> memref<100xi32, #tpu.memory_space<vmem>>
        %dma_start3A_629 = arith.constant 0 : i32
        %dma_start3A_630 = arith.constant 0 : i32
        %dma_start3A_631 = tpu.memref_slice %arg4[%dma_start3A_629, %dma_start3A_630] : memref<100000x32xf32, #tpu.memory_space<hbm>> -> memref<100000x32xf32, #tpu.memory_space<hbm>>
        tpu.enqueue_indirect_dma source(%dma_start3A_631 : memref<100000x32xf32, #tpu.memory_space<hbm>>) target(%dma_start3A_625 : memref<100x32xf32, #tpu.memory_space<vmem>>) offsets(%dma_start3A_628 : memref<100xi32, #tpu.memory_space<vmem>>) semaphore(%arg12 : memref<!tpu.dma_semaphore, #tpu.memory_space<semaphore_mem>>)
        %dma_start3A_632 = arith.constant 2 : i32
        %dma_start3A_633 = arith.constant 200 : i32
        %dma_start3A_634 = arith.constant 0 : i32
        %dma_start3A_635 = tpu.memref_slice %arg10[%dma_start3A_633, %dma_start3A_634] : memref<1600x32xf32, #tpu.memory_space<vmem>> -> memref<100x32xf32, #tpu.memory_space<vmem>>
        %dma_start3A_636 = arith.constant 0 : i32
        %dma_start3A_637 = tpu.memref_slice %arg6[%dma_start3A_632, %dma_start3A_636] : memref<16x100xi32, #tpu.memory_space<vmem>> -> memref<1x100xi32, #tpu.memory_space<vmem>>
        %dma_start3A_638 = tpu.memref_squeeze %dma_start3A_637 : memref<1x100xi32, #tpu.memory_space<vmem>> -> memref<100xi32, #tpu.memory_space<vmem>>
        %dma_start3A_639 = arith.constant 0 : i32
        %dma_start3A_640 = arith.constant 0 : i32
        %dma_start3A_641 = tpu.memref_slice %arg4[%dma_start3A_639, %dma_start3A_640] : memref<100000x32xf32, #tpu.memory_space<hbm>> -> memref<100000x32xf32, #tpu.memory_space<hbm>>
        tpu.enqueue_indirect_dma source(%dma_start3A_641 : memref<100000x32xf32, #tpu.memory_space<hbm>>) target(%dma_start3A_635 : memref<100x32xf32, #tpu.memory_space<vmem>>) offsets(%dma_start3A_638 : memref<100xi32, #tpu.memory_space<vmem>>) semaphore(%arg12 : memref<!tpu.dma_semaphore, #tpu.memory_space<semaphore_mem>>)
        %dma_start3A_642 = arith.constant 3 : i32
        %dma_start3A_643 = arith.constant 300 : i32
        %dma_start3A_644 = arith.constant 0 : i32
        %dma_start3A_645 = tpu.memref_slice %arg10[%dma_start3A_643, %dma_start3A_644] : memref<1600x32xf32, #tpu.memory_space<vmem>> -> memref<100x32xf32, #tpu.memory_space<vmem>>
        %dma_start3A_646 = arith.constant 0 : i32
        %dma_start3A_647 = tpu.memref_slice %arg6[%dma_start3A_642, %dma_start3A_646] : memref<16x100xi32, #tpu.memory_space<vmem>> -> memref<1x100xi32, #tpu.memory_space<vmem>>
        %dma_start3A_648 = tpu.memref_squeeze %dma_start3A_647 : memref<1x100xi32, #tpu.memory_space<vmem>> -> memref<100xi32, #tpu.memory_space<vmem>>
        %dma_start3A_649 = arith.constant 0 : i32
        %dma_start3A_650 = arith.constant 0 : i32
        %dma_start3A_651 = tpu.memref_slice %arg4[%dma_start3A_649, %dma_start3A_650] : memref<100000x32xf32, #tpu.memory_space<hbm>> -> memref<100000x32xf32, #tpu.memory_space<hbm>>
        tpu.enqueue_indirect_dma source(%dma_start3A_651 : memref<100000x32xf32, #tpu.memory_space<hbm>>) target(%dma_start3A_645 : memref<100x32xf32, #tpu.memory_space<vmem>>) offsets(%dma_start3A_648 : memref<100xi32, #tpu.memory_space<vmem>>) semaphore(%arg12 : memref<!tpu.dma_semaphore, #tpu.memory_space<semaphore_mem>>)
        %dma_start3A_652 = arith.constant 4 : i32
        %dma_start3A_653 = arith.constant 400 : i32
        %dma_start3A_654 = arith.constant 0 : i32
        %dma_start3A_655 = tpu.memref_slice %arg10[%dma_start3A_653, %dma_start3A_654] : memref<1600x32xf32, #tpu.memory_space<vmem>> -> memref<100x32xf32, #tpu.memory_space<vmem>>
        %dma_start3A_656 = arith.constant 0 : i32
        %dma_start3A_657 = tpu.memref_slice %arg6[%dma_start3A_652, %dma_start3A_656] : memref<16x100xi32, #tpu.memory_space<vmem>> -> memref<1x100xi32, #tpu.memory_space<vmem>>
        %dma_start3A_658 = tpu.memref_squeeze %dma_start3A_657 : memref<1x100xi32, #tpu.memory_space<vmem>> -> memref<100xi32, #tpu.memory_space<vmem>>
        %dma_start3A_659 = arith.constant 0 : i32
        %dma_start3A_660 = arith.constant 0 : i32
        %dma_start3A_661 = tpu.memref_slice %arg4[%dma_start3A_659, %dma_start3A_660] : memref<100000x32xf32, #tpu.memory_space<hbm>> -> memref<100000x32xf32, #tpu.memory_space<hbm>>
        tpu.enqueue_indirect_dma source(%dma_start3A_661 : memref<100000x32xf32, #tpu.memory_space<hbm>>) target(%dma_start3A_655 : memref<100x32xf32, #tpu.memory_space<vmem>>) offsets(%dma_start3A_658 : memref<100xi32, #tpu.memory_space<vmem>>) semaphore(%arg12 : memref<!tpu.dma_semaphore, #tpu.memory_space<semaphore_mem>>)
        %dma_start3A_662 = arith.constant 5 : i32
        %dma_start3A_663 = arith.constant 500 : i32
        %dma_start3A_664 = arith.constant 0 : i32
        %dma_start3A_665 = tpu.memref_slice %arg10[%dma_start3A_663, %dma_start3A_664] : memref<1600x32xf32, #tpu.memory_space<vmem>> -> memref<100x32xf32, #tpu.memory_space<vmem>>
        %dma_start3A_666 = arith.constant 0 : i32
        %dma_start3A_667 = tpu.memref_slice %arg6[%dma_start3A_662, %dma_start3A_666] : memref<16x100xi32, #tpu.memory_space<vmem>> -> memref<1x100xi32, #tpu.memory_space<vmem>>
        %dma_start3A_668 = tpu.memref_squeeze %dma_start3A_667 : memref<1x100xi32, #tpu.memory_space<vmem>> -> memref<100xi32, #tpu.memory_space<vmem>>
        %dma_start3A_669 = arith.constant 0 : i32
        %dma_start3A_670 = arith.constant 0 : i32
        %dma_start3A_671 = tpu.memref_slice %arg4[%dma_start3A_669, %dma_start3A_670] : memref<100000x32xf32, #tpu.memory_space<hbm>> -> memref<100000x32xf32, #tpu.memory_space<hbm>>
        tpu.enqueue_indirect_dma source(%dma_start3A_671 : memref<100000x32xf32, #tpu.memory_space<hbm>>) target(%dma_start3A_665 : memref<100x32xf32, #tpu.memory_space<vmem>>) offsets(%dma_start3A_668 : memref<100xi32, #tpu.memory_space<vmem>>) semaphore(%arg12 : memref<!tpu.dma_semaphore, #tpu.memory_space<semaphore_mem>>)
        %dma_start3A_672 = arith.constant 6 : i32
        %dma_start3A_673 = arith.constant 600 : i32
        %dma_start3A_674 = arith.constant 0 : i32
        %dma_start3A_675 = tpu.memref_slice %arg10[%dma_start3A_673, %dma_start3A_674] : memref<1600x32xf32, #tpu.memory_space<vmem>> -> memref<100x32xf32, #tpu.memory_space<vmem>>
        %dma_start3A_676 = arith.constant 0 : i32
        %dma_start3A_677 = tpu.memref_slice %arg6[%dma_start3A_672, %dma_start3A_676] : memref<16x100xi32, #tpu.memory_space<vmem>> -> memref<1x100xi32, #tpu.memory_space<vmem>>
        %dma_start3A_678 = tpu.memref_squeeze %dma_start3A_677 : memref<1x100xi32, #tpu.memory_space<vmem>> -> memref<100xi32, #tpu.memory_space<vmem>>
        %dma_start3A_679 = arith.constant 0 : i32
        %dma_start3A_680 = arith.constant 0 : i32
        %dma_start3A_681 = tpu.memref_slice %arg4[%dma_start3A_679, %dma_start3A_680] : memref<100000x32xf32, #tpu.memory_space<hbm>> -> memref<100000x32xf32, #tpu.memory_space<hbm>>
        tpu.enqueue_indirect_dma source(%dma_start3A_681 : memref<100000x32xf32, #tpu.memory_space<hbm>>) target(%dma_start3A_675 : memref<100x32xf32, #tpu.memory_space<vmem>>) offsets(%dma_start3A_678 : memref<100xi32, #tpu.memory_space<vmem>>) semaphore(%arg12 : memref<!tpu.dma_semaphore, #tpu.memory_space<semaphore_mem>>)
        %dma_start3A_682 = arith.constant 7 : i32
        %dma_start3A_683 = arith.constant 700 : i32
        %dma_start3A_684 = arith.constant 0 : i32
        %dma_start3A_685 = tpu.memref_slice %arg10[%dma_start3A_683, %dma_start3A_684] : memref<1600x32xf32, #tpu.memory_space<vmem>> -> memref<100x32xf32, #tpu.memory_space<vmem>>
        %dma_start3A_686 = arith.constant 0 : i32
        %dma_start3A_687 = tpu.memref_slice %arg6[%dma_start3A_682, %dma_start3A_686] : memref<16x100xi32, #tpu.memory_space<vmem>> -> memref<1x100xi32, #tpu.memory_space<vmem>>
        %dma_start3A_688 = tpu.memref_squeeze %dma_start3A_687 : memref<1x100xi32, #tpu.memory_space<vmem>> -> memref<100xi32, #tpu.memory_space<vmem>>
        %dma_start3A_689 = arith.constant 0 : i32
        %dma_start3A_690 = arith.constant 0 : i32
        %dma_start3A_691 = tpu.memref_slice %arg4[%dma_start3A_689, %dma_start3A_690] : memref<100000x32xf32, #tpu.memory_space<hbm>> -> memref<100000x32xf32, #tpu.memory_space<hbm>>
        tpu.enqueue_indirect_dma source(%dma_start3A_691 : memref<100000x32xf32, #tpu.memory_space<hbm>>) target(%dma_start3A_685 : memref<100x32xf32, #tpu.memory_space<vmem>>) offsets(%dma_start3A_688 : memref<100xi32, #tpu.memory_space<vmem>>) semaphore(%arg12 : memref<!tpu.dma_semaphore, #tpu.memory_space<semaphore_mem>>)
        %dma_start3A_692 = arith.constant 8 : i32
        %dma_start3A_693 = arith.constant 800 : i32
        %dma_start3A_694 = arith.constant 0 : i32
        %dma_start3A_695 = tpu.memref_slice %arg10[%dma_start3A_693, %dma_start3A_694] : memref<1600x32xf32, #tpu.memory_space<vmem>> -> memref<100x32xf32, #tpu.memory_space<vmem>>
        %dma_start3A_696 = arith.constant 0 : i32
        %dma_start3A_697 = tpu.memref_slice %arg6[%dma_start3A_692, %dma_start3A_696] : memref<16x100xi32, #tpu.memory_space<vmem>> -> memref<1x100xi32, #tpu.memory_space<vmem>>
        %dma_start3A_698 = tpu.memref_squeeze %dma_start3A_697 : memref<1x100xi32, #tpu.memory_space<vmem>> -> memref<100xi32, #tpu.memory_space<vmem>>
        %dma_start3A_699 = arith.constant 0 : i32
        %dma_start3A_700 = arith.constant 0 : i32
        %dma_start3A_701 = tpu.memref_slice %arg4[%dma_start3A_699, %dma_start3A_700] : memref<100000x32xf32, #tpu.memory_space<hbm>> -> memref<100000x32xf32, #tpu.memory_space<hbm>>
        tpu.enqueue_indirect_dma source(%dma_start3A_701 : memref<100000x32xf32, #tpu.memory_space<hbm>>) target(%dma_start3A_695 : memref<100x32xf32, #tpu.memory_space<vmem>>) offsets(%dma_start3A_698 : memref<100xi32, #tpu.memory_space<vmem>>) semaphore(%arg12 : memref<!tpu.dma_semaphore, #tpu.memory_space<semaphore_mem>>)
        %dma_start3A_702 = arith.constant 9 : i32
        %dma_start3A_703 = arith.constant 900 : i32
        %dma_start3A_704 = arith.constant 0 : i32
        %dma_start3A_705 = tpu.memref_slice %arg10[%dma_start3A_703, %dma_start3A_704] : memref<1600x32xf32, #tpu.memory_space<vmem>> -> memref<100x32xf32, #tpu.memory_space<vmem>>
        %dma_start3A_706 = arith.constant 0 : i32
        %dma_start3A_707 = tpu.memref_slice %arg6[%dma_start3A_702, %dma_start3A_706] : memref<16x100xi32, #tpu.memory_space<vmem>> -> memref<1x100xi32, #tpu.memory_space<vmem>>
        %dma_start3A_708 = tpu.memref_squeeze %dma_start3A_707 : memref<1x100xi32, #tpu.memory_space<vmem>> -> memref<100xi32, #tpu.memory_space<vmem>>
        %dma_start3A_709 = arith.constant 0 : i32
        %dma_start3A_710 = arith.constant 0 : i32
        %dma_start3A_711 = tpu.memref_slice %arg4[%dma_start3A_709, %dma_start3A_710] : memref<100000x32xf32, #tpu.memory_space<hbm>> -> memref<100000x32xf32, #tpu.memory_space<hbm>>
        tpu.enqueue_indirect_dma source(%dma_start3A_711 : memref<100000x32xf32, #tpu.memory_space<hbm>>) target(%dma_start3A_705 : memref<100x32xf32, #tpu.memory_space<vmem>>) offsets(%dma_start3A_708 : memref<100xi32, #tpu.memory_space<vmem>>) semaphore(%arg12 : memref<!tpu.dma_semaphore, #tpu.memory_space<semaphore_mem>>)
        %dma_start3A_712 = arith.constant 10 : i32
        %dma_start3A_713 = arith.constant 1000 : i32
        %dma_start3A_714 = arith.constant 0 : i32
        %dma_start3A_715 = tpu.memref_slice %arg10[%dma_start3A_713, %dma_start3A_714] : memref<1600x32xf32, #tpu.memory_space<vmem>> -> memref<100x32xf32, #tpu.memory_space<vmem>>
        %dma_start3A_716 = arith.constant 0 : i32
        %dma_start3A_717 = tpu.memref_slice %arg6[%dma_start3A_712, %dma_start3A_716] : memref<16x100xi32, #tpu.memory_space<vmem>> -> memref<1x100xi32, #tpu.memory_space<vmem>>
        %dma_start3A_718 = tpu.memref_squeeze %dma_start3A_717 : memref<1x100xi32, #tpu.memory_space<vmem>> -> memref<100xi32, #tpu.memory_space<vmem>>
        %dma_start3A_719 = arith.constant 0 : i32
        %dma_start3A_720 = arith.constant 0 : i32
        %dma_start3A_721 = tpu.memref_slice %arg4[%dma_start3A_719, %dma_start3A_720] : memref<100000x32xf32, #tpu.memory_space<hbm>> -> memref<100000x32xf32, #tpu.memory_space<hbm>>
        tpu.enqueue_indirect_dma source(%dma_start3A_721 : memref<100000x32xf32, #tpu.memory_space<hbm>>) target(%dma_start3A_715 : memref<100x32xf32, #tpu.memory_space<vmem>>) offsets(%dma_start3A_718 : memref<100xi32, #tpu.memory_space<vmem>>) semaphore(%arg12 : memref<!tpu.dma_semaphore, #tpu.memory_space<semaphore_mem>>)
        %dma_start3A_722 = arith.constant 11 : i32
        %dma_start3A_723 = arith.constant 1100 : i32
        %dma_start3A_724 = arith.constant 0 : i32
        %dma_start3A_725 = tpu.memref_slice %arg10[%dma_start3A_723, %dma_start3A_724] : memref<1600x32xf32, #tpu.memory_space<vmem>> -> memref<100x32xf32, #tpu.memory_space<vmem>>
        %dma_start3A_726 = arith.constant 0 : i32
        %dma_start3A_727 = tpu.memref_slice %arg6[%dma_start3A_722, %dma_start3A_726] : memref<16x100xi32, #tpu.memory_space<vmem>> -> memref<1x100xi32, #tpu.memory_space<vmem>>
        %dma_start3A_728 = tpu.memref_squeeze %dma_start3A_727 : memref<1x100xi32, #tpu.memory_space<vmem>> -> memref<100xi32, #tpu.memory_space<vmem>>
        %dma_start3A_729 = arith.constant 0 : i32
        %dma_start3A_730 = arith.constant 0 : i32
        %dma_start3A_731 = tpu.memref_slice %arg4[%dma_start3A_729, %dma_start3A_730] : memref<100000x32xf32, #tpu.memory_space<hbm>> -> memref<100000x32xf32, #tpu.memory_space<hbm>>
        tpu.enqueue_indirect_dma source(%dma_start3A_731 : memref<100000x32xf32, #tpu.memory_space<hbm>>) target(%dma_start3A_725 : memref<100x32xf32, #tpu.memory_space<vmem>>) offsets(%dma_start3A_728 : memref<100xi32, #tpu.memory_space<vmem>>) semaphore(%arg12 : memref<!tpu.dma_semaphore, #tpu.memory_space<semaphore_mem>>)
        %dma_start3A_732 = arith.constant 12 : i32
        %dma_start3A_733 = arith.constant 1200 : i32
        %dma_start3A_734 = arith.constant 0 : i32
        %dma_start3A_735 = tpu.memref_slice %arg10[%dma_start3A_733, %dma_start3A_734] : memref<1600x32xf32, #tpu.memory_space<vmem>> -> memref<100x32xf32, #tpu.memory_space<vmem>>
        %dma_start3A_736 = arith.constant 0 : i32
        %dma_start3A_737 = tpu.memref_slice %arg6[%dma_start3A_732, %dma_start3A_736] : memref<16x100xi32, #tpu.memory_space<vmem>> -> memref<1x100xi32, #tpu.memory_space<vmem>>
        %dma_start3A_738 = tpu.memref_squeeze %dma_start3A_737 : memref<1x100xi32, #tpu.memory_space<vmem>> -> memref<100xi32, #tpu.memory_space<vmem>>
        %dma_start3A_739 = arith.constant 0 : i32
        %dma_start3A_740 = arith.constant 0 : i32
        %dma_start3A_741 = tpu.memref_slice %arg4[%dma_start3A_739, %dma_start3A_740] : memref<100000x32xf32, #tpu.memory_space<hbm>> -> memref<100000x32xf32, #tpu.memory_space<hbm>>
        tpu.enqueue_indirect_dma source(%dma_start3A_741 : memref<100000x32xf32, #tpu.memory_space<hbm>>) target(%dma_start3A_735 : memref<100x32xf32, #tpu.memory_space<vmem>>) offsets(%dma_start3A_738 : memref<100xi32, #tpu.memory_space<vmem>>) semaphore(%arg12 : memref<!tpu.dma_semaphore, #tpu.memory_space<semaphore_mem>>)
        %dma_start3A_742 = arith.constant 13 : i32
        %dma_start3A_743 = arith.constant 1300 : i32
        %dma_start3A_744 = arith.constant 0 : i32
        %dma_start3A_745 = tpu.memref_slice %arg10[%dma_start3A_743, %dma_start3A_744] : memref<1600x32xf32, #tpu.memory_space<vmem>> -> memref<100x32xf32, #tpu.memory_space<vmem>>
        %dma_start3A_746 = arith.constant 0 : i32
        %dma_start3A_747 = tpu.memref_slice %arg6[%dma_start3A_742, %dma_start3A_746] : memref<16x100xi32, #tpu.memory_space<vmem>> -> memref<1x100xi32, #tpu.memory_space<vmem>>
        %dma_start3A_748 = tpu.memref_squeeze %dma_start3A_747 : memref<1x100xi32, #tpu.memory_space<vmem>> -> memref<100xi32, #tpu.memory_space<vmem>>
        %dma_start3A_749 = arith.constant 0 : i32
        %dma_start3A_750 = arith.constant 0 : i32
        %dma_start3A_751 = tpu.memref_slice %arg4[%dma_start3A_749, %dma_start3A_750] : memref<100000x32xf32, #tpu.memory_space<hbm>> -> memref<100000x32xf32, #tpu.memory_space<hbm>>
        tpu.enqueue_indirect_dma source(%dma_start3A_751 : memref<100000x32xf32, #tpu.memory_space<hbm>>) target(%dma_start3A_745 : memref<100x32xf32, #tpu.memory_space<vmem>>) offsets(%dma_start3A_748 : memref<100xi32, #tpu.memory_space<vmem>>) semaphore(%arg12 : memref<!tpu.dma_semaphore, #tpu.memory_space<semaphore_mem>>)
        %dma_start3A_752 = arith.constant 14 : i32
        %dma_start3A_753 = arith.constant 1400 : i32
        %dma_start3A_754 = arith.constant 0 : i32
        %dma_start3A_755 = tpu.memref_slice %arg10[%dma_start3A_753, %dma_start3A_754] : memref<1600x32xf32, #tpu.memory_space<vmem>> -> memref<100x32xf32, #tpu.memory_space<vmem>>
        %dma_start3A_756 = arith.constant 0 : i32
        %dma_start3A_757 = tpu.memref_slice %arg6[%dma_start3A_752, %dma_start3A_756] : memref<16x100xi32, #tpu.memory_space<vmem>> -> memref<1x100xi32, #tpu.memory_space<vmem>>
        %dma_start3A_758 = tpu.memref_squeeze %dma_start3A_757 : memref<1x100xi32, #tpu.memory_space<vmem>> -> memref<100xi32, #tpu.memory_space<vmem>>
        %dma_start3A_759 = arith.constant 0 : i32
        %dma_start3A_760 = arith.constant 0 : i32
        %dma_start3A_761 = tpu.memref_slice %arg4[%dma_start3A_759, %dma_start3A_760] : memref<100000x32xf32, #tpu.memory_space<hbm>> -> memref<100000x32xf32, #tpu.memory_space<hbm>>
        tpu.enqueue_indirect_dma source(%dma_start3A_761 : memref<100000x32xf32, #tpu.memory_space<hbm>>) target(%dma_start3A_755 : memref<100x32xf32, #tpu.memory_space<vmem>>) offsets(%dma_start3A_758 : memref<100xi32, #tpu.memory_space<vmem>>) semaphore(%arg12 : memref<!tpu.dma_semaphore, #tpu.memory_space<semaphore_mem>>)
        %dma_start3A_762 = arith.constant 15 : i32
        %dma_start3A_763 = arith.constant 1500 : i32
        %dma_start3A_764 = arith.constant 0 : i32
        %dma_start3A_765 = tpu.memref_slice %arg10[%dma_start3A_763, %dma_start3A_764] : memref<1600x32xf32, #tpu.memory_space<vmem>> -> memref<100x32xf32, #tpu.memory_space<vmem>>
        %dma_start3A_766 = arith.constant 0 : i32
        %dma_start3A_767 = tpu.memref_slice %arg6[%dma_start3A_762, %dma_start3A_766] : memref<16x100xi32, #tpu.memory_space<vmem>> -> memref<1x100xi32, #tpu.memory_space<vmem>>
        %dma_start3A_768 = tpu.memref_squeeze %dma_start3A_767 : memref<1x100xi32, #tpu.memory_space<vmem>> -> memref<100xi32, #tpu.memory_space<vmem>>
        %dma_start3A_769 = arith.constant 0 : i32
        %dma_start3A_770 = arith.constant 0 : i32
        %dma_start3A_771 = tpu.memref_slice %arg4[%dma_start3A_769, %dma_start3A_770] : memref<100000x32xf32, #tpu.memory_space<hbm>> -> memref<100000x32xf32, #tpu.memory_space<hbm>>
        tpu.enqueue_indirect_dma source(%dma_start3A_771 : memref<100000x32xf32, #tpu.memory_space<hbm>>) target(%dma_start3A_765 : memref<100x32xf32, #tpu.memory_space<vmem>>) offsets(%dma_start3A_768 : memref<100xi32, #tpu.memory_space<vmem>>) semaphore(%arg12 : memref<!tpu.dma_semaphore, #tpu.memory_space<semaphore_mem>>)
      } else {
      }
      %dma_wait3A_400 = arith.constant 0 : i32
      %dma_wait3A_401 = arith.constant 0 : i32
      %dma_wait3A_402 = arith.constant 0 : i32
      %dma_wait3A_403 = tpu.memref_slice %arg11[%dma_wait3A_401, %dma_wait3A_402] : memref<1600x32xf32, #tpu.memory_space<vmem>> -> memref<100x32xf32, #tpu.memory_space<vmem>>
      %dma_wait3A_404 = arith.constant 0 : i32
      %dma_wait3A_405 = tpu.memref_slice %arg7[%dma_wait3A_400, %dma_wait3A_404] : memref<16x100xi32, #tpu.memory_space<vmem>> -> memref<1x100xi32, #tpu.memory_space<vmem>>
      %dma_wait3A_406 = tpu.memref_squeeze %dma_wait3A_405 : memref<1x100xi32, #tpu.memory_space<vmem>> -> memref<100xi32, #tpu.memory_space<vmem>>
      %dma_wait3A_407 = arith.constant 0 : i32
      %dma_wait3A_408 = arith.constant 0 : i32
      %dma_wait3A_409 = tpu.memref_slice %arg4[%dma_wait3A_407, %dma_wait3A_408] : memref<100000x32xf32, #tpu.memory_space<hbm>> -> memref<100000x32xf32, #tpu.memory_space<hbm>>
      tpu.wait_indirect_dma semaphore(%arg13 : memref<!tpu.dma_semaphore, #tpu.memory_space<semaphore_mem>>) src(%dma_wait3A_409 : memref<100000x32xf32, #tpu.memory_space<hbm>>) dst(%dma_wait3A_403 : memref<100x32xf32, #tpu.memory_space<vmem>>)
      %dma_wait3A_410 = arith.constant 1 : i32
      %dma_wait3A_411 = arith.constant 100 : i32
      %dma_wait3A_412 = arith.constant 0 : i32
      %dma_wait3A_413 = tpu.memref_slice %arg11[%dma_wait3A_411, %dma_wait3A_412] : memref<1600x32xf32, #tpu.memory_space<vmem>> -> memref<100x32xf32, #tpu.memory_space<vmem>>
      %dma_wait3A_414 = arith.constant 0 : i32
      %dma_wait3A_415 = tpu.memref_slice %arg7[%dma_wait3A_410, %dma_wait3A_414] : memref<16x100xi32, #tpu.memory_space<vmem>> -> memref<1x100xi32, #tpu.memory_space<vmem>>
      %dma_wait3A_416 = tpu.memref_squeeze %dma_wait3A_415 : memref<1x100xi32, #tpu.memory_space<vmem>> -> memref<100xi32, #tpu.memory_space<vmem>>
      %dma_wait3A_417 = arith.constant 0 : i32
      %dma_wait3A_418 = arith.constant 0 : i32
      %dma_wait3A_419 = tpu.memref_slice %arg4[%dma_wait3A_417, %dma_wait3A_418] : memref<100000x32xf32, #tpu.memory_space<hbm>> -> memref<100000x32xf32, #tpu.memory_space<hbm>>
      tpu.wait_indirect_dma semaphore(%arg13 : memref<!tpu.dma_semaphore, #tpu.memory_space<semaphore_mem>>) src(%dma_wait3A_419 : memref<100000x32xf32, #tpu.memory_space<hbm>>) dst(%dma_wait3A_413 : memref<100x32xf32, #tpu.memory_space<vmem>>)
      %dma_wait3A_420 = arith.constant 2 : i32
      %dma_wait3A_421 = arith.constant 200 : i32
      %dma_wait3A_422 = arith.constant 0 : i32
      %dma_wait3A_423 = tpu.memref_slice %arg11[%dma_wait3A_421, %dma_wait3A_422] : memref<1600x32xf32, #tpu.memory_space<vmem>> -> memref<100x32xf32, #tpu.memory_space<vmem>>
      %dma_wait3A_424 = arith.constant 0 : i32
      %dma_wait3A_425 = tpu.memref_slice %arg7[%dma_wait3A_420, %dma_wait3A_424] : memref<16x100xi32, #tpu.memory_space<vmem>> -> memref<1x100xi32, #tpu.memory_space<vmem>>
      %dma_wait3A_426 = tpu.memref_squeeze %dma_wait3A_425 : memref<1x100xi32, #tpu.memory_space<vmem>> -> memref<100xi32, #tpu.memory_space<vmem>>
      %dma_wait3A_427 = arith.constant 0 : i32
      %dma_wait3A_428 = arith.constant 0 : i32
      %dma_wait3A_429 = tpu.memref_slice %arg4[%dma_wait3A_427, %dma_wait3A_428] : memref<100000x32xf32, #tpu.memory_space<hbm>> -> memref<100000x32xf32, #tpu.memory_space<hbm>>
      tpu.wait_indirect_dma semaphore(%arg13 : memref<!tpu.dma_semaphore, #tpu.memory_space<semaphore_mem>>) src(%dma_wait3A_429 : memref<100000x32xf32, #tpu.memory_space<hbm>>) dst(%dma_wait3A_423 : memref<100x32xf32, #tpu.memory_space<vmem>>)
      %dma_wait3A_430 = arith.constant 3 : i32
      %dma_wait3A_431 = arith.constant 300 : i32
      %dma_wait3A_432 = arith.constant 0 : i32
      %dma_wait3A_433 = tpu.memref_slice %arg11[%dma_wait3A_431, %dma_wait3A_432] : memref<1600x32xf32, #tpu.memory_space<vmem>> -> memref<100x32xf32, #tpu.memory_space<vmem>>
      %dma_wait3A_434 = arith.constant 0 : i32
      %dma_wait3A_435 = tpu.memref_slice %arg7[%dma_wait3A_430, %dma_wait3A_434] : memref<16x100xi32, #tpu.memory_space<vmem>> -> memref<1x100xi32, #tpu.memory_space<vmem>>
      %dma_wait3A_436 = tpu.memref_squeeze %dma_wait3A_435 : memref<1x100xi32, #tpu.memory_space<vmem>> -> memref<100xi32, #tpu.memory_space<vmem>>
      %dma_wait3A_437 = arith.constant 0 : i32
      %dma_wait3A_438 = arith.constant 0 : i32
      %dma_wait3A_439 = tpu.memref_slice %arg4[%dma_wait3A_437, %dma_wait3A_438] : memref<100000x32xf32, #tpu.memory_space<hbm>> -> memref<100000x32xf32, #tpu.memory_space<hbm>>
      tpu.wait_indirect_dma semaphore(%arg13 : memref<!tpu.dma_semaphore, #tpu.memory_space<semaphore_mem>>) src(%dma_wait3A_439 : memref<100000x32xf32, #tpu.memory_space<hbm>>) dst(%dma_wait3A_433 : memref<100x32xf32, #tpu.memory_space<vmem>>)
      %dma_wait3A_440 = arith.constant 4 : i32
      %dma_wait3A_441 = arith.constant 400 : i32
      %dma_wait3A_442 = arith.constant 0 : i32
      %dma_wait3A_443 = tpu.memref_slice %arg11[%dma_wait3A_441, %dma_wait3A_442] : memref<1600x32xf32, #tpu.memory_space<vmem>> -> memref<100x32xf32, #tpu.memory_space<vmem>>
      %dma_wait3A_444 = arith.constant 0 : i32
      %dma_wait3A_445 = tpu.memref_slice %arg7[%dma_wait3A_440, %dma_wait3A_444] : memref<16x100xi32, #tpu.memory_space<vmem>> -> memref<1x100xi32, #tpu.memory_space<vmem>>
      %dma_wait3A_446 = tpu.memref_squeeze %dma_wait3A_445 : memref<1x100xi32, #tpu.memory_space<vmem>> -> memref<100xi32, #tpu.memory_space<vmem>>
      %dma_wait3A_447 = arith.constant 0 : i32
      %dma_wait3A_448 = arith.constant 0 : i32
      %dma_wait3A_449 = tpu.memref_slice %arg4[%dma_wait3A_447, %dma_wait3A_448] : memref<100000x32xf32, #tpu.memory_space<hbm>> -> memref<100000x32xf32, #tpu.memory_space<hbm>>
      tpu.wait_indirect_dma semaphore(%arg13 : memref<!tpu.dma_semaphore, #tpu.memory_space<semaphore_mem>>) src(%dma_wait3A_449 : memref<100000x32xf32, #tpu.memory_space<hbm>>) dst(%dma_wait3A_443 : memref<100x32xf32, #tpu.memory_space<vmem>>)
      %dma_wait3A_450 = arith.constant 5 : i32
      %dma_wait3A_451 = arith.constant 500 : i32
      %dma_wait3A_452 = arith.constant 0 : i32
      %dma_wait3A_453 = tpu.memref_slice %arg11[%dma_wait3A_451, %dma_wait3A_452] : memref<1600x32xf32, #tpu.memory_space<vmem>> -> memref<100x32xf32, #tpu.memory_space<vmem>>
      %dma_wait3A_454 = arith.constant 0 : i32
      %dma_wait3A_455 = tpu.memref_slice %arg7[%dma_wait3A_450, %dma_wait3A_454] : memref<16x100xi32, #tpu.memory_space<vmem>> -> memref<1x100xi32, #tpu.memory_space<vmem>>
      %dma_wait3A_456 = tpu.memref_squeeze %dma_wait3A_455 : memref<1x100xi32, #tpu.memory_space<vmem>> -> memref<100xi32, #tpu.memory_space<vmem>>
      %dma_wait3A_457 = arith.constant 0 : i32
      %dma_wait3A_458 = arith.constant 0 : i32
      %dma_wait3A_459 = tpu.memref_slice %arg4[%dma_wait3A_457, %dma_wait3A_458] : memref<100000x32xf32, #tpu.memory_space<hbm>> -> memref<100000x32xf32, #tpu.memory_space<hbm>>
      tpu.wait_indirect_dma semaphore(%arg13 : memref<!tpu.dma_semaphore, #tpu.memory_space<semaphore_mem>>) src(%dma_wait3A_459 : memref<100000x32xf32, #tpu.memory_space<hbm>>) dst(%dma_wait3A_453 : memref<100x32xf32, #tpu.memory_space<vmem>>)
      %dma_wait3A_460 = arith.constant 6 : i32
      %dma_wait3A_461 = arith.constant 600 : i32
      %dma_wait3A_462 = arith.constant 0 : i32
      %dma_wait3A_463 = tpu.memref_slice %arg11[%dma_wait3A_461, %dma_wait3A_462] : memref<1600x32xf32, #tpu.memory_space<vmem>> -> memref<100x32xf32, #tpu.memory_space<vmem>>
      %dma_wait3A_464 = arith.constant 0 : i32
      %dma_wait3A_465 = tpu.memref_slice %arg7[%dma_wait3A_460, %dma_wait3A_464] : memref<16x100xi32, #tpu.memory_space<vmem>> -> memref<1x100xi32, #tpu.memory_space<vmem>>
      %dma_wait3A_466 = tpu.memref_squeeze %dma_wait3A_465 : memref<1x100xi32, #tpu.memory_space<vmem>> -> memref<100xi32, #tpu.memory_space<vmem>>
      %dma_wait3A_467 = arith.constant 0 : i32
      %dma_wait3A_468 = arith.constant 0 : i32
      %dma_wait3A_469 = tpu.memref_slice %arg4[%dma_wait3A_467, %dma_wait3A_468] : memref<100000x32xf32, #tpu.memory_space<hbm>> -> memref<100000x32xf32, #tpu.memory_space<hbm>>
      tpu.wait_indirect_dma semaphore(%arg13 : memref<!tpu.dma_semaphore, #tpu.memory_space<semaphore_mem>>) src(%dma_wait3A_469 : memref<100000x32xf32, #tpu.memory_space<hbm>>) dst(%dma_wait3A_463 : memref<100x32xf32, #tpu.memory_space<vmem>>)
      %dma_wait3A_470 = arith.constant 7 : i32
      %dma_wait3A_471 = arith.constant 700 : i32
      %dma_wait3A_472 = arith.constant 0 : i32
      %dma_wait3A_473 = tpu.memref_slice %arg11[%dma_wait3A_471, %dma_wait3A_472] : memref<1600x32xf32, #tpu.memory_space<vmem>> -> memref<100x32xf32, #tpu.memory_space<vmem>>
      %dma_wait3A_474 = arith.constant 0 : i32
      %dma_wait3A_475 = tpu.memref_slice %arg7[%dma_wait3A_470, %dma_wait3A_474] : memref<16x100xi32, #tpu.memory_space<vmem>> -> memref<1x100xi32, #tpu.memory_space<vmem>>
      %dma_wait3A_476 = tpu.memref_squeeze %dma_wait3A_475 : memref<1x100xi32, #tpu.memory_space<vmem>> -> memref<100xi32, #tpu.memory_space<vmem>>
      %dma_wait3A_477 = arith.constant 0 : i32
      %dma_wait3A_478 = arith.constant 0 : i32
      %dma_wait3A_479 = tpu.memref_slice %arg4[%dma_wait3A_477, %dma_wait3A_478] : memref<100000x32xf32, #tpu.memory_space<hbm>> -> memref<100000x32xf32, #tpu.memory_space<hbm>>
      tpu.wait_indirect_dma semaphore(%arg13 : memref<!tpu.dma_semaphore, #tpu.memory_space<semaphore_mem>>) src(%dma_wait3A_479 : memref<100000x32xf32, #tpu.memory_space<hbm>>) dst(%dma_wait3A_473 : memref<100x32xf32, #tpu.memory_space<vmem>>)
      %dma_wait3A_480 = arith.constant 8 : i32
      %dma_wait3A_481 = arith.constant 800 : i32
      %dma_wait3A_482 = arith.constant 0 : i32
      %dma_wait3A_483 = tpu.memref_slice %arg11[%dma_wait3A_481, %dma_wait3A_482] : memref<1600x32xf32, #tpu.memory_space<vmem>> -> memref<100x32xf32, #tpu.memory_space<vmem>>
      %dma_wait3A_484 = arith.constant 0 : i32
      %dma_wait3A_485 = tpu.memref_slice %arg7[%dma_wait3A_480, %dma_wait3A_484] : memref<16x100xi32, #tpu.memory_space<vmem>> -> memref<1x100xi32, #tpu.memory_space<vmem>>
      %dma_wait3A_486 = tpu.memref_squeeze %dma_wait3A_485 : memref<1x100xi32, #tpu.memory_space<vmem>> -> memref<100xi32, #tpu.memory_space<vmem>>
      %dma_wait3A_487 = arith.constant 0 : i32
      %dma_wait3A_488 = arith.constant 0 : i32
      %dma_wait3A_489 = tpu.memref_slice %arg4[%dma_wait3A_487, %dma_wait3A_488] : memref<100000x32xf32, #tpu.memory_space<hbm>> -> memref<100000x32xf32, #tpu.memory_space<hbm>>
      tpu.wait_indirect_dma semaphore(%arg13 : memref<!tpu.dma_semaphore, #tpu.memory_space<semaphore_mem>>) src(%dma_wait3A_489 : memref<100000x32xf32, #tpu.memory_space<hbm>>) dst(%dma_wait3A_483 : memref<100x32xf32, #tpu.memory_space<vmem>>)
      %dma_wait3A_490 = arith.constant 9 : i32
      %dma_wait3A_491 = arith.constant 900 : i32
      %dma_wait3A_492 = arith.constant 0 : i32
      %dma_wait3A_493 = tpu.memref_slice %arg11[%dma_wait3A_491, %dma_wait3A_492] : memref<1600x32xf32, #tpu.memory_space<vmem>> -> memref<100x32xf32, #tpu.memory_space<vmem>>
      %dma_wait3A_494 = arith.constant 0 : i32
      %dma_wait3A_495 = tpu.memref_slice %arg7[%dma_wait3A_490, %dma_wait3A_494] : memref<16x100xi32, #tpu.memory_space<vmem>> -> memref<1x100xi32, #tpu.memory_space<vmem>>
      %dma_wait3A_496 = tpu.memref_squeeze %dma_wait3A_495 : memref<1x100xi32, #tpu.memory_space<vmem>> -> memref<100xi32, #tpu.memory_space<vmem>>
      %dma_wait3A_497 = arith.constant 0 : i32
      %dma_wait3A_498 = arith.constant 0 : i32
      %dma_wait3A_499 = tpu.memref_slice %arg4[%dma_wait3A_497, %dma_wait3A_498] : memref<100000x32xf32, #tpu.memory_space<hbm>> -> memref<100000x32xf32, #tpu.memory_space<hbm>>
      tpu.wait_indirect_dma semaphore(%arg13 : memref<!tpu.dma_semaphore, #tpu.memory_space<semaphore_mem>>) src(%dma_wait3A_499 : memref<100000x32xf32, #tpu.memory_space<hbm>>) dst(%dma_wait3A_493 : memref<100x32xf32, #tpu.memory_space<vmem>>)
      %dma_wait3A_500 = arith.constant 10 : i32
      %dma_wait3A_501 = arith.constant 1000 : i32
      %dma_wait3A_502 = arith.constant 0 : i32
      %dma_wait3A_503 = tpu.memref_slice %arg11[%dma_wait3A_501, %dma_wait3A_502] : memref<1600x32xf32, #tpu.memory_space<vmem>> -> memref<100x32xf32, #tpu.memory_space<vmem>>
      %dma_wait3A_504 = arith.constant 0 : i32
      %dma_wait3A_505 = tpu.memref_slice %arg7[%dma_wait3A_500, %dma_wait3A_504] : memref<16x100xi32, #tpu.memory_space<vmem>> -> memref<1x100xi32, #tpu.memory_space<vmem>>
      %dma_wait3A_506 = tpu.memref_squeeze %dma_wait3A_505 : memref<1x100xi32, #tpu.memory_space<vmem>> -> memref<100xi32, #tpu.memory_space<vmem>>
      %dma_wait3A_507 = arith.constant 0 : i32
      %dma_wait3A_508 = arith.constant 0 : i32
      %dma_wait3A_509 = tpu.memref_slice %arg4[%dma_wait3A_507, %dma_wait3A_508] : memref<100000x32xf32, #tpu.memory_space<hbm>> -> memref<100000x32xf32, #tpu.memory_space<hbm>>
      tpu.wait_indirect_dma semaphore(%arg13 : memref<!tpu.dma_semaphore, #tpu.memory_space<semaphore_mem>>) src(%dma_wait3A_509 : memref<100000x32xf32, #tpu.memory_space<hbm>>) dst(%dma_wait3A_503 : memref<100x32xf32, #tpu.memory_space<vmem>>)
      %dma_wait3A_510 = arith.constant 11 : i32
      %dma_wait3A_511 = arith.constant 1100 : i32
      %dma_wait3A_512 = arith.constant 0 : i32
      %dma_wait3A_513 = tpu.memref_slice %arg11[%dma_wait3A_511, %dma_wait3A_512] : memref<1600x32xf32, #tpu.memory_space<vmem>> -> memref<100x32xf32, #tpu.memory_space<vmem>>
      %dma_wait3A_514 = arith.constant 0 : i32
      %dma_wait3A_515 = tpu.memref_slice %arg7[%dma_wait3A_510, %dma_wait3A_514] : memref<16x100xi32, #tpu.memory_space<vmem>> -> memref<1x100xi32, #tpu.memory_space<vmem>>
      %dma_wait3A_516 = tpu.memref_squeeze %dma_wait3A_515 : memref<1x100xi32, #tpu.memory_space<vmem>> -> memref<100xi32, #tpu.memory_space<vmem>>
      %dma_wait3A_517 = arith.constant 0 : i32
      %dma_wait3A_518 = arith.constant 0 : i32
      %dma_wait3A_519 = tpu.memref_slice %arg4[%dma_wait3A_517, %dma_wait3A_518] : memref<100000x32xf32, #tpu.memory_space<hbm>> -> memref<100000x32xf32, #tpu.memory_space<hbm>>
      tpu.wait_indirect_dma semaphore(%arg13 : memref<!tpu.dma_semaphore, #tpu.memory_space<semaphore_mem>>) src(%dma_wait3A_519 : memref<100000x32xf32, #tpu.memory_space<hbm>>) dst(%dma_wait3A_513 : memref<100x32xf32, #tpu.memory_space<vmem>>)
      %dma_wait3A_520 = arith.constant 12 : i32
      %dma_wait3A_521 = arith.constant 1200 : i32
      %dma_wait3A_522 = arith.constant 0 : i32
      %dma_wait3A_523 = tpu.memref_slice %arg11[%dma_wait3A_521, %dma_wait3A_522] : memref<1600x32xf32, #tpu.memory_space<vmem>> -> memref<100x32xf32, #tpu.memory_space<vmem>>
      %dma_wait3A_524 = arith.constant 0 : i32
      %dma_wait3A_525 = tpu.memref_slice %arg7[%dma_wait3A_520, %dma_wait3A_524] : memref<16x100xi32, #tpu.memory_space<vmem>> -> memref<1x100xi32, #tpu.memory_space<vmem>>
      %dma_wait3A_526 = tpu.memref_squeeze %dma_wait3A_525 : memref<1x100xi32, #tpu.memory_space<vmem>> -> memref<100xi32, #tpu.memory_space<vmem>>
      %dma_wait3A_527 = arith.constant 0 : i32
      %dma_wait3A_528 = arith.constant 0 : i32
      %dma_wait3A_529 = tpu.memref_slice %arg4[%dma_wait3A_527, %dma_wait3A_528] : memref<100000x32xf32, #tpu.memory_space<hbm>> -> memref<100000x32xf32, #tpu.memory_space<hbm>>
      tpu.wait_indirect_dma semaphore(%arg13 : memref<!tpu.dma_semaphore, #tpu.memory_space<semaphore_mem>>) src(%dma_wait3A_529 : memref<100000x32xf32, #tpu.memory_space<hbm>>) dst(%dma_wait3A_523 : memref<100x32xf32, #tpu.memory_space<vmem>>)
      %dma_wait3A_530 = arith.constant 13 : i32
      %dma_wait3A_531 = arith.constant 1300 : i32
      %dma_wait3A_532 = arith.constant 0 : i32
      %dma_wait3A_533 = tpu.memref_slice %arg11[%dma_wait3A_531, %dma_wait3A_532] : memref<1600x32xf32, #tpu.memory_space<vmem>> -> memref<100x32xf32, #tpu.memory_space<vmem>>
      %dma_wait3A_534 = arith.constant 0 : i32
      %dma_wait3A_535 = tpu.memref_slice %arg7[%dma_wait3A_530, %dma_wait3A_534] : memref<16x100xi32, #tpu.memory_space<vmem>> -> memref<1x100xi32, #tpu.memory_space<vmem>>
      %dma_wait3A_536 = tpu.memref_squeeze %dma_wait3A_535 : memref<1x100xi32, #tpu.memory_space<vmem>> -> memref<100xi32, #tpu.memory_space<vmem>>
      %dma_wait3A_537 = arith.constant 0 : i32
      %dma_wait3A_538 = arith.constant 0 : i32
      %dma_wait3A_539 = tpu.memref_slice %arg4[%dma_wait3A_537, %dma_wait3A_538] : memref<100000x32xf32, #tpu.memory_space<hbm>> -> memref<100000x32xf32, #tpu.memory_space<hbm>>
      tpu.wait_indirect_dma semaphore(%arg13 : memref<!tpu.dma_semaphore, #tpu.memory_space<semaphore_mem>>) src(%dma_wait3A_539 : memref<100000x32xf32, #tpu.memory_space<hbm>>) dst(%dma_wait3A_533 : memref<100x32xf32, #tpu.memory_space<vmem>>)
      %dma_wait3A_540 = arith.constant 14 : i32
      %dma_wait3A_541 = arith.constant 1400 : i32
      %dma_wait3A_542 = arith.constant 0 : i32
      %dma_wait3A_543 = tpu.memref_slice %arg11[%dma_wait3A_541, %dma_wait3A_542] : memref<1600x32xf32, #tpu.memory_space<vmem>> -> memref<100x32xf32, #tpu.memory_space<vmem>>
      %dma_wait3A_544 = arith.constant 0 : i32
      %dma_wait3A_545 = tpu.memref_slice %arg7[%dma_wait3A_540, %dma_wait3A_544] : memref<16x100xi32, #tpu.memory_space<vmem>> -> memref<1x100xi32, #tpu.memory_space<vmem>>
      %dma_wait3A_546 = tpu.memref_squeeze %dma_wait3A_545 : memref<1x100xi32, #tpu.memory_space<vmem>> -> memref<100xi32, #tpu.memory_space<vmem>>
      %dma_wait3A_547 = arith.constant 0 : i32
      %dma_wait3A_548 = arith.constant 0 : i32
      %dma_wait3A_549 = tpu.memref_slice %arg4[%dma_wait3A_547, %dma_wait3A_548] : memref<100000x32xf32, #tpu.memory_space<hbm>> -> memref<100000x32xf32, #tpu.memory_space<hbm>>
      tpu.wait_indirect_dma semaphore(%arg13 : memref<!tpu.dma_semaphore, #tpu.memory_space<semaphore_mem>>) src(%dma_wait3A_549 : memref<100000x32xf32, #tpu.memory_space<hbm>>) dst(%dma_wait3A_543 : memref<100x32xf32, #tpu.memory_space<vmem>>)
      %dma_wait3A_550 = arith.constant 15 : i32
      %dma_wait3A_551 = arith.constant 1500 : i32
      %dma_wait3A_552 = arith.constant 0 : i32
      %dma_wait3A_553 = tpu.memref_slice %arg11[%dma_wait3A_551, %dma_wait3A_552] : memref<1600x32xf32, #tpu.memory_space<vmem>> -> memref<100x32xf32, #tpu.memory_space<vmem>>
      %dma_wait3A_554 = arith.constant 0 : i32
      %dma_wait3A_555 = tpu.memref_slice %arg7[%dma_wait3A_550, %dma_wait3A_554] : memref<16x100xi32, #tpu.memory_space<vmem>> -> memref<1x100xi32, #tpu.memory_space<vmem>>
      %dma_wait3A_556 = tpu.memref_squeeze %dma_wait3A_555 : memref<1x100xi32, #tpu.memory_space<vmem>> -> memref<100xi32, #tpu.memory_space<vmem>>
      %dma_wait3A_557 = arith.constant 0 : i32
      %dma_wait3A_558 = arith.constant 0 : i32
      %dma_wait3A_559 = tpu.memref_slice %arg4[%dma_wait3A_557, %dma_wait3A_558] : memref<100000x32xf32, #tpu.memory_space<hbm>> -> memref<100000x32xf32, #tpu.memory_space<hbm>>
      tpu.wait_indirect_dma semaphore(%arg13 : memref<!tpu.dma_semaphore, #tpu.memory_space<semaphore_mem>>) src(%dma_wait3A_559 : memref<100000x32xf32, #tpu.memory_space<hbm>>) dst(%dma_wait3A_553 : memref<100x32xf32, #tpu.memory_space<vmem>>)
      %scan3A_560 = arith.constant 0 : i32
      %scan3A_561 = arith.constant 0 : i32
      %scan3A_562 = arith.constant 160 : i32
      %scan3A_563 = arith.addi %scan3A_561, %scan3A_562 : i32
      %scan3A_564 = arith.constant 1 : i32
      scf.for %scan3A_576 = %scan3A_561 to %scan3A_563 step %scan3A_564  : i32 {
        %broadcast_in_dim3A = vector.broadcast %scan3A_576 : i32 to vector<16xi32>
        %gather3A = tpu.vector_load_idx %arg9[%broadcast_in_dim3A] : memref<160xf32, #tpu.memory_space<vmem>>[vector<16xi32>], vector<16xf32>,
        %mul3A_577 = arith.constant 10 : i32
        %mul3A_578 = arith.muli %scan3A_576, %mul3A_577 : i32
        %add3A_579 = arith.constant 0 : i32
        %add3A_580 = arith.addi %mul3A_578, %add3A_579 : i32
        %get3A = arith.index_cast %add3A_580 : i32 to index
        %get3A_581 = arith.constant 0 : index
        %get3A_582 = tpu.vector_load %arg11[%get3A, %get3A_581] {strides = array<i32>} : memref<1600x32xf32, #tpu.memory_space<vmem>>, vector<16xf32>,
        %mul3A_583 = arith.mulf %get3A_582, %gather3A : vector<16xf32>
        %swap3A = arith.index_cast %add3A_580 : i32 to index
        %swap3A_584 = arith.constant 0 : index
        %swap3A_585 = tpu.vector_load %arg11[%swap3A, %swap3A_584] {strides = array<i32>} : memref<1600x32xf32, #tpu.memory_space<vmem>>, vector<16xf32>,
        tpu.vector_store %arg11[%swap3A, %swap3A_584], %mul3A_583 {strides = array<i32>} : memref<1600x32xf32, #tpu.memory_space<vmem>>, vector<16xf32>,
        %get3A_586 = arith.index_cast %add3A_580 : i32 to index
        %get3A_587 = arith.constant 16 : index
        %get3A_588 = tpu.vector_load %arg11[%get3A_586, %get3A_587] {strides = array<i32>} : memref<1600x32xf32, #tpu.memory_space<vmem>>, vector<16xf32>,
        %mul3A_589 = arith.mulf %get3A_588, %gather3A : vector<16xf32>
        %swap3A_590 = arith.index_cast %add3A_580 : i32 to index
        %swap3A_591 = arith.constant 16 : index
        %swap3A_592 = tpu.vector_load %arg11[%swap3A_590, %swap3A_591] {strides = array<i32>} : memref<1600x32xf32, #tpu.memory_space<vmem>>, vector<16xf32>,
        tpu.vector_store %arg11[%swap3A_590, %swap3A_591], %mul3A_589 {strides = array<i32>} : memref<1600x32xf32, #tpu.memory_space<vmem>>, vector<16xf32>,
        %mul3A_593 = arith.constant 10 : i32
        %mul3A_594 = arith.muli %scan3A_576, %mul3A_593 : i32
        %add3A_595 = arith.constant 1 : i32
        %add3A_596 = arith.addi %mul3A_594, %add3A_595 : i32
        %get3A_597 = arith.index_cast %add3A_596 : i32 to index
        %get3A_598 = arith.constant 0 : index
        %get3A_599 = tpu.vector_load %arg11[%get3A_597, %get3A_598] {strides = array<i32>} : memref<1600x32xf32, #tpu.memory_space<vmem>>, vector<16xf32>,
        %mul3A_600 = arith.mulf %get3A_599, %gather3A : vector<16xf32>
        %swap3A_601 = arith.index_cast %add3A_596 : i32 to index
        %swap3A_602 = arith.constant 0 : index
        %swap3A_603 = tpu.vector_load %arg11[%swap3A_601, %swap3A_602] {strides = array<i32>} : memref<1600x32xf32, #tpu.memory_space<vmem>>, vector<16xf32>,
        tpu.vector_store %arg11[%swap3A_601, %swap3A_602], %mul3A_600 {strides = array<i32>} : memref<1600x32xf32, #tpu.memory_space<vmem>>, vector<16xf32>,
        %get3A_604 = arith.index_cast %add3A_596 : i32 to index
        %get3A_605 = arith.constant 16 : index
        %get3A_606 = tpu.vector_load %arg11[%get3A_604, %get3A_605] {strides = array<i32>} : memref<1600x32xf32, #tpu.memory_space<vmem>>, vector<16xf32>,
        %mul3A_607 = arith.mulf %get3A_606, %gather3A : vector<16xf32>
        %swap3A_608 = arith.index_cast %add3A_596 : i32 to index
        %swap3A_609 = arith.constant 16 : index
        %swap3A_610 = tpu.vector_load %arg11[%swap3A_608, %swap3A_609] {strides = array<i32>} : memref<1600x32xf32, #tpu.memory_space<vmem>>, vector<16xf32>,
        tpu.vector_store %arg11[%swap3A_608, %swap3A_609], %mul3A_607 {strides = array<i32>} : memref<1600x32xf32, #tpu.memory_space<vmem>>, vector<16xf32>,
        %mul3A_611 = arith.constant 10 : i32
        %mul3A_612 = arith.muli %scan3A_576, %mul3A_611 : i32
        %add3A_613 = arith.constant 2 : i32
        %add3A_614 = arith.addi %mul3A_612, %add3A_613 : i32
        %get3A_615 = arith.index_cast %add3A_614 : i32 to index
        %get3A_616 = arith.constant 0 : index
        %get3A_617 = tpu.vector_load %arg11[%get3A_615, %get3A_616] {strides = array<i32>} : memref<1600x32xf32, #tpu.memory_space<vmem>>, vector<16xf32>,
        %mul3A_618 = arith.mulf %get3A_617, %gather3A : vector<16xf32>
        %swap3A_619 = arith.index_cast %add3A_614 : i32 to index
        %swap3A_620 = arith.constant 0 : index
        %swap3A_621 = tpu.vector_load %arg11[%swap3A_619, %swap3A_620] {strides = array<i32>} : memref<1600x32xf32, #tpu.memory_space<vmem>>, vector<16xf32>,
        tpu.vector_store %arg11[%swap3A_619, %swap3A_620], %mul3A_618 {strides = array<i32>} : memref<1600x32xf32, #tpu.memory_space<vmem>>, vector<16xf32>,
        %get3A_622 = arith.index_cast %add3A_614 : i32 to index
        %get3A_623 = arith.constant 16 : index
        %get3A_624 = tpu.vector_load %arg11[%get3A_622, %get3A_623] {strides = array<i32>} : memref<1600x32xf32, #tpu.memory_space<vmem>>, vector<16xf32>,
        %mul3A_625 = arith.mulf %get3A_624, %gather3A : vector<16xf32>
        %swap3A_626 = arith.index_cast %add3A_614 : i32 to index
        %swap3A_627 = arith.constant 16 : index
        %swap3A_628 = tpu.vector_load %arg11[%swap3A_626, %swap3A_627] {strides = array<i32>} : memref<1600x32xf32, #tpu.memory_space<vmem>>, vector<16xf32>,
        tpu.vector_store %arg11[%swap3A_626, %swap3A_627], %mul3A_625 {strides = array<i32>} : memref<1600x32xf32, #tpu.memory_space<vmem>>, vector<16xf32>,
        %mul3A_629 = arith.constant 10 : i32
        %mul3A_630 = arith.muli %scan3A_576, %mul3A_629 : i32
        %add3A_631 = arith.constant 3 : i32
        %add3A_632 = arith.addi %mul3A_630, %add3A_631 : i32
        %get3A_633 = arith.index_cast %add3A_632 : i32 to index
        %get3A_634 = arith.constant 0 : index
        %get3A_635 = tpu.vector_load %arg11[%get3A_633, %get3A_634] {strides = array<i32>} : memref<1600x32xf32, #tpu.memory_space<vmem>>, vector<16xf32>,
        %mul3A_636 = arith.mulf %get3A_635, %gather3A : vector<16xf32>
        %swap3A_637 = arith.index_cast %add3A_632 : i32 to index
        %swap3A_638 = arith.constant 0 : index
        %swap3A_639 = tpu.vector_load %arg11[%swap3A_637, %swap3A_638] {strides = array<i32>} : memref<1600x32xf32, #tpu.memory_space<vmem>>, vector<16xf32>,
        tpu.vector_store %arg11[%swap3A_637, %swap3A_638], %mul3A_636 {strides = array<i32>} : memref<1600x32xf32, #tpu.memory_space<vmem>>, vector<16xf32>,
        %get3A_640 = arith.index_cast %add3A_632 : i32 to index
        %get3A_641 = arith.constant 16 : index
        %get3A_642 = tpu.vector_load %arg11[%get3A_640, %get3A_641] {strides = array<i32>} : memref<1600x32xf32, #tpu.memory_space<vmem>>, vector<16xf32>,
        %mul3A_643 = arith.mulf %get3A_642, %gather3A : vector<16xf32>
        %swap3A_644 = arith.index_cast %add3A_632 : i32 to index
        %swap3A_645 = arith.constant 16 : index
        %swap3A_646 = tpu.vector_load %arg11[%swap3A_644, %swap3A_645] {strides = array<i32>} : memref<1600x32xf32, #tpu.memory_space<vmem>>, vector<16xf32>,
        tpu.vector_store %arg11[%swap3A_644, %swap3A_645], %mul3A_643 {strides = array<i32>} : memref<1600x32xf32, #tpu.memory_space<vmem>>, vector<16xf32>,
        %mul3A_647 = arith.constant 10 : i32
        %mul3A_648 = arith.muli %scan3A_576, %mul3A_647 : i32
        %add3A_649 = arith.constant 4 : i32
        %add3A_650 = arith.addi %mul3A_648, %add3A_649 : i32
        %get3A_651 = arith.index_cast %add3A_650 : i32 to index
        %get3A_652 = arith.constant 0 : index
        %get3A_653 = tpu.vector_load %arg11[%get3A_651, %get3A_652] {strides = array<i32>} : memref<1600x32xf32, #tpu.memory_space<vmem>>, vector<16xf32>,
        %mul3A_654 = arith.mulf %get3A_653, %gather3A : vector<16xf32>
        %swap3A_655 = arith.index_cast %add3A_650 : i32 to index
        %swap3A_656 = arith.constant 0 : index
        %swap3A_657 = tpu.vector_load %arg11[%swap3A_655, %swap3A_656] {strides = array<i32>} : memref<1600x32xf32, #tpu.memory_space<vmem>>, vector<16xf32>,
        tpu.vector_store %arg11[%swap3A_655, %swap3A_656], %mul3A_654 {strides = array<i32>} : memref<1600x32xf32, #tpu.memory_space<vmem>>, vector<16xf32>,
        %get3A_658 = arith.index_cast %add3A_650 : i32 to index
        %get3A_659 = arith.constant 16 : index
        %get3A_660 = tpu.vector_load %arg11[%get3A_658, %get3A_659] {strides = array<i32>} : memref<1600x32xf32, #tpu.memory_space<vmem>>, vector<16xf32>,
        %mul3A_661 = arith.mulf %get3A_660, %gather3A : vector<16xf32>
        %swap3A_662 = arith.index_cast %add3A_650 : i32 to index
        %swap3A_663 = arith.constant 16 : index
        %swap3A_664 = tpu.vector_load %arg11[%swap3A_662, %swap3A_663] {strides = array<i32>} : memref<1600x32xf32, #tpu.memory_space<vmem>>, vector<16xf32>,
        tpu.vector_store %arg11[%swap3A_662, %swap3A_663], %mul3A_661 {strides = array<i32>} : memref<1600x32xf32, #tpu.memory_space<vmem>>, vector<16xf32>,
        %mul3A_665 = arith.constant 10 : i32
        %mul3A_666 = arith.muli %scan3A_576, %mul3A_665 : i32
        %add3A_667 = arith.constant 5 : i32
        %add3A_668 = arith.addi %mul3A_666, %add3A_667 : i32
        %get3A_669 = arith.index_cast %add3A_668 : i32 to index
        %get3A_670 = arith.constant 0 : index
        %get3A_671 = tpu.vector_load %arg11[%get3A_669, %get3A_670] {strides = array<i32>} : memref<1600x32xf32, #tpu.memory_space<vmem>>, vector<16xf32>,
        %mul3A_672 = arith.mulf %get3A_671, %gather3A : vector<16xf32>
        %swap3A_673 = arith.index_cast %add3A_668 : i32 to index
        %swap3A_674 = arith.constant 0 : index
        %swap3A_675 = tpu.vector_load %arg11[%swap3A_673, %swap3A_674] {strides = array<i32>} : memref<1600x32xf32, #tpu.memory_space<vmem>>, vector<16xf32>,
        tpu.vector_store %arg11[%swap3A_673, %swap3A_674], %mul3A_672 {strides = array<i32>} : memref<1600x32xf32, #tpu.memory_space<vmem>>, vector<16xf32>,
        %get3A_676 = arith.index_cast %add3A_668 : i32 to index
        %get3A_677 = arith.constant 16 : index
        %get3A_678 = tpu.vector_load %arg11[%get3A_676, %get3A_677] {strides = array<i32>} : memref<1600x32xf32, #tpu.memory_space<vmem>>, vector<16xf32>,
        %mul3A_679 = arith.mulf %get3A_678, %gather3A : vector<16xf32>
        %swap3A_680 = arith.index_cast %add3A_668 : i32 to index
        %swap3A_681 = arith.constant 16 : index
        %swap3A_682 = tpu.vector_load %arg11[%swap3A_680, %swap3A_681] {strides = array<i32>} : memref<1600x32xf32, #tpu.memory_space<vmem>>, vector<16xf32>,
        tpu.vector_store %arg11[%swap3A_680, %swap3A_681], %mul3A_679 {strides = array<i32>} : memref<1600x32xf32, #tpu.memory_space<vmem>>, vector<16xf32>,
        %mul3A_683 = arith.constant 10 : i32
        %mul3A_684 = arith.muli %scan3A_576, %mul3A_683 : i32
        %add3A_685 = arith.constant 6 : i32
        %add3A_686 = arith.addi %mul3A_684, %add3A_685 : i32
        %get3A_687 = arith.index_cast %add3A_686 : i32 to index
        %get3A_688 = arith.constant 0 : index
        %get3A_689 = tpu.vector_load %arg11[%get3A_687, %get3A_688] {strides = array<i32>} : memref<1600x32xf32, #tpu.memory_space<vmem>>, vector<16xf32>,
        %mul3A_690 = arith.mulf %get3A_689, %gather3A : vector<16xf32>
        %swap3A_691 = arith.index_cast %add3A_686 : i32 to index
        %swap3A_692 = arith.constant 0 : index
        %swap3A_693 = tpu.vector_load %arg11[%swap3A_691, %swap3A_692] {strides = array<i32>} : memref<1600x32xf32, #tpu.memory_space<vmem>>, vector<16xf32>,
        tpu.vector_store %arg11[%swap3A_691, %swap3A_692], %mul3A_690 {strides = array<i32>} : memref<1600x32xf32, #tpu.memory_space<vmem>>, vector<16xf32>,
        %get3A_694 = arith.index_cast %add3A_686 : i32 to index
        %get3A_695 = arith.constant 16 : index
        %get3A_696 = tpu.vector_load %arg11[%get3A_694, %get3A_695] {strides = array<i32>} : memref<1600x32xf32, #tpu.memory_space<vmem>>, vector<16xf32>,
        %mul3A_697 = arith.mulf %get3A_696, %gather3A : vector<16xf32>
        %swap3A_698 = arith.index_cast %add3A_686 : i32 to index
        %swap3A_699 = arith.constant 16 : index
        %swap3A_700 = tpu.vector_load %arg11[%swap3A_698, %swap3A_699] {strides = array<i32>} : memref<1600x32xf32, #tpu.memory_space<vmem>>, vector<16xf32>,
        tpu.vector_store %arg11[%swap3A_698, %swap3A_699], %mul3A_697 {strides = array<i32>} : memref<1600x32xf32, #tpu.memory_space<vmem>>, vector<16xf32>,
        %mul3A_701 = arith.constant 10 : i32
        %mul3A_702 = arith.muli %scan3A_576, %mul3A_701 : i32
        %add3A_703 = arith.constant 7 : i32
        %add3A_704 = arith.addi %mul3A_702, %add3A_703 : i32
        %get3A_705 = arith.index_cast %add3A_704 : i32 to index
        %get3A_706 = arith.constant 0 : index
        %get3A_707 = tpu.vector_load %arg11[%get3A_705, %get3A_706] {strides = array<i32>} : memref<1600x32xf32, #tpu.memory_space<vmem>>, vector<16xf32>,
        %mul3A_708 = arith.mulf %get3A_707, %gather3A : vector<16xf32>
        %swap3A_709 = arith.index_cast %add3A_704 : i32 to index
        %swap3A_710 = arith.constant 0 : index
        %swap3A_711 = tpu.vector_load %arg11[%swap3A_709, %swap3A_710] {strides = array<i32>} : memref<1600x32xf32, #tpu.memory_space<vmem>>, vector<16xf32>,
        tpu.vector_store %arg11[%swap3A_709, %swap3A_710], %mul3A_708 {strides = array<i32>} : memref<1600x32xf32, #tpu.memory_space<vmem>>, vector<16xf32>,
        %get3A_712 = arith.index_cast %add3A_704 : i32 to index
        %get3A_713 = arith.constant 16 : index
        %get3A_714 = tpu.vector_load %arg11[%get3A_712, %get3A_713] {strides = array<i32>} : memref<1600x32xf32, #tpu.memory_space<vmem>>, vector<16xf32>,
        %mul3A_715 = arith.mulf %get3A_714, %gather3A : vector<16xf32>
        %swap3A_716 = arith.index_cast %add3A_704 : i32 to index
        %swap3A_717 = arith.constant 16 : index
        %swap3A_718 = tpu.vector_load %arg11[%swap3A_716, %swap3A_717] {strides = array<i32>} : memref<1600x32xf32, #tpu.memory_space<vmem>>, vector<16xf32>,
        tpu.vector_store %arg11[%swap3A_716, %swap3A_717], %mul3A_715 {strides = array<i32>} : memref<1600x32xf32, #tpu.memory_space<vmem>>, vector<16xf32>,
        %mul3A_719 = arith.constant 10 : i32
        %mul3A_720 = arith.muli %scan3A_576, %mul3A_719 : i32
        %add3A_721 = arith.constant 8 : i32
        %add3A_722 = arith.addi %mul3A_720, %add3A_721 : i32
        %get3A_723 = arith.index_cast %add3A_722 : i32 to index
        %get3A_724 = arith.constant 0 : index
        %get3A_725 = tpu.vector_load %arg11[%get3A_723, %get3A_724] {strides = array<i32>} : memref<1600x32xf32, #tpu.memory_space<vmem>>, vector<16xf32>,
        %mul3A_726 = arith.mulf %get3A_725, %gather3A : vector<16xf32>
        %swap3A_727 = arith.index_cast %add3A_722 : i32 to index
        %swap3A_728 = arith.constant 0 : index
        %swap3A_729 = tpu.vector_load %arg11[%swap3A_727, %swap3A_728] {strides = array<i32>} : memref<1600x32xf32, #tpu.memory_space<vmem>>, vector<16xf32>,
        tpu.vector_store %arg11[%swap3A_727, %swap3A_728], %mul3A_726 {strides = array<i32>} : memref<1600x32xf32, #tpu.memory_space<vmem>>, vector<16xf32>,
        %get3A_730 = arith.index_cast %add3A_722 : i32 to index
        %get3A_731 = arith.constant 16 : index
        %get3A_732 = tpu.vector_load %arg11[%get3A_730, %get3A_731] {strides = array<i32>} : memref<1600x32xf32, #tpu.memory_space<vmem>>, vector<16xf32>,
        %mul3A_733 = arith.mulf %get3A_732, %gather3A : vector<16xf32>
        %swap3A_734 = arith.index_cast %add3A_722 : i32 to index
        %swap3A_735 = arith.constant 16 : index
        %swap3A_736 = tpu.vector_load %arg11[%swap3A_734, %swap3A_735] {strides = array<i32>} : memref<1600x32xf32, #tpu.memory_space<vmem>>, vector<16xf32>,
        tpu.vector_store %arg11[%swap3A_734, %swap3A_735], %mul3A_733 {strides = array<i32>} : memref<1600x32xf32, #tpu.memory_space<vmem>>, vector<16xf32>,
        %mul3A_737 = arith.constant 10 : i32
        %mul3A_738 = arith.muli %scan3A_576, %mul3A_737 : i32
        %add3A_739 = arith.constant 9 : i32
        %add3A_740 = arith.addi %mul3A_738, %add3A_739 : i32
        %get3A_741 = arith.index_cast %add3A_740 : i32 to index
        %get3A_742 = arith.constant 0 : index
        %get3A_743 = tpu.vector_load %arg11[%get3A_741, %get3A_742] {strides = array<i32>} : memref<1600x32xf32, #tpu.memory_space<vmem>>, vector<16xf32>,
        %mul3A_744 = arith.mulf %get3A_743, %gather3A : vector<16xf32>
        %swap3A_745 = arith.index_cast %add3A_740 : i32 to index
        %swap3A_746 = arith.constant 0 : index
        %swap3A_747 = tpu.vector_load %arg11[%swap3A_745, %swap3A_746] {strides = array<i32>} : memref<1600x32xf32, #tpu.memory_space<vmem>>, vector<16xf32>,
        tpu.vector_store %arg11[%swap3A_745, %swap3A_746], %mul3A_744 {strides = array<i32>} : memref<1600x32xf32, #tpu.memory_space<vmem>>, vector<16xf32>,
        %get3A_748 = arith.index_cast %add3A_740 : i32 to index
        %get3A_749 = arith.constant 16 : index
        %get3A_750 = tpu.vector_load %arg11[%get3A_748, %get3A_749] {strides = array<i32>} : memref<1600x32xf32, #tpu.memory_space<vmem>>, vector<16xf32>,
        %mul3A_751 = arith.mulf %get3A_750, %gather3A : vector<16xf32>
        %swap3A_752 = arith.index_cast %add3A_740 : i32 to index
        %swap3A_753 = arith.constant 16 : index
        %swap3A_754 = tpu.vector_load %arg11[%swap3A_752, %swap3A_753] {strides = array<i32>} : memref<1600x32xf32, #tpu.memory_space<vmem>>, vector<16xf32>,
        tpu.vector_store %arg11[%swap3A_752, %swap3A_753], %mul3A_751 {strides = array<i32>} : memref<1600x32xf32, #tpu.memory_space<vmem>>, vector<16xf32>,
      }
      %scan3A_565 = arith.constant 160 : i32
      %mul3A_566 = arith.constant 160 : i32
      %mul3A_567 = arith.muli %add3A_392, %mul3A_566 : i32
      %add3A_568 = arith.addi %mul3A_2, %mul3A_567 : i32
      %mul3A_569 = arith.constant 10 : i32
      %mul3A_570 = arith.muli %add3A_568, %mul3A_569 : i32
      %multiple_of3A_571 = tpu.assume_multiple %mul3A_570, 8 : i32
      %dma_start3A_572 = arith.constant 0 : i32
      %dma_start3A_573 = tpu.memref_slice %arg5[%multiple_of3A_571, %dma_start3A_572] : memref<512000x32xf32, #tpu.memory_space<hbm>> -> memref<1600x32xf32, #tpu.memory_space<hbm>>
      %dma_start3A_574 = arith.constant 0 : i32
      %dma_start3A_575 = tpu.memref_slice %arg5[%multiple_of3A_571, %dma_start3A_574] : memref<512000x32xf32, #tpu.memory_space<hbm>> -> memref<1600x32xf32, #tpu.memory_space<hbm>>
      tpu.enqueue_dma source(%arg11 : memref<1600x32xf32, #tpu.memory_space<vmem>>) target(%dma_start3A_575 : memref<1600x32xf32, #tpu.memory_space<hbm>>) target_semaphore(%arg15 : memref<!tpu.dma_semaphore, #tpu.memory_space<semaphore_mem>>)
    }
    %scan3A_186 = arith.constant 5 : i32
    %add3A_187 = arith.constant 1280 : i32
    %add3A_188 = arith.addi %mul3A_2, %add3A_187 : i32
    %mul3A_189 = arith.constant 10 : i32
    %mul3A_190 = arith.muli %add3A_188, %mul3A_189 : i32
    %multiple_of3A_191 = tpu.assume_multiple %mul3A_190, 8 : i32
    %dma_wait3A = arith.constant 0 : i32
    %dma_wait3A_192 = tpu.memref_slice %arg5[%multiple_of3A_191, %dma_wait3A] : memref<512000x32xf32, #tpu.memory_space<hbm>> -> memref<1600x32xf32, #tpu.memory_space<hbm>>
    %dma_wait3A_193 = arith.constant 0 : i32
    %dma_wait3A_194 = tpu.memref_slice %arg5[%multiple_of3A_191, %dma_wait3A_193] : memref<512000x32xf32, #tpu.memory_space<hbm>> -> memref<1600x32xf32, #tpu.memory_space<hbm>>
    tpu.wait_dma2 semaphore(%arg14 : memref<!tpu.dma_semaphore, #tpu.memory_space<semaphore_mem>>) src(%arg10 : memref<1600x32xf32, #tpu.memory_space<vmem>>) dst(%dma_wait3A_194 : memref<1600x32xf32, #tpu.memory_space<hbm>>)
    %add3A_195 = arith.constant 1440 : i32
    %add3A_196 = arith.addi %mul3A_2, %add3A_195 : i32
    %mul3A_197 = arith.constant 10 : i32
    %mul3A_198 = arith.muli %add3A_196, %mul3A_197 : i32
    %multiple_of3A_199 = tpu.assume_multiple %mul3A_198, 8 : i32
    %dma_wait3A_200 = arith.constant 0 : i32
    %dma_wait3A_201 = tpu.memref_slice %arg5[%multiple_of3A_199, %dma_wait3A_200] : memref<512000x32xf32, #tpu.memory_space<hbm>> -> memref<1600x32xf32, #tpu.memory_space<hbm>>
    %dma_wait3A_202 = arith.constant 0 : i32
    %dma_wait3A_203 = tpu.memref_slice %arg5[%multiple_of3A_199, %dma_wait3A_202] : memref<512000x32xf32, #tpu.memory_space<hbm>> -> memref<1600x32xf32, #tpu.memory_space<hbm>>
    tpu.wait_dma2 semaphore(%arg15 : memref<!tpu.dma_semaphore, #tpu.memory_space<semaphore_mem>>) src(%arg11 : memref<1600x32xf32, #tpu.memory_space<vmem>>) dst(%dma_wait3A_203 : memref<1600x32xf32, #tpu.memory_space<hbm>>)
    return
  }
}

</mosaic_0001>

<sc_bundles>
// kernel: kernel.3.cloned.1.call-start
scs
__scs_entry_jumppad:
0x0: {  	(pc) =	sbr.rel $0x88, $3  }
0x1: {  	(tag) =	ssettag $0x0;
	lr =	simm.s32 $0x1  }
0x2: {  	[smem:$0x3F9E] =	sst lr;
	_ =	strace $0xD0000000  }
0x3: {  	_ = 	snop  }
0x4: {  	_ = 	snop  }
0x5: {  	_ = 	snop  }
0x6: {  	_ = 	snop  }
0x7: {  	_ = 	snop  }
__scs_overlays_trampoline_lowered:
0x8: {  	[smem:$0x3FAD] =	sst s0  }
0x9: {  	[smem:$0x3FAE] =	sst s1  }
0xa: {  	[smem:$0x3FAF] =	sst s2  }
0xb: {  	[smem:$0x3FB0] =	sst s3  }
0xc: {  	[smem:$0x3FB1] =	sst s4  }
0xd: {  	[smem:$0x3FB2] =	sst s5  }
0xe: {  	[smem:$0x3FB3] =	sst s6  }
0xf: {  	[smem:$0x3FB4] =	sst s7  }
0x10: {  	[smem:$0x3FB5] =	sst s8  }
0x11: {  	[smem:$0x3FB6] =	sst s9;
	s0 =	simm.s32 @!p0 $0x0  }
0x12: {  	s1 =	sld [smem:$0x3F9C];
	s0 =	simm.s32 @p0 $0x1  }
0x13: {  	[smem:$0x3FB7] =	sst s0;
	s0 =	simm.s32 @!p1 $0x0  }
0x14: {  	s2 =	sld [smem:$0x3F9B];
	s0 =	simm.s32 @p1 $0x1  }
0x15: {  	[smem:$0x3FB8] =	sst s0;
	s0 =	simm.s32 @!p2 $0x0  }
0x16: {  	s3 =	sld [smem:$0x3FDB];
	s0 =	simm.s32 @p2 $0x1  }
0x17: {  	s4 =	simm.s32 $0x1BF5;
	[smem:$0x3FBA] =	sst s0  }
0x18: {  	s0 =	sld [smem:$0x3F9D];
	_ =	swait.ge [sflag:s4], $0x0  }
0x19: {  	s7 =	sld [smem:$0x3F9E]  }
0x1a: {  	s8 =	sadd.s32 $0xFFFFE003, lr  }
0x1b: {  	s9 =	sadd.s32 $0xFFFFFEF7, lr;
	s5 =	simm.s32 $0xFFFFFFFF;
	p2 =	slt.u32 s8, $0xFFFFF086  }
0x1c: {  	p1 =	slt.u32 s9, $0xF7A;
	s5 =	simm.s32 @!p2 $0x0  }
0x1d: {  	s5 =	simm.s32 @p1 $0x1;
	p0 =	seq.s32 s7, s2  }
0x1e: {  	s7 =	smul.u32 @!p0 $0xF7A, s2;
	p2 =	seq.s32 @!p0 s5, $0x0  }
0x1f: {  	s9 =	smul.u32 $0xF7A, s1;
	s8 =	simm.s32 @!p0 $0x1BF5;
	p2 =	por !p2, p0  }
0x20: {  	[sflag:s8] =	ssyncset.s32 @!p0 $0xFFFFF086;
	s6 =	sadd.s32 @!p0 s3, s7;
	s7 =	simm.s32 @!p0 $0x108  }
0x21: {  	s3 =	sadd.s32 s3, s9;
	s6 =	sadd.s32 @!p0 $0x88, s6;
	s7 =	simm.s32 @p2 $0x1082  }
0x22: {  	[simem:s7], [sflag:s8] =	dma.local @!p0 [hbm:s6], $0xF7A  }
0x23: {  	s9 =	sor.u32 $0xD0000000, s2;
	s6 =	simm.s32 $0x108;
	_ =	swait.ge @!p0 [sflag:s8], $0x0  }
0x24: {  	s3 =	sadd.s32 $0x88, s3;
	s6 =	simm.s32 @!p1 $0x1082;
	[sflag:s4] =	ssyncset.s32 $0xFFFFF086  }
0x25: {  	[simem:s6], [sflag:s4] =	dma.local [hbm:s3], $0xF7A  }
0x26: {  	[smem:$0x3F9E] =	sst s1;
	(tag) =	ssettag s2;
	_ =	strace s9  }
0x27: {  	s1 =	sld [smem:$0x3FAE]  }
0x28: {  	s2 =	sld [smem:$0x3FAF]  }
0x29: {  	s4 =	sld [smem:$0x3FB1]  }
0x2a: {  	p0 =	seq.s32 s5, $0x0;
	s5 =	sld [smem:$0x3FB2]  }
0x2b: {  	s6 =	sld [smem:$0x3FB3]  }
0x2c: {  	s7 =	sld [smem:$0x3FB4]  }
0x2d: {  	s3 =	simm.s32 $0x108;
	s8 =	sld [smem:$0x3FB5]  }
0x2e: {  	s3 =	simm.s32 @!p0 $0x1082;
	s9 =	sld [smem:$0x3FB6]  }
0x2f: {  	lr =	sadd.s32 s0, s3;
	s0 =	sld [smem:$0x3FAD]  }
0x30: {  	s3 =	sld [smem:$0x3FB0]  }
0x31: {  	[smem:$0x3FB9] =	sst s10  }
0x32: {  	s10 =	sld [smem:$0x3FB7];
	_ =	sdelay $0x3  }
0x33: {  	p0 =	seq.s32 s10, $0x1;
	s10 =	sld [smem:$0x3FB9];
	_ =	sdelay $0x3  }
0x34: {  	[smem:$0x3FB9] =	sst s10  }
0x35: {  	s10 =	sld [smem:$0x3FB8];
	_ =	sdelay $0x3  }
0x36: {  	p1 =	seq.s32 s10, $0x1;
	s10 =	sld [smem:$0x3FB9];
	_ =	sdelay $0x3  }
0x37: {  	[smem:$0x3FB9] =	sst s10  }
0x38: {  	s10 =	sld [smem:$0x3FBA]  }
0x39: {  	_ = 	snop;
	(pc) =	sbr.ind lr, $3  }
0x3a: {  	_ = 	snop  }
0x3b: {  	_ = 	snop  }
0x3c: {  	p2 =	seq.s32 s10, $0x1;
	s10 =	sld [smem:$0x3FB9]  }
0x3d: {  	_ =	shalt  }
0x3e: {  	_ =	shalt  }
0x3f: {  	_ =	shalt  }
0x40: {  	_ =	shalt  }
0x41: {  	_ =	shalt  }
0x42: {  	_ =	shalt  }
0x43: {  	_ =	shalt  }
0x44: {  	_ =	shalt  }
0x45: {  	_ =	shalt  }
0x46: {  	_ =	shalt  }
0x47: {  	_ =	shalt  }
0x48: {  	_ =	shalt  }
0x49: {  	_ =	shalt  }
0x4a: {  	_ =	shalt  }
0x4b: {  	_ =	shalt  }
0x4c: {  	_ =	shalt  }
0x4d: {  	_ =	shalt  }
0x4e: {  	_ =	shalt  }
0x4f: {  	_ =	shalt  }
0x50: {  	_ =	shalt  }
0x51: {  	_ =	shalt  }
0x52: {  	_ =	shalt  }
0x53: {  	_ =	shalt  }
0x54: {  	_ =	shalt  }
0x55: {  	_ =	shalt  }
0x56: {  	_ =	shalt  }
0x57: {  	_ =	shalt  }
0x58: {  	_ =	shalt  }
0x59: {  	_ =	shalt  }
0x5a: {  	_ =	shalt  }
0x5b: {  	_ =	shalt  }
0x5c: {  	_ =	shalt  }
0x5d: {  	_ =	shalt  }
0x5e: {  	_ =	shalt  }
0x5f: {  	_ =	shalt  }
0x60: {  	_ =	shalt  }
0x61: {  	_ =	shalt  }
0x62: {  	_ =	shalt  }
0x63: {  	_ =	shalt  }
0x64: {  	_ =	shalt  }
0x65: {  	_ =	shalt  }
0x66: {  	_ =	shalt  }
0x67: {  	_ =	shalt  }
0x68: {  	_ =	shalt  }
0x69: {  	_ =	shalt  }
0x6a: {  	_ =	shalt  }
0x6b: {  	_ =	shalt  }
0x6c: {  	_ =	shalt  }
0x6d: {  	_ =	shalt  }
0x6e: {  	_ =	shalt  }
0x6f: {  	_ =	shalt  }
0x70: {  	_ =	shalt  }
0x71: {  	_ =	shalt  }
0x72: {  	_ =	shalt  }
0x73: {  	_ =	shalt  }
0x74: {  	_ =	shalt  }
0x75: {  	_ =	shalt  }
0x76: {  	_ =	shalt  }
0x77: {  	_ =	shalt  }
0x78: {  	_ =	shalt  }
0x79: {  	_ =	shalt  }
0x7a: {  	_ =	shalt  }
0x7b: {  	_ =	shalt  }
0x7c: {  	_ =	shalt  }
0x7d: {  	_ =	shalt  }
0x7e: {  	_ =	shalt  }
0x7f: {  	_ =	shalt  }
0x80: {  	_ =	shalt  }
0x81: {  	_ =	shalt  }
0x82: {  	_ =	shalt  }
0x83: {  	_ =	shalt  }
0x84: {  	_ =	shalt  }
0x85: {  	_ =	shalt  }
0x86: {  	_ =	shalt  }
0x87: {  	_ =	shalt  }
.Lfunc_end0:
.L_simem_size_0:
called_computation.1_lowered:
.L_overlay_start_0:
0x88: {  	s2 =	sld [smem:$0x3FD9]  }
0x89: {  	s3 =	sld [smem:$0x3FFE];
	_ =	sdelay $0x1  }
0x8a: {  	s1 =	srdreg.scid  }
0x8b: {  	s0 =	sand.u32 $0x1, s1  }
0x8c: {  	s17 =	sshll.u32 s0, $0xA;
	s2 =	sadd.s32 s3, s2  }
0x8d: {  	s2 =	sadd.s32 s2, s17  }
0x8e: {  	[smem:$0x3FC5] =	sst s2  }
0x8f: {  	_ = 	snop  }
0x90: {  	s2 =	sld [smem:$0x3FD0];
	(tm) =	ssettm $0x1  }
0x91: {  	s18 =	sld [smem:$0x3FFB];
	_ =	sdelay $0x3  }
0x92: {  	_ =	strace s18  }
0x93: {  	s3 =	sld [smem:$0x3FFC];
	_ =	sdelay $0x3  }
0x94: {  	_ =	strace s3  }
0x95: {  	s3 =	sld [smem:$0x3FFD];
	_ =	sdelay $0x3  }
0x96: {  	_ =	strace s3  }
0x97: {  	_ =	strace $0x8FFFFFFF  }
0x98: {  	s19 =	sld [smem:$0x3FDB];
	_ =	sdelay $0x1  }
0x99: {  	s4 =	simm.s32 $_scs_section_size  }
0x9a: {  	s5 =	simm.s32 $_size__tile_overlayer_lowered;
	s6 =	simm.s32 $_tile_overlayer_lowered  }
0x9b: {  	s22 =	simm.s32 $0x1BFF;
	s21 =	sshll.u32 s6, $0x1;
	s3 =	sadd.s32 s4, s19  }
0x9c: {  	s7 =	simm.s32 $0x0;
	s20 =	sshll.u32 s5, $0x1;
	s5 =	sadd.s32 s21, s3  }
0x9d: {  	[timem:s7], [sflag:s22] =	dma.local [hbm:s5], s20  }
0x9e: {  	_ =	swait.ge [sflag:s22], s20  }
0x9f: {  	s4 =	ssub.s32 $0x0, s20;
	[sflag:s22] =	ssyncset.done $0x0  }
0xa0: {  	[sflag:s22] =	ssyncadd.s32 s4;
	_ =	sdelay $0x1  }
0xa1: {  	s23 =	simm.s32 $0x1B8B  }
0xa2: {  	_ =	swait.ge [sflag:s23], $0x1  }
0xa3: {  	[sflag:s23] =	ssyncset.done $0x0  }
0xa4: {  	s25 =	simm.s32 $0x1B8E;
	s24 =	sld [smem:$0x3FFE];
	[sflag:s23] =	ssyncadd.s32 $0xFFFFFFFF  }
0xa5: {  	s26 =	simm.s32 $execute0_lowered;
	[smem:$0x3FD2] =	sst s25  }
0xa6: {  	s5 =	sshll.u32 s26, $0x1;
	_ =	strace $0x80000046;
	[dreg:$0x1] =	wrdreg $0xFFFFFFFF  }
0xa7: {  	s28 =	simm.s32 $_size_execute0_lowered;
	s3 =	sadd.s32 s3, s5;
	[dreg:$0x0] =	wrdreg $0x0  }
0xa8: {  	s5 =	sshll.u32 s28, $0x1;
	[dreg:$0x2] =	wrdreg s3  }
0xa9: {  	[dreg:$0x3] =	wrdreg s5  }
0xaa: {  	[dreg:$0x4] =	wrdreg $0xC0  }
0xab: {  	_ =	task [dreg:s7], $0x5FFFF  }
0xac: {  	[dreg:$0x1] =	wrdreg $0xFFFFFFFF  }
0xad: {  	[dreg:$0x0] =	wrdreg $0x60  }
0xae: {  	[dreg:$0x2] =	wrdreg s24  }
0xaf: {  	[dreg:$0x3] =	wrdreg s2  }
0xb0: {  	[dreg:$0x4] =	wrdreg $0x9  }
0xb1: {  	_ =	task.clear_ibuf [dreg:s7], $0x5FFFF;
	_ =	strace $0x90000046  }
0xb2: {  	s29 =	simm.s32 $0x9;
	_ =	strace $0x80000048  }
0xb3: {  	_ =	swait.ge [sflag:s29], $0x1  }
0xb4: {  	[sflag:s29] =	ssyncadd.s32 $0xFFFFFFFF  }
0xb5: {  	_ =	strace $0x90000048  }
0xb6: {  	_ =	sfence  }
0xb7: {  	s30 =	sld [smem:$0x0];
	_ =	sdelay $0x2  }
0xb8: {  	s31 =	sshll.u32 s1, $0xD;
	s1 =	sshrl.u32 s1, $0x2  }
0xb9: {  	s3 =	sand.u32 $0x4000, s31;
	s1 =	sadd.s32 s1, s30  }
0xba: {  	s0 =	sor.u32 s3, s0;
	s1 =	sshll.u32 s1, $0x11  }
0xbb: {  	s0 =	sor.u32 s1, s0  }
0xbc: {  	s0 =	sadd.s32 $0x8F2B, s0  }
0xbd: {  	[sflag:s0] =	ssyncadd.remote.s32 $0x1  }
0xbe: {  	_ =	sfence.sel $0xFFFF  }
0xbf: {  	[dreg:$0x0] =	wrdreg $0xFFFFFFFF;
	(pc) =	sbr.abs _section_cstart, $3  }
0xc0: {  	[dreg:$0x1] =	wrdreg $0xFFFFFFFF  }
0xc1: {  	_ =	task.clear_ibuf [dreg:s7], $0x2FFFF;
	_ =	strace $0x9FFFFFFF  }
0xc2: {  	(tm) =	ssettm $0x7FFFFFFF  }
0xc3: {  	_ =	shalt  }
tec
execute0_lowered:
.L_overlay_start_1:
0x0: {  	(tag) =	ssettag $0x1  }
0x1: {  	s0 =	rddreg [dreg:$0x0]  }
0x2: {  	s2 =	rddreg [dreg:$0x1]  }
0x3: {  	s1 =	srdreg.scid;
	s4 =	stileid.u32  }
0x4: {  	s3 =	simm.s32 $0x0;
	s13 =	simm.s32 $0x5;
	s14 =	simm.s32 $0xD00  }
0x5: {  	s15 =	simm.s32 $0x64;
	s16 =	simm.s32 $0xE40;
	s29 =	simm.s32 $0x680  }
0x6: {  	s30 =	simm.s32 $0xDA0;
	s31 =	simm.s32 $0xD640;
	s18 =	simm.s32 $0x16C40  }
0x7: {  	s19 =	simm.s32 $0xBC8;
	s20 =	simm.s32 $0x178C0;
	s21 =	simm.s32 $0xC30  }
0x8: {  	s22 =	simm.s32 $0x18540;
	s1 =	sand.u32 $0x1, s1;
	s4 =	sshll.u32 s4, $0x1  }
0x9: {  	s28 =	simm.s32 $0x3;
	[smem:$0x7FF] =	sst s3;
	s7 =	sor.u32 s1, s4  }
0xa: {  	s6 =	sadd.s32 $0x800, s0;
	s1 =	ssub.s32 $0x2, s1;
	s5 =	smul.u32 $0x640, s7  }
0xb: {  	_ =	strace $0x80000047;
	s8 =	smul.u32 $0x820, s7;
	s23 =	sshrl.u32 s1, $0x1  }
0xc: {  	s4 =	sadd.s32 $0x2200, s0;
	s7 =	sadd.s32 $0x12600, s0;
	s0 =	ssub.s32 s1, s23  }
0xd: {  	s23 =	simm.s32 $0xC98;
	s9 =	sshrl.u32 s5, $0x3;
	s24 =	sadd.s32 s4, s8  }
0xe: {  	s10 =	sadd.s32 $0xA0, s5;
	s26 =	sadd.s32 $0x140, s5;
	[dreg:$0x3] =	wrdreg s24  }
0xf: {  	s0 =	smax.u32 s0, $0x1;
	s8 =	simm.s32 $0x0;
	[dreg:$0x5] =	wrdreg s26  }
0x10: {  	s25 =	sadd.s32 s6, s9;
	[dreg:$0x6] =	wrdreg s0;
	s24 =	simm.s32 $0x191C0  }
0x11: {  	s26 =	simm.s32 $0x2;
	[dreg:$0x4] =	wrdreg s25;
	s25 =	simm.s32 $0x1  }
.LBB2_1:
0x12: {  	[dreg:$0x7] =	wrdreg s8  }
0x13: {  	s0 =	rddreg [dreg:$0x3]  }
0x14: {  	[tilespmem:s3], [sflag:$0x5] =	stream.linear.gather [hbm4b:s0+s3], $0x680, $0x38;
	[tilespmem:$0x19E40] =	vst v63  }
0x15: {  	_ =	swait.ge [sflag:s13], $0x680  }
0x16: {  	[sflag:s13] =	ssyncset.done $0x0  }
0x17: {  	s1 =	rddreg [dreg:$0x4];
	[sflag:s13] =	ssyncadd.s32 $0xFFFFF980  }
0x18: {  	[tilespmem:s14], [sflag:$0x5] =	stream.linear.gather [hbm4b:s1+s3], $0xA0, $0x38;
	[tilespmem:$0x19E40] =	vst v63  }
0x19: {  	_ =	swait.ge [sflag:s13], $0xA0  }
0x1a: {  	[sflag:s13] =	ssyncset.done $0x0  }
0x1b: {  	[sflag:s13] =	ssyncadd.s32 $0xFFFFFF60  }
0x1c: {  	[tilespmem:s16], [sflag:$0x1] =	stream.indirect.gather [hbm4b:s7+s15], $0x20, s3, s15, $0xb8;
	[tilespmem:$0x19E40] =	vst v63  }
0x1d: {  	s8 =	simm.s32 $0x68;
	s1 =	simm.s32 $0x1AC0  }
0x1e: {  	[tilespmem:s1], [sflag:$0x1] =	stream.indirect.gather [hbm4b:s7+s15], $0x20, s8, s15, $0xb8;
	[tilespmem:$0x19E40] =	vst v63  }
0x1f: {  	s9 =	simm.s32 $0xD0;
	s11 =	simm.s32 $0x2740  }
0x20: {  	[tilespmem:s11], [sflag:$0x1] =	stream.indirect.gather [hbm4b:s7+s15], $0x20, s9, s15, $0xb8;
	[tilespmem:$0x19E40] =	vst v63  }
0x21: {  	s12 =	simm.s32 $0x138;
	s17 =	simm.s32 $0x33C0  }
0x22: {  	[tilespmem:s17], [sflag:$0x1] =	stream.indirect.gather [hbm4b:s7+s15], $0x20, s12, s15, $0xb8;
	[tilespmem:$0x19E40] =	vst v63  }
0x23: {  	s1 =	simm.s32 $0x1A0;
	s8 =	simm.s32 $0x4040  }
0x24: {  	[tilespmem:s8], [sflag:$0x1] =	stream.indirect.gather [hbm4b:s7+s15], $0x20, s1, s15, $0xb8;
	[tilespmem:$0x19E40] =	vst v63  }
0x25: {  	s9 =	simm.s32 $0x208;
	s11 =	simm.s32 $0x4CC0  }
0x26: {  	[tilespmem:s11], [sflag:$0x1] =	stream.indirect.gather [hbm4b:s7+s15], $0x20, s9, s15, $0xb8;
	[tilespmem:$0x19E40] =	vst v63  }
0x27: {  	s12 =	simm.s32 $0x270;
	s17 =	simm.s32 $0x5940  }
0x28: {  	[tilespmem:s17], [sflag:$0x1] =	stream.indirect.gather [hbm4b:s7+s15], $0x20, s12, s15, $0xb8;
	[tilespmem:$0x19E40] =	vst v63  }
0x29: {  	s1 =	simm.s32 $0x2D8;
	s8 =	simm.s32 $0x65C0  }
0x2a: {  	[tilespmem:s8], [sflag:$0x1] =	stream.indirect.gather [hbm4b:s7+s15], $0x20, s1, s15, $0xb8;
	[tilespmem:$0x19E40] =	vst v63  }
0x2b: {  	s9 =	simm.s32 $0x340;
	s11 =	simm.s32 $0x7240  }
0x2c: {  	[tilespmem:s11], [sflag:$0x1] =	stream.indirect.gather [hbm4b:s7+s15], $0x20, s9, s15, $0xb8;
	[tilespmem:$0x19E40] =	vst v63  }
0x2d: {  	s12 =	simm.s32 $0x3A8;
	s17 =	simm.s32 $0x7EC0  }
0x2e: {  	[tilespmem:s17], [sflag:$0x1] =	stream.indirect.gather [hbm4b:s7+s15], $0x20, s12, s15, $0xb8;
	[tilespmem:$0x19E40] =	vst v63  }
0x2f: {  	s1 =	simm.s32 $0x410;
	s8 =	simm.s32 $0x8B40  }
0x30: {  	[tilespmem:s8], [sflag:$0x1] =	stream.indirect.gather [hbm4b:s7+s15], $0x20, s1, s15, $0xb8;
	[tilespmem:$0x19E40] =	vst v63  }
0x31: {  	s9 =	simm.s32 $0x478;
	s11 =	simm.s32 $0x97C0  }
0x32: {  	[tilespmem:s11], [sflag:$0x1] =	stream.indirect.gather [hbm4b:s7+s15], $0x20, s9, s15, $0xb8;
	[tilespmem:$0x19E40] =	vst v63  }
0x33: {  	s12 =	simm.s32 $0x4E0;
	s17 =	simm.s32 $0xA440  }
0x34: {  	[tilespmem:s17], [sflag:$0x1] =	stream.indirect.gather [hbm4b:s7+s15], $0x20, s12, s15, $0xb8;
	[tilespmem:$0x19E40] =	vst v63  }
0x35: {  	s1 =	simm.s32 $0x548;
	s8 =	simm.s32 $0xB0C0  }
0x36: {  	[tilespmem:s8], [sflag:$0x1] =	stream.indirect.gather [hbm4b:s7+s15], $0x20, s1, s15, $0xb8;
	[tilespmem:$0x19E40] =	vst v63  }
0x37: {  	s9 =	simm.s32 $0x5B0;
	s11 =	simm.s32 $0xBD40  }
0x38: {  	[tilespmem:s11], [sflag:$0x1] =	stream.indirect.gather [hbm4b:s7+s15], $0x20, s9, s15, $0xb8;
	[tilespmem:$0x19E40] =	vst v63  }
0x39: {  	s12 =	simm.s32 $0x618;
	s17 =	simm.s32 $0xC9C0;
	s11 =	simm.s32 $0x0  }
0x3a: {  	[tilespmem:s17], [sflag:$0x1] =	stream.indirect.gather [hbm4b:s7+s15], $0x20, s12, s15, $0xb8;
	[tilespmem:$0x19E40] =	vst v63  }
.LBB2_2:
0x3b: {  	s1 =	smul.u32 $0x140, s11;
	_ =	sdelay $0x1  }
0x3c: {  	s0 =	sadd.s32 s1, s10  }
0x3d: {  	s8 =	smulhi.u32 $0xCCCCCCCD, s0  }
0x3e: {  	p0 =	seq.s32 s11, $0x0  }
0x3f: {  	s9 =	simm.s32 @!p0 $0x4;
	s8 =	sshrl.u32 s8, $0x3  }
0x40: {  	_ =	swait.ge @!p0 [sflag:s9], $0xC800;
	s8 =	smul.u32 $0xD, s8  }
0x41: {  	[sflag:s9] =	ssyncset.done @!p0 $0x0  }
0x42: {  	[sflag:s9] =	ssyncadd.s32 @!p0 $0xFFFF3800;
	s9 =	simm.s32 $0x0;
	s8 =	sadd.s32 s4, s8  }
0x43: {  	[tilespmem:s29], [sflag:$0x5] =	stream.linear.gather [hbm4b:s8+s9], $0x680, $0x38;
	[tilespmem:$0x19E40] =	vst v63  }
0x44: {  	_ =	swait.ge [sflag:s13], $0x680  }
0x45: {  	s12 =	sshrl.u32 s0, $0x3;
	[sflag:s13] =	ssyncset.done $0x0  }
0x46: {  	s8 =	sadd.s32 s6, s12;
	[sflag:s13] =	ssyncadd.s32 $0xFFFFF980  }
0x47: {  	[tilespmem:s30], [sflag:$0x5] =	stream.linear.gather [hbm4b:s8+s9], $0xA0, $0x38;
	[tilespmem:$0x19E40] =	vst v63  }
0x48: {  	_ =	swait.ge [sflag:s13], $0xA0  }
0x49: {  	[sflag:s13] =	ssyncset.done $0x0  }
0x4a: {  	[sflag:s13] =	ssyncadd.s32 $0xFFFFFF60  }
0x4b: {  	[tilespmem:s31], [sflag:$0x2] =	stream.indirect.gather [hbm4b:s7+s15], $0x20, s29, s15, $0xb8;
	[tilespmem:$0x19E40] =	vst v63  }
0x4c: {  	s17 =	simm.s32 $0x6E8;
	s12 =	simm.s32 $0xE2C0  }
0x4d: {  	[tilespmem:s12], [sflag:$0x2] =	stream.indirect.gather [hbm4b:s7+s15], $0x20, s17, s15, $0xb8;
	[tilespmem:$0x19E40] =	vst v63  }
0x4e: {  	s12 =	simm.s32 $0x750;
	s17 =	simm.s32 $0xEF40  }
0x4f: {  	[tilespmem:s17], [sflag:$0x2] =	stream.indirect.gather [hbm4b:s7+s15], $0x20, s12, s15, $0xb8;
	[tilespmem:$0x19E40] =	vst v63  }
0x50: {  	s12 =	simm.s32 $0x7B8;
	s17 =	simm.s32 $0xFBC0  }
0x51: {  	[tilespmem:s17], [sflag:$0x2] =	stream.indirect.gather [hbm4b:s7+s15], $0x20, s12, s15, $0xb8;
	[tilespmem:$0x19E40] =	vst v63  }
0x52: {  	s12 =	simm.s32 $0x820;
	s17 =	simm.s32 $0x10840  }
0x53: {  	[tilespmem:s17], [sflag:$0x2] =	stream.indirect.gather [hbm4b:s7+s15], $0x20, s12, s15, $0xb8;
	[tilespmem:$0x19E40] =	vst v63  }
0x54: {  	s12 =	simm.s32 $0x888;
	s17 =	simm.s32 $0x114C0  }
0x55: {  	[tilespmem:s17], [sflag:$0x2] =	stream.indirect.gather [hbm4b:s7+s15], $0x20, s12, s15, $0xb8;
	[tilespmem:$0x19E40] =	vst v63  }
0x56: {  	s12 =	simm.s32 $0x8F0;
	s17 =	simm.s32 $0x12140  }
0x57: {  	[tilespmem:s17], [sflag:$0x2] =	stream.indirect.gather [hbm4b:s7+s15], $0x20, s12, s15, $0xb8;
	[tilespmem:$0x19E40] =	vst v63  }
0x58: {  	s12 =	simm.s32 $0x958;
	s17 =	simm.s32 $0x12DC0  }
0x59: {  	[tilespmem:s17], [sflag:$0x2] =	stream.indirect.gather [hbm4b:s7+s15], $0x20, s12, s15, $0xb8;
	[tilespmem:$0x19E40] =	vst v63  }
0x5a: {  	s12 =	simm.s32 $0x9C0;
	s17 =	simm.s32 $0x13A40  }
0x5b: {  	[tilespmem:s17], [sflag:$0x2] =	stream.indirect.gather [hbm4b:s7+s15], $0x20, s12, s15, $0xb8;
	[tilespmem:$0x19E40] =	vst v63  }
0x5c: {  	s12 =	simm.s32 $0xA28;
	s17 =	simm.s32 $0x146C0  }
0x5d: {  	[tilespmem:s17], [sflag:$0x2] =	stream.indirect.gather [hbm4b:s7+s15], $0x20, s12, s15, $0xb8;
	[tilespmem:$0x19E40] =	vst v63  }
0x5e: {  	s12 =	simm.s32 $0xA90;
	s17 =	simm.s32 $0x15340  }
0x5f: {  	[tilespmem:s17], [sflag:$0x2] =	stream.indirect.gather [hbm4b:s7+s15], $0x20, s12, s15, $0xb8;
	[tilespmem:$0x19E40] =	vst v63  }
0x60: {  	s12 =	simm.s32 $0xAF8;
	s17 =	simm.s32 $0x15FC0  }
0x61: {  	[tilespmem:s17], [sflag:$0x2] =	stream.indirect.gather [hbm4b:s7+s15], $0x20, s12, s15, $0xb8;
	[tilespmem:$0x19E40] =	vst v63  }
0x62: {  	s17 =	simm.s32 $0xB60  }
0x63: {  	[tilespmem:s18], [sflag:$0x2] =	stream.indirect.gather [hbm4b:s7+s15], $0x20, s17, s15, $0xb8;
	[tilespmem:$0x19E40] =	vst v63  }
0x64: {  	_ = 	snop  }
0x65: {  	[tilespmem:s20], [sflag:$0x2] =	stream.indirect.gather [hbm4b:s7+s15], $0x20, s19, s15, $0xb8;
	[tilespmem:$0x19E40] =	vst v63  }
0x66: {  	_ = 	snop  }
0x67: {  	[tilespmem:s22], [sflag:$0x2] =	stream.indirect.gather [hbm4b:s7+s15], $0x20, s21, s15, $0xb8;
	[tilespmem:$0x19E40] =	vst v63  }
0x68: {  	_ = 	snop  }
0x69: {  	[tilespmem:s24], [sflag:$0x2] =	stream.indirect.gather [hbm4b:s7+s15], $0x20, s23, s15, $0xb8;
	[tilespmem:$0x19E40] =	vst v63  }
0x6a: {  	_ =	swait.ge [sflag:s25], $0xC80  }
0x6b: {  	[sflag:s25] =	ssyncset.done $0x0  }
0x6c: {  	[sflag:s25] =	ssyncadd.s32 $0xFFFFF380  }
0x6d: {  	_ =	swait.ge [sflag:s25], $0xC80  }
0x6e: {  	[sflag:s25] =	ssyncset.done $0x0  }
0x6f: {  	[sflag:s25] =	ssyncadd.s32 $0xFFFFF380  }
0x70: {  	_ =	swait.ge [sflag:s25], $0xC80  }
0x71: {  	[sflag:s25] =	ssyncset.done $0x0  }
0x72: {  	[sflag:s25] =	ssyncadd.s32 $0xFFFFF380  }
0x73: {  	_ =	swait.ge [sflag:s25], $0xC80  }
0x74: {  	[sflag:s25] =	ssyncset.done $0x0  }
0x75: {  	[sflag:s25] =	ssyncadd.s32 $0xFFFFF380  }
0x76: {  	_ =	swait.ge [sflag:s25], $0xC80  }
0x77: {  	[sflag:s25] =	ssyncset.done $0x0  }
0x78: {  	[sflag:s25] =	ssyncadd.s32 $0xFFFFF380  }
0x79: {  	_ =	swait.ge [sflag:s25], $0xC80  }
0x7a: {  	[sflag:s25] =	ssyncset.done $0x0  }
0x7b: {  	[sflag:s25] =	ssyncadd.s32 $0xFFFFF380  }
0x7c: {  	_ =	swait.ge [sflag:s25], $0xC80  }
0x7d: {  	[sflag:s25] =	ssyncset.done $0x0  }
0x7e: {  	[sflag:s25] =	ssyncadd.s32 $0xFFFFF380  }
0x7f: {  	_ =	swait.ge [sflag:s25], $0xC80  }
0x80: {  	[sflag:s25] =	ssyncset.done $0x0  }
0x81: {  	[sflag:s25] =	ssyncadd.s32 $0xFFFFF380  }
0x82: {  	_ =	swait.ge [sflag:s25], $0xC80  }
0x83: {  	[sflag:s25] =	ssyncset.done $0x0  }
0x84: {  	[sflag:s25] =	ssyncadd.s32 $0xFFFFF380  }
0x85: {  	_ =	swait.ge [sflag:s25], $0xC80  }
0x86: {  	[sflag:s25] =	ssyncset.done $0x0  }
0x87: {  	[sflag:s25] =	ssyncadd.s32 $0xFFFFF380  }
0x88: {  	_ =	swait.ge [sflag:s25], $0xC80  }
0x89: {  	[sflag:s25] =	ssyncset.done $0x0  }
0x8a: {  	[sflag:s25] =	ssyncadd.s32 $0xFFFFF380  }
0x8b: {  	_ =	swait.ge [sflag:s25], $0xC80  }
0x8c: {  	[sflag:s25] =	ssyncset.done $0x0  }
0x8d: {  	[sflag:s25] =	ssyncadd.s32 $0xFFFFF380  }
0x8e: {  	_ =	swait.ge [sflag:s25], $0xC80  }
0x8f: {  	[sflag:s25] =	ssyncset.done $0x0  }
0x90: {  	[sflag:s25] =	ssyncadd.s32 $0xFFFFF380  }
0x91: {  	_ =	swait.ge [sflag:s25], $0xC80  }
0x92: {  	[sflag:s25] =	ssyncset.done $0x0  }
0x93: {  	[sflag:s25] =	ssyncadd.s32 $0xFFFFF380  }
0x94: {  	_ =	swait.ge [sflag:s25], $0xC80  }
0x95: {  	[sflag:s25] =	ssyncset.done $0x0  }
0x96: {  	[sflag:s25] =	ssyncadd.s32 $0xFFFFF380  }
0x97: {  	_ =	swait.ge [sflag:s25], $0xC80  }
0x98: {  	[sflag:s25] =	ssyncset.done $0x0  }
0x99: {  	s8 =	simm.s32 $0xEE0;
	[sflag:s25] =	ssyncadd.s32 $0xFFFFF380  }
0x9a: {  	v0 =	vld [tilespmem:s8+$0xFFFFFFF0]  }
0x9b: {  	v1 =	vld [tilespmem:s8+$0x30]  }
0x9c: {  	v4 =	vld [tilespmem:s8+$0x40]  }
0x9d: {  	v12 =	vld [tilespmem:s8+$0x90]  }
0x9e: {  	v5 =	vld [tilespmem:s8+$0x80]  }
0x9f: {  	v2 =	vmov s9;
	v8 =	vld [tilespmem:s8+$0x50]  }
0xa0: {  	v16 =	vld [tilespmem:s8+$0x70]  }
0xa1: {  	v10 =	vld [tilespmem:s8+$0xFFFFFF60]  }
0xa2: {  	v3 =	vld [tilespmem:s8+$0xFFFFFFE0]  }
0xa3: {  	v7 =	vld [tilespmem:s8+$0xFFFFFFB0]  }
0xa4: {  	v2 =	vld.idx.msk [tilespmem:v2+s14+$0x0], $0xffff  }
0xa5: {  	v14 =	vld [tilespmem:s8+$0xFFFFFF80]  }
0xa6: {  	v6 =	vld [tilespmem:s8+$0xFFFFFFD0]  }
0xa7: {  	v13 =	vld [tilespmem:s8+$0xFFFFFF70]  }
0xa8: {  	v9 =	vld [tilespmem:s8+$0xFFFFFF90]  }
0xa9: {  	v11 =	vld [tilespmem:s8+$0x60]  }
0xaa: {  	v15 =	vmul.f32 v10, v2;
	v10 =	vld [tilespmem:s8+$0xFFFFFFA0];
	v17 =	vmul.f32 v12, v2  }
0xab: {  	s9 =	simm.s32 $0x1;
	s12 =	simm.s32 $0xEE0;
	v12 =	vmul.f32 v14, v2;
	v14 =	vld [tilespmem:s8+$0xFFFFFFC0];
	v16 =	vmul.f32 v16, v2  }
.LBB2_3:
0xac: {  	p0 =	sne.s32 s9, $0x9F  }
0xad: {  	v13 =	vmul.f32 v13, v2;
	v18 =	vld [tilespmem:s8+$0x10];
	v8 =	vmul.f32 v8, v2;
	[tilespmem:s8+$0x90] =	vst v17;
	s12 =	sadd.s32 $0x140, s12;
	s17 =	smov.u32 s9;
	s9 =	sadd.s32 $0x1, s9  }
0xae: {  	v5 =	vmul.f32 v5, v2;
	[tilespmem:s8+$0xFFFFFF60] =	vst v15;
	v9 =	vmul.f32 v9, v2;
	v15 =	vld [tilespmem:s8+$0x0]  }
0xaf: {  	v7 =	vmul.f32 v7, v2;
	v17 =	vld [tilespmem:s8+$0x20];
	v11 =	vmul.f32 v11, v2;
	[tilespmem:s8+$0x70] =	vst v16  }
0xb0: {  	v6 =	vmul.f32 v6, v2;
	v16 =	vld [tilespmem:s12+$0xFFFFFFF0];
	v10 =	vmul.f32 v10, v2;
	[tilespmem:s8+$0x50] =	vst v8  }
0xb1: {  	v4 =	vmul.f32 v4, v2;
	v8 =	vmul.f32 v14, v2;
	[tilespmem:s8+$0x80] =	vst v5  }
0xb2: {  	v3 =	vmul.f32 v3, v2;
	[tilespmem:s8+$0xFFFFFF80] =	vst v12;
	v12 =	vmul.f32 v0, v2  }
0xb3: {  	v14 =	vmul.f32 v15, v2;
	v15 =	vmul.f32 v18, v2;
	[tilespmem:s8+$0x40] =	vst v4  }
0xb4: {  	v1 =	vmul.f32 v1, v2;
	[tilespmem:s8+$0xFFFFFFC0] =	vst v8;
	v4 =	vmul.f32 v17, v2  }
0xb5: {  	[tilespmem:s8+$0xFFFFFFB0] =	vst v7;
	v0 =	vmov v16  }
0xb6: {  	[tilespmem:s8+$0x30] =	vst v1  }
0xb7: {  	[tilespmem:s8+$0x20] =	vst v4  }
0xb8: {  	v1 =	vld [tilespmem:s12+$0x30];
	[tilespmem:s8+$0xFFFFFF70] =	vst v13  }
0xb9: {  	v4 =	vld [tilespmem:s12+$0x40];
	[tilespmem:s8+$0xFFFFFFD0] =	vst v6  }
0xba: {  	v16 =	vld [tilespmem:s12+$0x90];
	[tilespmem:s8+$0x60] =	vst v11  }
0xbb: {  	v5 =	vld [tilespmem:s12+$0x80];
	[tilespmem:s8+$0xFFFFFFA0] =	vst v10  }
0xbc: {  	v2 =	vmov s17;
	v8 =	vld [tilespmem:s12+$0x50];
	[tilespmem:s8+$0xFFFFFF90] =	vst v9  }
0xbd: {  	v18 =	vld [tilespmem:s12+$0x70];
	[tilespmem:s8+$0xFFFFFFF0] =	vst v12  }
0xbe: {  	v10 =	vld [tilespmem:s12+$0xFFFFFF60];
	[tilespmem:s8+$0xFFFFFFE0] =	vst v3  }
0xbf: {  	v3 =	vld [tilespmem:s12+$0xFFFFFFE0];
	[tilespmem:s8+$0x10] =	vst v15  }
0xc0: {  	v7 =	vld [tilespmem:s12+$0xFFFFFFB0];
	[tilespmem:s8+$0x0] =	vst v14;
	s8 =	smov.u32 s12  }
0xc1: {  	v2 =	vld.idx.msk [tilespmem:v2+s14+$0x0], $0xffff  }
0xc2: {  	v12 =	vld [tilespmem:s12+$0xFFFFFF80]  }
0xc3: {  	v6 =	vld [tilespmem:s12+$0xFFFFFFD0]  }
.Ltmp0:
0xc4: {  	v13 =	vld [tilespmem:s12+$0xFFFFFF70];
	(pc) =	sbr.rel @p0 .LBB2_3-.Ltmp0, $4  }
0xc5: {  	v9 =	vld [tilespmem:s12+$0xFFFFFF90]  }
0xc6: {  	v11 =	vld [tilespmem:s12+$0x60]  }
0xc7: {  	v15 =	vmul.f32 v10, v2;
	v17 =	vmul.f32 v16, v2;
	v10 =	vld [tilespmem:s12+$0xFFFFFFA0]  }
0xc8: {  	v16 =	vmul.f32 v18, v2;
	v12 =	vmul.f32 v12, v2;
	v14 =	vld [tilespmem:s12+$0xFFFFFFC0]  }
0xc9: {  	[tilespmem:s8+$0x90] =	vst v17  }
0xca: {  	[tilespmem:s8+$0xFFFFFF60] =	vst v15  }
0xcb: {  	v8 =	vmul.f32 v8, v2;
	[tilespmem:s8+$0x70] =	vst v16  }
0xcc: {  	v5 =	vmul.f32 v5, v2;
	[tilespmem:s8+$0xFFFFFF80] =	vst v12  }
0xcd: {  	v4 =	vmul.f32 v4, v2;
	[tilespmem:s8+$0x50] =	vst v8  }
0xce: {  	v7 =	vmul.f32 v7, v2;
	[tilespmem:s8+$0x80] =	vst v5  }
0xcf: {  	v1 =	vmul.f32 v1, v2;
	[tilespmem:s8+$0x40] =	vst v4  }
0xd0: {  	v57 =	vmul.f32 v13, v2;
	[tilespmem:s8+$0xFFFFFFB0] =	vst v7  }
0xd1: {  	v58 =	vmul.f32 v6, v2;
	[tilespmem:s8+$0x30] =	vst v1  }
0xd2: {  	v0 =	vmul.f32 v0, v2;
	[tilespmem:s8+$0xFFFFFF70] =	vst v57  }
0xd3: {  	v52 =	vld [tilespmem:s8+$0x20];
	v3 =	vmul.f32 v3, v2;
	[tilespmem:s8+$0xFFFFFFD0] =	vst v58  }
0xd4: {  	v53 =	vld [tilespmem:s8+$0x10];
	v61 =	vmul.f32 v9, v2;
	[tilespmem:s8+$0xFFFFFFF0] =	vst v0  }
0xd5: {  	v55 =	vld [tilespmem:s8+$0x0];
	v59 =	vmul.f32 v11, v2;
	[tilespmem:s8+$0xFFFFFFE0] =	vst v3  }
0xd6: {  	v60 =	vmul.f32 v10, v2;
	[tilespmem:s8+$0xFFFFFF90] =	vst v61  }
0xd7: {  	v54 =	vmul.f32 v14, v2;
	[tilespmem:s8+$0x60] =	vst v59  }
0xd8: {  	p0 =	seq.s32 s11, $0x4;
	v56 =	vmul.f32 v52, v2;
	[tilespmem:s8+$0xFFFFFFA0] =	vst v60  }
.Ltmp1:
0xd9: {  	s9 =	sadd.s32 s5, s1;
	v62 =	vmul.f32 v53, v2;
	[tilespmem:s8+$0xFFFFFFC0] =	vst v54;
	(pc) =	sbr.rel @p0 .LBB2_6-.Ltmp1, $4  }
0xda: {  	s9 =	smul.u32 $0x28, s9;
	v63 =	vmul.f32 v55, v2;
	[tilespmem:s8+$0x20] =	vst v56  }
0xdb: {  	[tilespmem:s8+$0x10] =	vst v62  }
0xdc: {  	s17 =	sadd.s32 s2, s9;
	[tilespmem:s8+$0x0] =	vst v63  }
0xdd: {  	[hbm4b:s17+s3] =	stream.linear.scatter [tilespmem:s16], [sflag:$0x3], $0xC800, $0x38;
	[tilespmem:$0x19E40] =	vst v63  }
0xde: {  	s8 =	rddreg [dreg:$0x5]  }
0xdf: {  	s1 =	sadd.s32 s1, s8  }
0xe0: {  	s8 =	smulhi.u32 $0xCCCCCCCD, s1;
	_ =	sdelay $0x1  }
0xe1: {  	s8 =	sshrl.u32 s8, $0x3  }
0xe2: {  	_ =	swait.ge [sflag:s28], $0xC800;
	s8 =	smul.u32 $0xD, s8  }
0xe3: {  	[sflag:s28] =	ssyncset.done $0x0  }
0xe4: {  	[sflag:s28] =	ssyncadd.s32 $0xFFFF3800;
	s8 =	sadd.s32 s4, s8  }
0xe5: {  	[tilespmem:s3], [sflag:$0x5] =	stream.linear.gather [hbm4b:s8+s3], $0x680, $0x38;
	[tilespmem:$0x19E40] =	vst v63  }
0xe6: {  	_ =	swait.ge [sflag:s13], $0x680  }
0xe7: {  	s1 =	sshrl.u32 s1, $0x3;
	[sflag:s13] =	ssyncset.done $0x0  }
0xe8: {  	s1 =	sadd.s32 s6, s1;
	[sflag:s13] =	ssyncadd.s32 $0xFFFFF980  }
0xe9: {  	[tilespmem:s14], [sflag:$0x5] =	stream.linear.gather [hbm4b:s1+s3], $0xA0, $0x38;
	[tilespmem:$0x19E40] =	vst v63  }
0xea: {  	_ =	swait.ge [sflag:s13], $0xA0  }
0xeb: {  	[sflag:s13] =	ssyncset.done $0x0  }
0xec: {  	[sflag:s13] =	ssyncadd.s32 $0xFFFFFF60  }
0xed: {  	[tilespmem:s16], [sflag:$0x1] =	stream.indirect.gather [hbm4b:s7+s15], $0x20, s3, s15, $0xb8;
	[tilespmem:$0x19E40] =	vst v63  }
0xee: {  	s12 =	simm.s32 $0x68;
	s17 =	simm.s32 $0x1AC0  }
0xef: {  	[tilespmem:s17], [sflag:$0x1] =	stream.indirect.gather [hbm4b:s7+s15], $0x20, s12, s15, $0xb8;
	[tilespmem:$0x19E40] =	vst v63  }
0xf0: {  	s9 =	simm.s32 $0x2740;
	s8 =	simm.s32 $0xD0  }
0xf1: {  	[tilespmem:s9], [sflag:$0x1] =	stream.indirect.gather [hbm4b:s7+s15], $0x20, s8, s15, $0xb8;
	[tilespmem:$0x19E40] =	vst v63  }
0xf2: {  	s12 =	simm.s32 $0x138;
	s17 =	simm.s32 $0x33C0  }
0xf3: {  	[tilespmem:s17], [sflag:$0x1] =	stream.indirect.gather [hbm4b:s7+s15], $0x20, s12, s15, $0xb8;
	[tilespmem:$0x19E40] =	vst v63  }
0xf4: {  	s8 =	simm.s32 $0x1A0;
	s9 =	simm.s32 $0x4040  }
0xf5: {  	[tilespmem:s9], [sflag:$0x1] =	stream.indirect.gather [hbm4b:s7+s15], $0x20, s8, s15, $0xb8;
	[tilespmem:$0x19E40] =	vst v63  }
0xf6: {  	s12 =	simm.s32 $0x208;
	s17 =	simm.s32 $0x4CC0  }
0xf7: {  	[tilespmem:s17], [sflag:$0x1] =	stream.indirect.gather [hbm4b:s7+s15], $0x20, s12, s15, $0xb8;
	[tilespmem:$0x19E40] =	vst v63  }
0xf8: {  	s8 =	simm.s32 $0x270;
	s9 =	simm.s32 $0x5940  }
0xf9: {  	[tilespmem:s9], [sflag:$0x1] =	stream.indirect.gather [hbm4b:s7+s15], $0x20, s8, s15, $0xb8;
	[tilespmem:$0x19E40] =	vst v63  }
0xfa: {  	s12 =	simm.s32 $0x2D8;
	s17 =	simm.s32 $0x65C0  }
0xfb: {  	[tilespmem:s17], [sflag:$0x1] =	stream.indirect.gather [hbm4b:s7+s15], $0x20, s12, s15, $0xb8;
	[tilespmem:$0x19E40] =	vst v63  }
0xfc: {  	s8 =	simm.s32 $0x340;
	s9 =	simm.s32 $0x7240  }
0xfd: {  	[tilespmem:s9], [sflag:$0x1] =	stream.indirect.gather [hbm4b:s7+s15], $0x20, s8, s15, $0xb8;
	[tilespmem:$0x19E40] =	vst v63  }
0xfe: {  	s12 =	simm.s32 $0x3A8;
	s17 =	simm.s32 $0x7EC0  }
0xff: {  	[tilespmem:s17], [sflag:$0x1] =	stream.indirect.gather [hbm4b:s7+s15], $0x20, s12, s15, $0xb8;
	[tilespmem:$0x19E40] =	vst v63  }
0x100: {  	s8 =	simm.s32 $0x410;
	s9 =	simm.s32 $0x8B40  }
0x101: {  	[tilespmem:s9], [sflag:$0x1] =	stream.indirect.gather [hbm4b:s7+s15], $0x20, s8, s15, $0xb8;
	[tilespmem:$0x19E40] =	vst v63  }
0x102: {  	s12 =	simm.s32 $0x478;
	s17 =	simm.s32 $0x97C0  }
0x103: {  	[tilespmem:s17], [sflag:$0x1] =	stream.indirect.gather [hbm4b:s7+s15], $0x20, s12, s15, $0xb8;
	[tilespmem:$0x19E40] =	vst v63  }
0x104: {  	s8 =	simm.s32 $0x4E0;
	s9 =	simm.s32 $0xA440  }
0x105: {  	[tilespmem:s9], [sflag:$0x1] =	stream.indirect.gather [hbm4b:s7+s15], $0x20, s8, s15, $0xb8;
	[tilespmem:$0x19E40] =	vst v63  }
0x106: {  	s12 =	simm.s32 $0x548;
	s17 =	simm.s32 $0xB0C0  }
0x107: {  	[tilespmem:s17], [sflag:$0x1] =	stream.indirect.gather [hbm4b:s7+s15], $0x20, s12, s15, $0xb8;
	[tilespmem:$0x19E40] =	vst v63  }
0x108: {  	s8 =	simm.s32 $0x5B0;
	s9 =	simm.s32 $0xBD40  }
0x109: {  	[tilespmem:s9], [sflag:$0x1] =	stream.indirect.gather [hbm4b:s7+s15], $0x20, s8, s15, $0xb8;
	[tilespmem:$0x19E40] =	vst v63  }
0x10a: {  	s12 =	simm.s32 $0x618;
	s17 =	simm.s32 $0xC9C0  }
0x10b: {  	[tilespmem:s17], [sflag:$0x1] =	stream.indirect.gather [hbm4b:s7+s15], $0x20, s12, s15, $0xb8;
	[tilespmem:$0x19E40] =	vst v63  }
.LBB2_6:
0x10c: {  	_ =	swait.ge [sflag:s26], $0xC80  }
0x10d: {  	[sflag:s26] =	ssyncset.done $0x0  }
0x10e: {  	[sflag:s26] =	ssyncadd.s32 $0xFFFFF380  }
0x10f: {  	_ =	swait.ge [sflag:s26], $0xC80  }
0x110: {  	[sflag:s26] =	ssyncset.done $0x0  }
0x111: {  	[sflag:s26] =	ssyncadd.s32 $0xFFFFF380  }
0x112: {  	_ =	swait.ge [sflag:s26], $0xC80  }
0x113: {  	[sflag:s26] =	ssyncset.done $0x0  }
0x114: {  	[sflag:s26] =	ssyncadd.s32 $0xFFFFF380  }
0x115: {  	_ =	swait.ge [sflag:s26], $0xC80  }
0x116: {  	[sflag:s26] =	ssyncset.done $0x0  }
0x117: {  	[sflag:s26] =	ssyncadd.s32 $0xFFFFF380  }
0x118: {  	_ =	swait.ge [sflag:s26], $0xC80  }
0x119: {  	[sflag:s26] =	ssyncset.done $0x0  }
0x11a: {  	[sflag:s26] =	ssyncadd.s32 $0xFFFFF380  }
0x11b: {  	_ =	swait.ge [sflag:s26], $0xC80  }
0x11c: {  	[sflag:s26] =	ssyncset.done $0x0  }
0x11d: {  	[sflag:s26] =	ssyncadd.s32 $0xFFFFF380  }
0x11e: {  	_ =	swait.ge [sflag:s26], $0xC80  }
0x11f: {  	[sflag:s26] =	ssyncset.done $0x0  }
0x120: {  	[sflag:s26] =	ssyncadd.s32 $0xFFFFF380  }
0x121: {  	_ =	swait.ge [sflag:s26], $0xC80  }
0x122: {  	[sflag:s26] =	ssyncset.done $0x0  }
0x123: {  	[sflag:s26] =	ssyncadd.s32 $0xFFFFF380  }
0x124: {  	_ =	swait.ge [sflag:s26], $0xC80  }
0x125: {  	[sflag:s26] =	ssyncset.done $0x0  }
0x126: {  	[sflag:s26] =	ssyncadd.s32 $0xFFFFF380  }
0x127: {  	_ =	swait.ge [sflag:s26], $0xC80  }
0x128: {  	[sflag:s26] =	ssyncset.done $0x0  }
0x129: {  	[sflag:s26] =	ssyncadd.s32 $0xFFFFF380  }
0x12a: {  	_ =	swait.ge [sflag:s26], $0xC80  }
0x12b: {  	[sflag:s26] =	ssyncset.done $0x0  }
0x12c: {  	[sflag:s26] =	ssyncadd.s32 $0xFFFFF380  }
0x12d: {  	_ =	swait.ge [sflag:s26], $0xC80  }
0x12e: {  	[sflag:s26] =	ssyncset.done $0x0  }
0x12f: {  	[sflag:s26] =	ssyncadd.s32 $0xFFFFF380  }
0x130: {  	_ =	swait.ge [sflag:s26], $0xC80  }
0x131: {  	[sflag:s26] =	ssyncset.done $0x0  }
0x132: {  	[sflag:s26] =	ssyncadd.s32 $0xFFFFF380  }
0x133: {  	_ =	swait.ge [sflag:s26], $0xC80  }
0x134: {  	[sflag:s26] =	ssyncset.done $0x0  }
0x135: {  	[sflag:s26] =	ssyncadd.s32 $0xFFFFF380  }
0x136: {  	_ =	swait.ge [sflag:s26], $0xC80  }
0x137: {  	[sflag:s26] =	ssyncset.done $0x0  }
0x138: {  	[sflag:s26] =	ssyncadd.s32 $0xFFFFF380  }
0x139: {  	_ =	swait.ge [sflag:s26], $0xC80  }
0x13a: {  	[sflag:s26] =	ssyncset.done $0x0  }
0x13b: {  	s1 =	simm.s32 $0xD6E0;
	[sflag:s26] =	ssyncadd.s32 $0xFFFFF380  }
0x13c: {  	v0 =	vld [tilespmem:s1+$0xFFFFFFF0]  }
0x13d: {  	v1 =	vld [tilespmem:s1+$0x30]  }
0x13e: {  	v4 =	vld [tilespmem:s1+$0x40]  }
0x13f: {  	v12 =	vld [tilespmem:s1+$0x90]  }
0x140: {  	s8 =	simm.s32 $0x0;
	v5 =	vld [tilespmem:s1+$0x80]  }
0x141: {  	v2 =	vmov s8;
	v8 =	vld [tilespmem:s1+$0x50]  }
0x142: {  	v16 =	vld [tilespmem:s1+$0x70]  }
0x143: {  	v10 =	vld [tilespmem:s1+$0xFFFFFF60]  }
0x144: {  	v3 =	vld [tilespmem:s1+$0xFFFFFFE0]  }
0x145: {  	v7 =	vld [tilespmem:s1+$0xFFFFFFB0]  }
0x146: {  	v2 =	vld.idx.msk [tilespmem:v2+s30+$0x0], $0xffff  }
0x147: {  	v14 =	vld [tilespmem:s1+$0xFFFFFF80]  }
0x148: {  	v6 =	vld [tilespmem:s1+$0xFFFFFFD0]  }
0x149: {  	v13 =	vld [tilespmem:s1+$0xFFFFFF70]  }
0x14a: {  	v9 =	vld [tilespmem:s1+$0xFFFFFF90]  }
0x14b: {  	v11 =	vld [tilespmem:s1+$0x60]  }
0x14c: {  	v15 =	vmul.f32 v10, v2;
	v10 =	vld [tilespmem:s1+$0xFFFFFFA0];
	v17 =	vmul.f32 v12, v2  }
0x14d: {  	s9 =	simm.s32 $0xD6E0;
	s8 =	simm.s32 $0x1;
	v12 =	vmul.f32 v14, v2;
	v14 =	vld [tilespmem:s1+$0xFFFFFFC0];
	v16 =	vmul.f32 v16, v2  }
.LBB2_7:
0x14e: {  	p0 =	sne.s32 s8, $0x9F  }
0x14f: {  	v13 =	vmul.f32 v13, v2;
	v18 =	vld [tilespmem:s1+$0x10];
	v8 =	vmul.f32 v8, v2;
	[tilespmem:s1+$0x90] =	vst v17;
	s9 =	sadd.s32 $0x140, s9;
	s12 =	smov.u32 s8;
	s8 =	sadd.s32 $0x1, s8  }
0x150: {  	v5 =	vmul.f32 v5, v2;
	[tilespmem:s1+$0xFFFFFF60] =	vst v15;
	v9 =	vmul.f32 v9, v2;
	v15 =	vld [tilespmem:s1+$0x0]  }
0x151: {  	v7 =	vmul.f32 v7, v2;
	v17 =	vld [tilespmem:s1+$0x20];
	v11 =	vmul.f32 v11, v2;
	[tilespmem:s1+$0x70] =	vst v16  }
0x152: {  	v6 =	vmul.f32 v6, v2;
	v16 =	vld [tilespmem:s9+$0xFFFFFFF0];
	v10 =	vmul.f32 v10, v2;
	[tilespmem:s1+$0x50] =	vst v8  }
0x153: {  	v4 =	vmul.f32 v4, v2;
	v8 =	vmul.f32 v14, v2;
	[tilespmem:s1+$0x80] =	vst v5  }
0x154: {  	v3 =	vmul.f32 v3, v2;
	[tilespmem:s1+$0xFFFFFF80] =	vst v12;
	v12 =	vmul.f32 v0, v2  }
0x155: {  	v14 =	vmul.f32 v15, v2;
	v15 =	vmul.f32 v18, v2;
	[tilespmem:s1+$0x40] =	vst v4  }
0x156: {  	v1 =	vmul.f32 v1, v2;
	[tilespmem:s1+$0xFFFFFFC0] =	vst v8;
	v4 =	vmul.f32 v17, v2  }
0x157: {  	[tilespmem:s1+$0xFFFFFFB0] =	vst v7;
	v0 =	vmov v16  }
0x158: {  	[tilespmem:s1+$0x30] =	vst v1  }
0x159: {  	[tilespmem:s1+$0x20] =	vst v4  }
0x15a: {  	v1 =	vld [tilespmem:s9+$0x30];
	[tilespmem:s1+$0xFFFFFF70] =	vst v13  }
0x15b: {  	v4 =	vld [tilespmem:s9+$0x40];
	[tilespmem:s1+$0xFFFFFFD0] =	vst v6  }
0x15c: {  	v16 =	vld [tilespmem:s9+$0x90];
	[tilespmem:s1+$0x60] =	vst v11  }
0x15d: {  	v5 =	vld [tilespmem:s9+$0x80];
	[tilespmem:s1+$0xFFFFFFA0] =	vst v10  }
0x15e: {  	v2 =	vmov s12;
	v8 =	vld [tilespmem:s9+$0x50];
	[tilespmem:s1+$0xFFFFFF90] =	vst v9  }
0x15f: {  	v18 =	vld [tilespmem:s9+$0x70];
	[tilespmem:s1+$0xFFFFFFF0] =	vst v12  }
0x160: {  	v10 =	vld [tilespmem:s9+$0xFFFFFF60];
	[tilespmem:s1+$0xFFFFFFE0] =	vst v3  }
0x161: {  	v3 =	vld [tilespmem:s9+$0xFFFFFFE0];
	[tilespmem:s1+$0x10] =	vst v15  }
0x162: {  	v7 =	vld [tilespmem:s9+$0xFFFFFFB0];
	[tilespmem:s1+$0x0] =	vst v14;
	s1 =	smov.u32 s9  }
0x163: {  	v2 =	vld.idx.msk [tilespmem:v2+s30+$0x0], $0xffff  }
0x164: {  	v12 =	vld [tilespmem:s9+$0xFFFFFF80]  }
0x165: {  	v6 =	vld [tilespmem:s9+$0xFFFFFFD0]  }
.Ltmp2:
0x166: {  	v13 =	vld [tilespmem:s9+$0xFFFFFF70];
	(pc) =	sbr.rel @p0 .LBB2_7-.Ltmp2, $4  }
0x167: {  	v9 =	vld [tilespmem:s9+$0xFFFFFF90]  }
0x168: {  	v11 =	vld [tilespmem:s9+$0x60]  }
0x169: {  	v15 =	vmul.f32 v10, v2;
	v17 =	vmul.f32 v16, v2;
	v10 =	vld [tilespmem:s9+$0xFFFFFFA0]  }
0x16a: {  	v16 =	vmul.f32 v18, v2;
	v12 =	vmul.f32 v12, v2;
	v14 =	vld [tilespmem:s9+$0xFFFFFFC0]  }
0x16b: {  	[tilespmem:s1+$0x90] =	vst v17  }
0x16c: {  	[tilespmem:s1+$0xFFFFFF60] =	vst v15  }
0x16d: {  	v8 =	vmul.f32 v8, v2;
	[tilespmem:s1+$0x70] =	vst v16  }
0x16e: {  	v5 =	vmul.f32 v5, v2;
	[tilespmem:s1+$0xFFFFFF80] =	vst v12  }
0x16f: {  	v4 =	vmul.f32 v4, v2;
	[tilespmem:s1+$0x50] =	vst v8  }
0x170: {  	v7 =	vmul.f32 v7, v2;
	[tilespmem:s1+$0x80] =	vst v5  }
0x171: {  	v1 =	vmul.f32 v1, v2;
	[tilespmem:s1+$0x40] =	vst v4  }
0x172: {  	v57 =	vmul.f32 v13, v2;
	[tilespmem:s1+$0xFFFFFFB0] =	vst v7  }
0x173: {  	v58 =	vmul.f32 v6, v2;
	[tilespmem:s1+$0x30] =	vst v1  }
0x174: {  	v0 =	vmul.f32 v0, v2;
	[tilespmem:s1+$0xFFFFFF70] =	vst v57  }
0x175: {  	v52 =	vld [tilespmem:s1+$0x20];
	v3 =	vmul.f32 v3, v2;
	[tilespmem:s1+$0xFFFFFFD0] =	vst v58  }
0x176: {  	v53 =	vld [tilespmem:s1+$0x10];
	v61 =	vmul.f32 v9, v2;
	[tilespmem:s1+$0xFFFFFFF0] =	vst v0  }
0x177: {  	v55 =	vld [tilespmem:s1+$0x0];
	v59 =	vmul.f32 v11, v2;
	[tilespmem:s1+$0xFFFFFFE0] =	vst v3  }
0x178: {  	v60 =	vmul.f32 v10, v2;
	[tilespmem:s1+$0xFFFFFF90] =	vst v61  }
0x179: {  	s11 =	sadd.s32 $0x1, s11;
	v54 =	vmul.f32 v14, v2;
	[tilespmem:s1+$0x60] =	vst v59  }
0x17a: {  	p0 =	sne.s32 s11, $0x5;
	v56 =	vmul.f32 v52, v2;
	[tilespmem:s1+$0xFFFFFFA0] =	vst v60  }
.Ltmp3:
0x17b: {  	v62 =	vmul.f32 v53, v2;
	[tilespmem:s1+$0xFFFFFFC0] =	vst v54;
	(pc) =	sbr.rel @p0 .LBB2_2-.Ltmp3, $4  }
0x17c: {  	s0 =	smul.u32 $0x28, s0;
	v63 =	vmul.f32 v55, v2;
	[tilespmem:s1+$0x20] =	vst v56  }
0x17d: {  	[tilespmem:s1+$0x10] =	vst v62  }
0x17e: {  	s0 =	sadd.s32 s2, s0;
	[tilespmem:s1+$0x0] =	vst v63  }
0x17f: {  	[hbm4b:s0+s3] =	stream.linear.scatter [tilespmem:s31], [sflag:$0x4], $0xC800, $0x38;
	[tilespmem:$0x19E40] =	vst v63  }
0x180: {  	_ =	swait.ge [sflag:s28], $0xC800  }
0x181: {  	[sflag:s28] =	ssyncset.done $0x0  }
0x182: {  	s1 =	simm.s32 $0x4;
	[sflag:s28] =	ssyncadd.s32 $0xFFFF3800  }
0x183: {  	_ =	swait.ge [sflag:s1], $0xC800  }
0x184: {  	s8 =	rddreg [dreg:$0x7]  }
0x185: {  	s0 =	rddreg [dreg:$0x6];
	s8 =	sadd.s32 $0x1, s8  }
0x186: {  	p0 =	sne.s32 s8, s0  }
.Ltmp4:
0x187: {  	_ = 	snop;
	(pc) =	sbr.rel @p0 .LBB2_1-.Ltmp4, $3  }
0x188: {  	_ =	sdelay $0x1  }
0x189: {  	[sflag:s1] =	ssyncset.done $0x0  }
0x18a: {  	[sflag:s1] =	ssyncadd.s32 $0xFFFF3800  }
0x18b: {  	_ =	sfence.sel $0x180000  }
0x18c: {  	[bflag:$0x0] =	sbarrier.arrive $0xFFFF  }
0x18d: {  	_ =	strace $0x90000047  }
0x18e: {  	s0 =	stileid.u32;
	[bflag:$0x2] =	sbarrier.arrive $0xFFFF  }
0x18f: {  	p0 =	sne.s32 s0, $0x0;
	s0 =	rddreg [dreg:$0x2]  }
0x190: {  	s0 =	sadd.s32 @!p0 $0x100000, s0  }
0x191: {  	[sflag:s0] =	ssyncadd.tile.s32 @!p0 $0x1;
	_ =	shalt  }
.Lfunc_end2:
_tile_overlayer_lowered:
.L_overlay_start_2:
0x192: {  	(tag) =	ssettag $0x2  }
0x193: {  	s0 =	rddreg [dreg:$0x0];
	s2 =	stileid.u32  }
0x194: {  	s1 =	rddreg [dreg:$0x1];
	p0 =	sne.s32 s2, $0x0  }
0x195: {  	s3 =	rddreg [dreg:$0x2];
	[bflag:$0x3] =	sbarrier.arrive $0xFFFF;
	s2 =	simm.s32 @!p0 $0x1C05  }
0x196: {  	[timem:s3], [sflag:s2] =	dma.local @!p0 [hbm:s0], s1  }
0x197: {  	s0 =	simm.s32 @!p0 $0x5  }
0x198: {  	_ =	swait.ge @!p0 [sflag:s0], s1  }
0x199: {  	s1 =	ssub.s32 @!p0 $0x0, s1;
	[sflag:s0] =	ssyncset.done @!p0 $0x0  }
0x19a: {  	[sflag:s0] =	ssyncadd.s32 @!p0 s1  }
0x19b: {  	[bflag:$0x3] =	sbarrier.arrive $0xFFFF  }
0x19c: {  	_ =	shalt  }

// kernel: sparse-core-data-format-call.cloned.1.call-start
scs
called_computation_lowered:
.L_overlay_start_0:
0x0: {  	s2 =	sld [smem:$0x3FD9]  }
0x1: {  	s3 =	sld [smem:$0x3FFE];
	_ =	sdelay $0x1  }
0x2: {  	s1 =	srdreg.scid  }
0x3: {  	s0 =	sand.u32 $0x1, s1  }
0x4: {  	s18 =	sshll.u32 s0, $0xA;
	s2 =	sadd.s32 s3, s2  }
0x5: {  	s2 =	sadd.s32 s2, s18  }
0x6: {  	[smem:$0x3FC5] =	sst s2  }
0x7: {  	_ = 	snop  }
0x8: {  	s2 =	sld [smem:$0x3FD0];
	(tm) =	ssettm $0x1  }
0x9: {  	s19 =	sld [smem:$0x3FFB];
	_ =	sdelay $0x3  }
0xa: {  	_ =	strace s19  }
0xb: {  	s3 =	sld [smem:$0x3FFC];
	_ =	sdelay $0x3  }
0xc: {  	_ =	strace s3  }
0xd: {  	s3 =	sld [smem:$0x3FFD];
	_ =	sdelay $0x3  }
0xe: {  	_ =	strace s3  }
0xf: {  	_ =	strace $0x8FFFFFFF  }
0x10: {  	s20 =	sld [smem:$0x3FDB];
	_ =	sdelay $0x1  }
0x11: {  	s4 =	simm.s32 $_scs_section_size  }
0x12: {  	s5 =	simm.s32 $_size__tile_overlayer_lowered;
	s6 =	simm.s32 $_tile_overlayer_lowered  }
0x13: {  	s23 =	simm.s32 $0x1BFF;
	s22 =	sshll.u32 s6, $0x1;
	s3 =	sadd.s32 s4, s20  }
0x14: {  	s7 =	simm.s32 $0x0;
	s21 =	sshll.u32 s5, $0x1;
	s5 =	sadd.s32 s22, s3  }
0x15: {  	[timem:s7], [sflag:s23] =	dma.local [hbm:s5], s21  }
0x16: {  	_ =	swait.ge [sflag:s23], s21  }
0x17: {  	s4 =	ssub.s32 $0x0, s21;
	[sflag:s23] =	ssyncset.done $0x0  }
0x18: {  	[sflag:s23] =	ssyncadd.s32 s4;
	_ =	sdelay $0x1  }
0x19: {  	s24 =	simm.s32 $0x1B8B  }
0x1a: {  	_ =	swait.ge [sflag:s24], $0x1  }
0x1b: {  	[sflag:s24] =	ssyncset.done $0x0  }
0x1c: {  	s26 =	simm.s32 $0x1B8E;
	s25 =	sld [smem:$0x3FFE];
	[sflag:s24] =	ssyncadd.s32 $0xFFFFFFFF  }
0x1d: {  	s27 =	simm.s32 $execute0_lowered;
	[smem:$0x3FD2] =	sst s26  }
0x1e: {  	s5 =	sshll.u32 s27, $0x1;
	_ =	strace $0x80000049;
	[dreg:$0x1] =	wrdreg $0xFFFFFFFF  }
0x1f: {  	s28 =	simm.s32 $_size_execute0_lowered;
	s3 =	sadd.s32 s3, s5;
	[dreg:$0x0] =	wrdreg $0x0  }
0x20: {  	s5 =	sshll.u32 s28, $0x1;
	[dreg:$0x2] =	wrdreg s3  }
0x21: {  	[dreg:$0x3] =	wrdreg s5  }
0x22: {  	[dreg:$0x4] =	wrdreg $0xC0  }
0x23: {  	_ =	task [dreg:s7], $0x5FFFF  }
0x24: {  	[dreg:$0x1] =	wrdreg $0xFFFFFFFF  }
0x25: {  	[dreg:$0x0] =	wrdreg $0x60  }
0x26: {  	[dreg:$0x2] =	wrdreg s25  }
0x27: {  	[dreg:$0x3] =	wrdreg s2  }
0x28: {  	[dreg:$0x4] =	wrdreg $0x9  }
0x29: {  	_ =	task.clear_ibuf [dreg:s7], $0x5FFFF;
	_ =	strace $0x90000049  }
0x2a: {  	s29 =	simm.s32 $0x9;
	_ =	strace $0x8000004B  }
0x2b: {  	_ =	swait.ge [sflag:s29], $0x1  }
0x2c: {  	[sflag:s29] =	ssyncadd.s32 $0xFFFFFFFF  }
0x2d: {  	_ =	strace $0x9000004B  }
0x2e: {  	_ =	sfence  }
0x2f: {  	s30 =	sld [smem:$0x0];
	_ =	sdelay $0x2  }
0x30: {  	s31 =	sshll.u32 s1, $0xD;
	s1 =	sshrl.u32 s1, $0x2  }
0x31: {  	s3 =	sand.u32 $0x4000, s31;
	s1 =	sadd.s32 s1, s30  }
0x32: {  	s0 =	sor.u32 s3, s0;
	s1 =	sshll.u32 s1, $0x11  }
0x33: {  	s0 =	sor.u32 s1, s0  }
0x34: {  	s0 =	sadd.s32 $0x8F2B, s0  }
0x35: {  	[sflag:s0] =	ssyncadd.remote.s32 $0x1  }
0x36: {  	_ =	sfence.sel $0xFFFF  }
0x37: {  	[dreg:$0x0] =	wrdreg $0xFFFFFFFF;
	(pc) =	sbr.abs _section_cstart, $3  }
0x38: {  	[dreg:$0x1] =	wrdreg $0xFFFFFFFF  }
0x39: {  	_ =	task.clear_ibuf [dreg:s7], $0x2FFFF;
	_ =	strace $0x9FFFFFFF  }
0x3a: {  	(tm) =	ssettm $0x7FFFFFFF  }
0x3b: {  	_ =	shalt  }
tec
execute0_lowered:
.L_overlay_start_1:
0x0: {  	(tag) =	ssettag $0x1  }
0x1: {  	s0 =	stileid.u32  }
0x2: {  	s1 =	srdreg.scid;
	s7 =	rddreg [dreg:$0x0]  }
0x3: {  	s8 =	simm.s32 $0x2;
	s17 =	simm.s32 $0x0;
	s2 =	sshll.u32 s0, $0x7  }
0x4: {  	s9 =	simm.s32 $0x2000;
	s3 =	sshll.u32 s1, $0x4;
	s1 =	sand.u32 $0x380, s2  }
0x5: {  	s19 =	simm.s32 $0x0;
	s30 =	sand.u32 $0x10, s3;
	s31 =	ssub.s32 $0x400, s1  }
0x6: {  	s18 =	simm.s32 $0x0;
	s2 =	sor.u32 s0, s30;
	s4 =	sand.u32 $0x380, s31  }
0x7: {  	s2 =	sshrl.u32 s2, $0x3;
	p0 =	sne.s32 s4, $0x0;
	s4 =	simm.s32 $0x1  }
0x8: {  	s3 =	sshrl.u32 s31, $0xA;
	s5 =	ssub.s32 $0x35, s2;
	s4 =	simm.s32 @!p0 $0x0  }
0x9: {  	s10 =	simm.s32 $0x0;
	s5 =	sshrl.u32 s5, $0x2;
	s3 =	sadd.s32 s4, s3  }
0xa: {  	s11 =	simm.s32 $0x0;
	s12 =	simm.s32 $0x0;
	s6 =	smul.u32 s3, s5  }
.Ltmp0:
0xb: {  	s13 =	simm.s32 $0x0;
	s4 =	rddreg [dreg:$0x1];
	(pc) =	sbr.rel .LBB1_1-.Ltmp0, $4  }
0xc: {  	s16 =	simm.s32 $0x0;
	s7 =	sadd.s32 $0x800, s7;
	s3 =	rddreg [dreg:$0x2]  }
0xd: {  	_ =	strace $0x8000004A;
	s5 =	simm.s32 $0x1;
	s6 =	smul.u32 $0x3, s6  }
0xe: {  	s15 =	smov.u32 s1;
	s14 =	smov.u32 s2;
	[sflag:s5] =	ssyncpa.u1 $0x0  }
0xf: {  	p0 =	por $0x0, $0x0;
	[sflag:s8] =	ssyncpa.u1 $0x0;
	s8 =	sadd.s32 $0x1, s6  }
.LBB1_4:
0x10: {  	s25 =	sshll.u32 s10, $0xA;
	s24 =	sshra.s32 s24, $0x2;
	s26 =	sshll.u32 s12, $0x3  }
0x11: {  	p1 =	sgt.s32 s11, $0x31;
	s27 =	smov.u32 s11;
	s28 =	sshra.s32 s11, $0x1F  }
0x12: {  	p2 =	sgt.s32 s12, $0x380;
	s31 =	sshra.s32 s12, $0x1F;
	s25 =	sand.u32 $0xFFFFE000, s25  }
0x13: {  	s26 =	sand.u32 $0xFFFFFC00, s26;
	s27 =	simm.s32 @!p1 $0x31;
	s28 =	sand.u32 s28, s11  }
0x14: {  	[tilespmem:s22+$0x2040 ss:$0x81] =	vst.msk $0xffff, v4;
	s23 =	sadd.s32 s24, s23;
	s29 =	sadd.s32 s26, s25;
	s25 =	ssub.s32 s27, s28  }
0x15: {  	[tilespmem:s22+$0x2850 ss:$0x81] =	vst.msk $0xffff, v3;
	s27 =	smov.u32 s12;
	s28 =	smov.u32 s10;
	s26 =	sand.u32 s31, s12  }
0x16: {  	[tilespmem:s22+$0x3060 ss:$0x81] =	vst.msk $0xffff, v2;
	s24 =	sshrl.u32 s29, $0xA;
	s30 =	sadd.s32 $0xFFFFFFCF, s25;
	s27 =	simm.s32 @!p2 $0x380  }
0x17: {  	v5 =	vld [tilespmem:s21+$0xFFFFFFD0];
	[tilespmem:s22+$0x0 ss:$0x81] =	vst.msk $0xffff, v1;
	p2 =	sgt.s32 s10, $0xC0;
	s29 =	sshra.s32 s10, $0x1F;
	s22 =	ssub.s32 $0x32, s25  }
0x18: {  	v58 =	vld [tilespmem:s21+$0xFFFFFFE0];
	p1 =	sgt.s32 s30, $0x0;
	s28 =	simm.s32 @!p2 $0xC0;
	s29 =	sand.u32 s29, s10  }
0x19: {  	v59 =	vld [tilespmem:s21+$0xFFFFFFF0];
	s26 =	ssub.s32 s27, s26;
	s27 =	smulhi.u32 $0xCCCCCD, s24;
	s28 =	ssub.s32 s28, s29  }
0x1a: {  	v60 =	vld [tilespmem:s21+$0x0];
	s30 =	sadd.s32 $0xFFFFFC80, s26;
	s25 =	ssub.s32 $0x400, s26;
	s22 =	simm.s32 @p1 $0x0  }
0x1b: {  	v61 =	vld [tilespmem:s21+$0x10];
	[tilespmem:s23+$0x3870 ss:$0x81] =	vst.msk $0xffff, v0;
	s29 =	sand.u32 $0x78, s12;
	p2 =	sgt.s32 s30, $0x7F;
	s31 =	sadd.s32 $0xFFFFFF40, s28  }
0x1c: {  	v62 =	vld [tilespmem:s21+$0x20];
	[tilespmem:s23+$0x810 ss:$0x81] =	vst.msk $0xffff, v5;
	s27 =	smul.u32 $0x140, s27;
	s30 =	sshll.u32 s10, $0x7;
	s28 =	ssub.s32 $0x140, s28  }
0x1d: {  	v63 =	vld [tilespmem:s21+$0xFFFFFFC0];
	[tilespmem:s23+$0x1020 ss:$0x81] =	vst.msk $0xffff, v58;
	s25 =	simm.s32 @p2 $0x0;
	p1 =	sgt.s32 s31, $0x7F;
	s31 =	smul.u32 $0xA000, s11  }
0x1e: {  	[tilespmem:s23+$0x1830 ss:$0x81] =	vst.msk $0xffff, v59;
	s21 =	sand.u32 $0x380, s30;
	s22 =	smul.u32 s25, s22;
	s28 =	simm.s32 @p1 $0x0  }
0x1f: {  	[tilespmem:s23+$0x2040 ss:$0x81] =	vst.msk $0xffff, v60;
	s21 =	sor.u32 s29, s21;
	s24 =	ssub.s32 s24, s27;
	s29 =	sand.u32 $0x7, s12  }
0x20: {  	[tilespmem:s23+$0x2850 ss:$0x81] =	vst.msk $0xffff, v61;
	s21 =	sshrl.u32 s21, $0x3;
	s25 =	sadd.s32 s4, s31;
	s22 =	smul.u32 s28, s22  }
0x21: {  	[tilespmem:s23+$0x3060 ss:$0x81] =	vst.msk $0xffff, v62;
	s24 =	sshll.u32 s24, $0x7;
	s30 =	sshll.u32 s29, $0x12;
	s21 =	sadd.s32 s21, s25  }
0x22: {  	[tilespmem:s23+$0x0 ss:$0x81] =	vst.msk $0xffff, v63;
	s31 =	sor.u32 $0x400, s30;
	s21 =	sadd.s32 s24, s21;
	s22 =	sand.u32 $0x3FFFFFFF, s22  }
0x23: {  	[hbm4b:s21+s31] =	stream.strided.scatter [tilespmem:s20], [sflag:$0x2], s22, s9, s31, $0x20;
	[tilespmem:$0x10100] =	vst v63  }
.LBB1_5:
0x24: {  	p1 =	slt.u32 s16, $0x2  }
0x25: {  	p2 =	sgt.s32 @!p1 s19, $0x31  }
0x26: {  	s20 =	smov.u32 s19;
	s21 =	sshra.s32 @!p1 s19, $0x1F;
	p2 =	por !p2, p1  }
0x27: {  	s19 =	sand.u32 @!p1 s21, s19;
	s20 =	simm.s32 @p2 $0x31  }
0x28: {  	p3 =	sgt.s32 @!p1 s18, $0x380;
	s19 =	ssub.s32 @!p1 s20, s19  }
0x29: {  	p3 =	por !p3, p1;
	s21 =	sshra.s32 @!p1 s18, $0x1F;
	s20 =	sadd.s32 @!p1 $0xFFFFFFCF, s19  }
0x2a: {  	s19 =	ssub.s32 @!p1 $0x32, s19;
	p2 =	sgt.s32 @!p1 s20, $0x0;
	s20 =	smov.u32 s18  }
0x2b: {  	s18 =	sand.u32 @!p1 s21, s18;
	s20 =	simm.s32 @p3 $0x380;
	p3 =	sgt.s32 @!p1 s17, $0xC0  }
0x2c: {  	s21 =	smov.u32 s17;
	p2 =	por !p2, p1;
	p3 =	por !p3, p1  }
0x2d: {  	s18 =	ssub.s32 @!p1 s20, s18;
	s20 =	sshra.s32 @!p1 s17, $0x1F;
	s19 =	simm.s32 @!p2 $0x0  }
0x2e: {  	s21 =	simm.s32 @p3 $0xC0;
	s17 =	sand.u32 @!p1 s20, s17;
	s20 =	sadd.s32 @!p1 $0xFFFFFC80, s18  }
0x2f: {  	s18 =	ssub.s32 @!p1 $0x400, s18;
	s17 =	ssub.s32 @!p1 s21, s17;
	p2 =	sgt.s32 @!p1 s20, $0x7F  }
0x30: {  	s21 =	smov.u32 s14;
	s20 =	sadd.s32 @!p1 $0xFFFFFF40, s17;
	p2 =	por !p2, p1  }
0x31: {  	s17 =	ssub.s32 @!p1 $0x140, s17;
	p3 =	sgt.s32 @!p1 s20, $0x7F;
	s18 =	simm.s32 @!p2 $0x0  }
0x32: {  	s20 =	sadd.s32 $0x80, s13;
	p2 =	por !p3, p1;
	s18 =	smul.u32 @!p1 s18, s19  }
0x33: {  	s19 =	sadd.s32 $0x4, s14;
	s17 =	simm.s32 @!p2 $0x0;
	p2 =	sgt.s32 s20, $0x13F  }
0x34: {  	s22 =	smov.u32 s15;
	s21 =	smov.u32 @p2 s19  }
0x35: {  	s17 =	smul.u32 @!p1 s17, s18;
	s18 =	sadd.s32 $0x400, s15;
	p3 =	sgt.s32 s21, $0x31  }
0x36: {  	p0 =	por !p0, !p0;
	s23 =	simm.s32 @!p1 $0x2;
	s22 =	smov.u32 @p3 s18  }
0x37: {  	s20 =	simm.s32 @p2 $0x0;
	s19 =	smov.u32 s11;
	p2 =	sgt.s32 s22, $0x3FF  }
0x38: {  	s11 =	smov.u32 s14;
	s22 =	smov.u32 @p2 s1;
	p2 =	sne.s32 s16, s8  }
.Ltmp1:
0x39: {  	s17 =	sand.u32 @!p1 $0x3FFFFFFF, s17;
	s21 =	smov.u32 @p3 s2;
	(pc) =	sbr.rel @!p2 .LBB1_6-.Ltmp1, $4  }
0x3a: {  	s18 =	smov.u32 s12;
	s12 =	smov.u32 s15;
	_ =	swait.ge @!p1 [sflag:s23], s17  }
0x3b: {  	s24 =	ssub.s32 @!p1 $0x0, s17;
	s17 =	smov.u32 s10;
	s10 =	smov.u32 s13  }
0x3c: {  	s13 =	smov.u32 s20;
	s14 =	smov.u32 s21;
	[sflag:s23] =	ssyncset.done @!p1 $0x0  }
0x3d: {  	s16 =	sadd.s32 $0x1, s16;
	[sflag:s23] =	ssyncadd.s32 @!p1 s24;
	s15 =	smov.u32 s22  }
.LBB1_1:
0x3e: {  	p1 =	sge.u32 s16, s6  }
0x3f: {  	s20 =	sshrl.u32 @!p1 s14, $0x3  }
0x40: {  	s21 =	sshll.u32 @!p1 s13, $0x3;
	s20 =	smul.u32 @!p1 $0xC00, s20  }
0x41: {  	s22 =	sshll.u32 @!p1 s14, $0x7;
	s21 =	sand.u32 @!p1 $0xFFFFFC00, s21  }
0x42: {  	s20 =	sadd.s32 @!p1 s20, s21;
	s21 =	sand.u32 @!p1 $0x380, s22  }
0x43: {  	s20 =	sor.u32 @!p1 s21, s20  }
0x44: {  	s21 =	sand.u32 @!p1 $0x7F, s13;
	s22 =	smulhi.u32 @!p1 $0xAAAAAAAB, s20  }
0x45: {  	s20 =	sor.u32 @!p1 s21, s20  }
0x46: {  	s21 =	smulhi.u32 @!p1 $0xAAAAAAAB, s20;
	s22 =	sshrl.u32 @!p1 s22, $0x8  }
0x47: {  	s23 =	smulhi.u32 @!p1 $0x4924925, s22;
	_ =	sdelay $0x1  }
0x48: {  	s21 =	sshrl.u32 @!p1 s21, $0x8;
	s23 =	smul.u32 @!p1 $0x38, s23  }
0x49: {  	s31 =	sadd.s32 $0xFFFFFFFF, s16;
	s21 =	smul.u32 @!p1 $0x180, s21  }
0x4a: {  	s24 =	sxor.u32 @!p1 $0xFFFFFFFF, s16;
	s22 =	ssub.s32 @!p1 s22, s23;
	s23 =	smul.u32 @!p1 $0xA80, s15  }
0x4b: {  	s24 =	sshll.u32 @!p1 s24, $0xE;
	s20 =	ssub.s32 @!p1 s20, s21;
	s21 =	smul.u32 @!p1 $0x30, s22  }
0x4c: {  	s22 =	sand.u32 @!p1 $0x4000, s24;
	s24 =	sand.u32 @!p1 $0x7, s20;
	s23 =	sadd.s32 @!p1 s7, s23  }
0x4d: {  	s20 =	sshrl.u32 @!p1 s20, $0x3;
	s21 =	sadd.s32 @!p1 s21, s23;
	s23 =	sshll.u32 @!p1 s24, $0x12  }
0x4e: {  	s20 =	sadd.s32 @!p1 s20, s21;
	s21 =	sor.u32 @!p1 $0x80, s23;
	s23 =	simm.s32 @!p1 $0x5400  }
0x4f: {  	[tilespmem:s22], [sflag:$0x1] =	stream.strided.gather @!p1 [hbm4b:s20+s21], $0x4000, s23, s21, $0x38;
	[tilespmem:$0x10100] =	vst v63  }
0x50: {  	p1 =	sge.u32 s31, s6  }
.Ltmp2:
0x51: {  	_ = 	snop;
	(pc) =	sbr.rel @p1 .LBB1_5-.Ltmp2, $1  }
0x52: {  	_ =	sdelay $0x3  }
0x53: {  	s20 =	simm.s32 $0x1  }
0x54: {  	_ =	swait.ge [sflag:s5], $0x4000;
	s20 =	simm.s32 @!p0 $0x0  }
0x55: {  	[sflag:s5] =	ssyncset.done $0x0;
	s21 =	sshll.u32 s20, $0xE  }
0x56: {  	[sflag:s5] =	ssyncadd.s32 $0xFFFFC000;
	s21 =	sor.u32 $0x40, s21  }
0x57: {  	s20 =	smul.u32 $0x10200, s20;
	v0 =	vld [tilespmem:s21+$0x30]  }
0x58: {  	v1 =	vld [tilespmem:s21+$0xFFFFFFD0]  }
0x59: {  	s20 =	sshrl.u32 s20, $0x2;
	v5 =	vld [tilespmem:s21+$0xFFFFFFE0]  }
0x5a: {  	v6 =	vld [tilespmem:s21+$0xFFFFFFF0];
	s23 =	sor.u32 $0x8000, s20  }
0x5b: {  	s31 =	sand.u32 $0x1, s16;
	v4 =	vld [tilespmem:s21+$0x0];
	s22 =	sadd.s32 $0x0, s23  }
0x5c: {  	v3 =	vld [tilespmem:s21+$0x10];
	s20 =	smul.u32 $0x10200, s31;
	[tilespmem:s22+$0x3870 ss:$0x81] =	vst.msk $0xffff, v0  }
0x5d: {  	v2 =	vld [tilespmem:s21+$0x20];
	[tilespmem:s22+$0x810 ss:$0x81] =	vst.msk $0xffff, v1  }
0x5e: {  	s20 =	sshrl.u32 s20, $0x2;
	v1 =	vld [tilespmem:s21+$0xFFFFFFC0];
	[tilespmem:s22+$0x1020 ss:$0x81] =	vst.msk $0xffff, v5;
	s21 =	sadd.s32 $0x80, s21  }
0x5f: {  	s24 =	simm.s32 $0x4;
	s25 =	simm.s32 $0x8;
	s20 =	sor.u32 $0x8000, s20;
	[tilespmem:s22+$0x1830 ss:$0x81] =	vst.msk $0xffff, v6;
	v0 =	vld [tilespmem:s21+$0x30]  }
.LBB1_3:
0x60: {  	p1 =	sne.s32 s25, $0x1FC;
	v5 =	vld [tilespmem:s21+$0xFFFFFFD0];
	[tilespmem:s22+$0x2040 ss:$0x81] =	vst.msk $0xffff, v4  }
0x61: {  	v6 =	vld [tilespmem:s21+$0xFFFFFFE0];
	[tilespmem:s22+$0x2850 ss:$0x81] =	vst.msk $0xffff, v3  }
0x62: {  	s26 =	sshra.s32 s24, $0x2;
	s24 =	smov.u32 s25;
	v7 =	vld [tilespmem:s21+$0xFFFFFFF0];
	[tilespmem:s22+$0x3060 ss:$0x81] =	vst.msk $0xffff, v2  }
.Ltmp3:
0x63: {  	v4 =	vld [tilespmem:s21+$0x0];
	[tilespmem:s22+$0x0 ss:$0x81] =	vst.msk $0xffff, v1;
	s22 =	sadd.s32 s26, s23;
	(pc) =	sbr.rel @p1 .LBB1_3-.Ltmp3, $4  }
0x64: {  	v3 =	vld [tilespmem:s21+$0x10];
	[tilespmem:s22+$0x3870 ss:$0x81] =	vst.msk $0xffff, v0  }
0x65: {  	[tilespmem:s22+$0x810 ss:$0x81] =	vst.msk $0xffff, v5;
	v2 =	vld [tilespmem:s21+$0x20]  }
0x66: {  	v1 =	vld [tilespmem:s21+$0xFFFFFFC0];
	[tilespmem:s22+$0x1020 ss:$0x81] =	vst.msk $0xffff, v6;
	s21 =	sadd.s32 $0x80, s21  }
0x67: {  	s25 =	sadd.s32 $0x4, s25;
	v0 =	vld [tilespmem:s21+$0x30];
	[tilespmem:s22+$0x1830 ss:$0x81] =	vst.msk $0xffff, v7  }
.Ltmp4:
0x68: {  	_ = 	snop;
	(pc) =	sbr.rel .LBB1_4-.Ltmp4, $1  }
0x69: {  	_ =	sdelay $0x3  }
.LBB1_6:
0x6a: {  	_ =	sfence.sel $0x180000  }
0x6b: {  	s1 =	simm.s32 $0x1;
	[bflag:$0x0] =	sbarrier.arrive $0xFFFF  }
0x6c: {  	s31 =	simm.s32 $0x2;
	[sflag:s1] =	ssyncpa.u1 $0x1  }
0x6d: {  	[sflag:s31] =	ssyncpa.u1 $0x1  }
0x6e: {  	p0 =	sne.s32 s0, $0x0;
	_ =	strace $0x9000004A  }
0x6f: {  	s0 =	sadd.s32 @!p0 $0x100000, s3;
	[bflag:$0x2] =	sbarrier.arrive $0xFFFF  }
0x70: {  	[sflag:s0] =	ssyncadd.tile.s32 @!p0 $0x1;
	_ =	shalt  }
.Lfunc_end1:
_tile_overlayer_lowered:
.L_overlay_start_2:
0x71: {  	(tag) =	ssettag $0x2  }
0x72: {  	s0 =	rddreg [dreg:$0x0];
	s2 =	stileid.u32  }
0x73: {  	s1 =	rddreg [dreg:$0x1];
	p0 =	sne.s32 s2, $0x0  }
0x74: {  	s3 =	rddreg [dreg:$0x2];
	[bflag:$0x3] =	sbarrier.arrive $0xFFFF;
	s2 =	simm.s32 @!p0 $0x1C01  }
0x75: {  	[timem:s3], [sflag:s2] =	dma.local @!p0 [hbm:s0], s1  }
0x76: {  	s0 =	simm.s32 @!p0 $0x1  }
0x77: {  	_ =	swait.ge @!p0 [sflag:s0], s1  }
0x78: {  	s1 =	ssub.s32 @!p0 $0x0, s1;
	[sflag:s0] =	ssyncset.done @!p0 $0x0  }
0x79: {  	[sflag:s0] =	ssyncadd.s32 @!p0 s1  }
0x7a: {  	[bflag:$0x3] =	sbarrier.arrive $0xFFFF  }
0x7b: {  	_ =	shalt  }

</sc_bundles>
